<compile_context>
chip_gen: v7x
topology: tpu7x:2x2x1
jax: 0.10.2.dev20260603
libtpu: 0.0.44.dev20260713+nightly
codegen_flags: <defaults>
</compile_context>

<pallas_src>
import functools

import jax
import jax.numpy as jnp
from jax import lax
from jax.experimental import pallas as pl
from jax.experimental.pallas import tpu as pltpu
from jax.experimental.pallas import tpu_sc as plsc

_BATCH = 16384
_HIST = 20
_DIM = 64

_info = plsc.get_sparse_core_info()
_NC, _NS = _info.num_cores, _info.num_subcores
_NW = _NC * _NS
_BPW = _BATCH // _NW
_NBUF = 3


@functools.partial(
    pl.kernel,
    mesh=plsc.VectorSubcoreMesh(core_axis_name="c", subcore_axis_name="s"),
    out_type=jax.ShapeDtypeStruct((_BATCH, _HIST, _DIM), jnp.float32),
    compiler_params=pltpu.CompilerParams(use_tc_tiling_on_sc=False),
    scratch_types=[
        pltpu.VMEM((_HIST, _BPW), jnp.int32),
        pltpu.VMEM((_NBUF, _BPW, _DIM), jnp.float32),
        pltpu.SemaphoreType.DMA((_NBUF,)),
        pltpu.SemaphoreType.DMA((_NBUF,)),
    ],
)
def _gather_rows(xt_hbm, table_hbm, out_hbm, idx_v, rows, sem_g, sem_o):
    wid = lax.axis_index("s") * _NC + lax.axis_index("c")
    b0 = wid * _BPW
    pltpu.sync_copy(xt_hbm.at[:, pl.ds(b0, _BPW)], idx_v)

    def gather(h):
        b = h % _NBUF
        return pltpu.async_copy(
            table_hbm.at[idx_v.at[h]], rows.at[b], sem_g.at[b]
        )

    def writeout(h):
        b = h % _NBUF
        return pltpu.async_copy(
            rows.at[b],
            out_hbm.at[pl.ds(b0, _BPW), h],
            sem_o.at[b],
        )

    cp_g = [None] * _HIST
    cp_o = [None] * _HIST
    for b in range(_NBUF):
        cp_g[b] = gather(b)
    for h in range(_HIST):
        if h > 0:
            cp_o[h - 1].wait()
            nxt = h - 1 + _NBUF
            if nxt < _HIST:
                cp_g[nxt] = gather(nxt)
        cp_g[h].wait()
        cp_o[h] = writeout(h)
    cp_o[_HIST - 1].wait()


def kernel(x, table):
    return _gather_rows(x.T, table)

# --- scband reference (transcript-rebuilt; emitter-appended) ---
"""Pipeline reference for scband-emb-10840497455328 (READ-ONLY COPY).

The authoritative reference and input builder live on the scoring server;
editing this copy changes nothing except your own understanding.
"""

import jax, jax.numpy as jnp
import numpy as np

VOCAB = 1000000
DIM = 64
PAD = 0
BATCH = 16384
HIST = 20


def setup_inputs(seed: int = 0) -> dict:
    key = jax.random.key(seed)
    k_idx, k_tab = jax.random.split(key)
    x = jax.random.randint(k_idx, (BATCH, HIST), 0, VOCAB, dtype=jnp.int32)
    table = jax.random.normal(k_tab, (VOCAB, DIM), dtype=jnp.float32)
    # torch.nn.Embedding with padding_idx zeroes the pad row at init
    table = table.at[PAD].set(0.0)
    return {"x": x, "table": table}


def reference(x, table):
    # Faithful translation of nn.Embedding(vocab, dim, padding_idx=PAD) forward:
    # a pure row gather from the embedding table.
    return jnp.take(table, x, axis=0)

if __name__ == "__main__":
    import jax
    _d = setup_inputs()
    print(jax.jit(kernel)(*tuple(_d.values())))

</pallas_src>

<mosaic_0001>
#map = affine_map<(d0, d1) -> (0, 0)>
#map1 = affine_map<(d0, d1) -> (0, 0, 0)>
module attributes {stable_mosaic.version = 14 : i64} {
  func.func @_gather_rows(%arg0: i32, %arg1: i32, %arg2: memref<20x16384xi32, #tpu.memory_space<hbm>>, %arg3: memref<1000000x64xf32, #tpu.memory_space<hbm>>, %arg4: memref<16384x20x64xf32, #tpu.memory_space<hbm>>, %arg5: memref<20x512xi32, #tpu.memory_space<vmem>>, %arg6: memref<3x512x64xf32, #tpu.memory_space<vmem>>, %arg7: memref<3x!tpu.dma_semaphore, #tpu.memory_space<semaphore_mem>>, %arg8: memref<3x!tpu.dma_semaphore, #tpu.memory_space<semaphore_mem>>) attributes {dimension_semantics = [#tpu.dimension_semantics<core_parallel>, #tpu.dimension_semantics<subcore_parallel>], iteration_bounds = array<i64: 2, 16>, scalar_prefetch = 0 : i64, scratch_operands = 4 : i64, tpu.core_type = #tpu.core_type<sc_vector_subcore>, window_params = [{transform_indices = #map}, {transform_indices = #map}, {transform_indices = #map1}]} {
    %mul3A = arith.constant 2 : i32
    %mul3A_0 = arith.muli %arg1, %mul3A : i32
    %add3A = arith.addi %mul3A_0, %arg0 : i32
    %mul3A_1 = arith.constant 512 : i32
    %mul3A_2 = arith.muli %add3A, %mul3A_1 : i32
    "tpu.region"() ({
      %run_scoped3A = tpu.sem_alloc : memref<!tpu.dma_semaphore, #tpu.memory_space<semaphore_mem>>
      %dma_start3A_1361 = arith.constant 0 : i32
      %dma_start3A_1362 = tpu.memref_slice %arg2[%dma_start3A_1361, %mul3A_2] : memref<20x16384xi32, #tpu.memory_space<hbm>> -> memref<20x512xi32, #tpu.memory_space<hbm>>
      %dma_start3A_1363 = arith.constant 0 : i32
      %dma_start3A_1364 = tpu.memref_slice %arg2[%dma_start3A_1363, %mul3A_2] : memref<20x16384xi32, #tpu.memory_space<hbm>> -> memref<20x512xi32, #tpu.memory_space<hbm>>
      tpu.enqueue_dma source(%dma_start3A_1364 : memref<20x512xi32, #tpu.memory_space<hbm>>) target(%arg5 : memref<20x512xi32, #tpu.memory_space<vmem>>) target_semaphore(%run_scoped3A : memref<!tpu.dma_semaphore, #tpu.memory_space<semaphore_mem>>)
      %dma_wait3A_1365 = arith.constant 0 : i32
      %dma_wait3A_1366 = tpu.memref_slice %arg2[%dma_wait3A_1365, %mul3A_2] : memref<20x16384xi32, #tpu.memory_space<hbm>> -> memref<20x512xi32, #tpu.memory_space<hbm>>
      %dma_wait3A_1367 = arith.constant 0 : i32
      %dma_wait3A_1368 = tpu.memref_slice %arg2[%dma_wait3A_1367, %mul3A_2] : memref<20x16384xi32, #tpu.memory_space<hbm>> -> memref<20x512xi32, #tpu.memory_space<hbm>>
      tpu.wait_dma2 semaphore(%run_scoped3A : memref<!tpu.dma_semaphore, #tpu.memory_space<semaphore_mem>>) src(%dma_wait3A_1368 : memref<20x512xi32, #tpu.memory_space<hbm>>) dst(%arg5 : memref<20x512xi32, #tpu.memory_space<vmem>>)
      tpu.yield
    }) : () -> ()
    %dma_start3A = arith.constant 0 : i32
    %dma_start3A_3 = arith.constant 0 : i32
    %dma_start3A_4 = arith.constant 0 : i32
    %dma_start3A_5 = arith.constant 0 : i32
    %dma_start3A_6 = arith.constant 0 : i32
    %dma_start3A_7 = tpu.memref_slice %arg6[%dma_start3A_3, %dma_start3A_5, %dma_start3A_6] : memref<3x512x64xf32, #tpu.memory_space<vmem>> -> memref<1x512x64xf32, #tpu.memory_space<vmem>>
    %dma_start3A_8 = tpu.memref_squeeze %dma_start3A_7 : memref<1x512x64xf32, #tpu.memory_space<vmem>> -> memref<512x64xf32, #tpu.memory_space<vmem>>
    %dma_start3A_9 = arith.constant 0 : i32
    %dma_start3A_10 = tpu.memref_slice %arg5[%dma_start3A, %dma_start3A_9] : memref<20x512xi32, #tpu.memory_space<vmem>> -> memref<1x512xi32, #tpu.memory_space<vmem>>
    %dma_start3A_11 = tpu.memref_squeeze %dma_start3A_10 : memref<1x512xi32, #tpu.memory_space<vmem>> -> memref<512xi32, #tpu.memory_space<vmem>>
    %dma_start3A_12 = arith.constant 0 : i32
    %dma_start3A_13 = arith.constant 0 : i32
    %dma_start3A_14 = tpu.memref_slice %arg3[%dma_start3A_12, %dma_start3A_13] : memref<1000000x64xf32, #tpu.memory_space<hbm>> -> memref<1000000x64xf32, #tpu.memory_space<hbm>>
    %dma_start3A_15 = tpu.memref_slice %arg7[%dma_start3A_4] : memref<3x!tpu.dma_semaphore, #tpu.memory_space<semaphore_mem>> -> memref<1x!tpu.dma_semaphore, #tpu.memory_space<semaphore_mem>>
    %dma_start3A_16 = tpu.memref_squeeze %dma_start3A_15 : memref<1x!tpu.dma_semaphore, #tpu.memory_space<semaphore_mem>> -> memref<!tpu.dma_semaphore, #tpu.memory_space<semaphore_mem>>
    tpu.enqueue_indirect_dma source(%dma_start3A_14 : memref<1000000x64xf32, #tpu.memory_space<hbm>>) target(%dma_start3A_8 : memref<512x64xf32, #tpu.memory_space<vmem>>) offsets(%dma_start3A_11 : memref<512xi32, #tpu.memory_space<vmem>>) semaphore(%dma_start3A_16 : memref<!tpu.dma_semaphore, #tpu.memory_space<semaphore_mem>>)
    %dma_start3A_17 = arith.constant 1 : i32
    %dma_start3A_18 = arith.constant 1 : i32
    %dma_start3A_19 = arith.constant 1 : i32
    %dma_start3A_20 = arith.constant 0 : i32
    %dma_start3A_21 = arith.constant 0 : i32
    %dma_start3A_22 = tpu.memref_slice %arg6[%dma_start3A_18, %dma_start3A_20, %dma_start3A_21] : memref<3x512x64xf32, #tpu.memory_space<vmem>> -> memref<1x512x64xf32, #tpu.memory_space<vmem>>
    %dma_start3A_23 = tpu.memref_squeeze %dma_start3A_22 : memref<1x512x64xf32, #tpu.memory_space<vmem>> -> memref<512x64xf32, #tpu.memory_space<vmem>>
    %dma_start3A_24 = arith.constant 0 : i32
    %dma_start3A_25 = tpu.memref_slice %arg5[%dma_start3A_17, %dma_start3A_24] : memref<20x512xi32, #tpu.memory_space<vmem>> -> memref<1x512xi32, #tpu.memory_space<vmem>>
    %dma_start3A_26 = tpu.memref_squeeze %dma_start3A_25 : memref<1x512xi32, #tpu.memory_space<vmem>> -> memref<512xi32, #tpu.memory_space<vmem>>
    %dma_start3A_27 = arith.constant 0 : i32
    %dma_start3A_28 = arith.constant 0 : i32
    %dma_start3A_29 = tpu.memref_slice %arg3[%dma_start3A_27, %dma_start3A_28] : memref<1000000x64xf32, #tpu.memory_space<hbm>> -> memref<1000000x64xf32, #tpu.memory_space<hbm>>
    %dma_start3A_30 = tpu.memref_slice %arg7[%dma_start3A_19] : memref<3x!tpu.dma_semaphore, #tpu.memory_space<semaphore_mem>> -> memref<1x!tpu.dma_semaphore, #tpu.memory_space<semaphore_mem>>
    %dma_start3A_31 = tpu.memref_squeeze %dma_start3A_30 : memref<1x!tpu.dma_semaphore, #tpu.memory_space<semaphore_mem>> -> memref<!tpu.dma_semaphore, #tpu.memory_space<semaphore_mem>>
    tpu.enqueue_indirect_dma source(%dma_start3A_29 : memref<1000000x64xf32, #tpu.memory_space<hbm>>) target(%dma_start3A_23 : memref<512x64xf32, #tpu.memory_space<vmem>>) offsets(%dma_start3A_26 : memref<512xi32, #tpu.memory_space<vmem>>) semaphore(%dma_start3A_31 : memref<!tpu.dma_semaphore, #tpu.memory_space<semaphore_mem>>)
    %dma_start3A_32 = arith.constant 2 : i32
    %dma_start3A_33 = arith.constant 2 : i32
    %dma_start3A_34 = arith.constant 2 : i32
    %dma_start3A_35 = arith.constant 0 : i32
    %dma_start3A_36 = arith.constant 0 : i32
    %dma_start3A_37 = tpu.memref_slice %arg6[%dma_start3A_33, %dma_start3A_35, %dma_start3A_36] : memref<3x512x64xf32, #tpu.memory_space<vmem>> -> memref<1x512x64xf32, #tpu.memory_space<vmem>>
    %dma_start3A_38 = tpu.memref_squeeze %dma_start3A_37 : memref<1x512x64xf32, #tpu.memory_space<vmem>> -> memref<512x64xf32, #tpu.memory_space<vmem>>
    %dma_start3A_39 = arith.constant 0 : i32
    %dma_start3A_40 = tpu.memref_slice %arg5[%dma_start3A_32, %dma_start3A_39] : memref<20x512xi32, #tpu.memory_space<vmem>> -> memref<1x512xi32, #tpu.memory_space<vmem>>
    %dma_start3A_41 = tpu.memref_squeeze %dma_start3A_40 : memref<1x512xi32, #tpu.memory_space<vmem>> -> memref<512xi32, #tpu.memory_space<vmem>>
    %dma_start3A_42 = arith.constant 0 : i32
    %dma_start3A_43 = arith.constant 0 : i32
    %dma_start3A_44 = tpu.memref_slice %arg3[%dma_start3A_42, %dma_start3A_43] : memref<1000000x64xf32, #tpu.memory_space<hbm>> -> memref<1000000x64xf32, #tpu.memory_space<hbm>>
    %dma_start3A_45 = tpu.memref_slice %arg7[%dma_start3A_34] : memref<3x!tpu.dma_semaphore, #tpu.memory_space<semaphore_mem>> -> memref<1x!tpu.dma_semaphore, #tpu.memory_space<semaphore_mem>>
    %dma_start3A_46 = tpu.memref_squeeze %dma_start3A_45 : memref<1x!tpu.dma_semaphore, #tpu.memory_space<semaphore_mem>> -> memref<!tpu.dma_semaphore, #tpu.memory_space<semaphore_mem>>
    tpu.enqueue_indirect_dma source(%dma_start3A_44 : memref<1000000x64xf32, #tpu.memory_space<hbm>>) target(%dma_start3A_38 : memref<512x64xf32, #tpu.memory_space<vmem>>) offsets(%dma_start3A_41 : memref<512xi32, #tpu.memory_space<vmem>>) semaphore(%dma_start3A_46 : memref<!tpu.dma_semaphore, #tpu.memory_space<semaphore_mem>>)
    %dma_wait3A = arith.constant 0 : i32
    %dma_wait3A_47 = arith.constant 0 : i32
    %dma_wait3A_48 = arith.constant 0 : i32
    %dma_wait3A_49 = arith.constant 0 : i32
    %dma_wait3A_50 = arith.constant 0 : i32
    %dma_wait3A_51 = tpu.memref_slice %arg6[%dma_wait3A_47, %dma_wait3A_49, %dma_wait3A_50] : memref<3x512x64xf32, #tpu.memory_space<vmem>> -> memref<1x512x64xf32, #tpu.memory_space<vmem>>
    %dma_wait3A_52 = tpu.memref_squeeze %dma_wait3A_51 : memref<1x512x64xf32, #tpu.memory_space<vmem>> -> memref<512x64xf32, #tpu.memory_space<vmem>>
    %dma_wait3A_53 = arith.constant 0 : i32
    %dma_wait3A_54 = tpu.memref_slice %arg5[%dma_wait3A, %dma_wait3A_53] : memref<20x512xi32, #tpu.memory_space<vmem>> -> memref<1x512xi32, #tpu.memory_space<vmem>>
    %dma_wait3A_55 = tpu.memref_squeeze %dma_wait3A_54 : memref<1x512xi32, #tpu.memory_space<vmem>> -> memref<512xi32, #tpu.memory_space<vmem>>
    %dma_wait3A_56 = arith.constant 0 : i32
    %dma_wait3A_57 = arith.constant 0 : i32
    %dma_wait3A_58 = tpu.memref_slice %arg3[%dma_wait3A_56, %dma_wait3A_57] : memref<1000000x64xf32, #tpu.memory_space<hbm>> -> memref<1000000x64xf32, #tpu.memory_space<hbm>>
    %dma_wait3A_59 = tpu.memref_slice %arg7[%dma_wait3A_48] : memref<3x!tpu.dma_semaphore, #tpu.memory_space<semaphore_mem>> -> memref<1x!tpu.dma_semaphore, #tpu.memory_space<semaphore_mem>>
    %dma_wait3A_60 = tpu.memref_squeeze %dma_wait3A_59 : memref<1x!tpu.dma_semaphore, #tpu.memory_space<semaphore_mem>> -> memref<!tpu.dma_semaphore, #tpu.memory_space<semaphore_mem>>
    tpu.wait_indirect_dma semaphore(%dma_wait3A_60 : memref<!tpu.dma_semaphore, #tpu.memory_space<semaphore_mem>>) src(%dma_wait3A_58 : memref<1000000x64xf32, #tpu.memory_space<hbm>>) dst(%dma_wait3A_52 : memref<512x64xf32, #tpu.memory_space<vmem>>)
    %dma_start3A_61 = arith.constant 0 : i32
    %dma_start3A_62 = arith.constant 0 : i32
    %dma_start3A_63 = arith.constant 0 : i32
    %dma_start3A_64 = arith.constant 0 : i32
    %dma_start3A_65 = arith.constant 0 : i32
    %dma_start3A_66 = tpu.memref_slice %arg6[%dma_start3A_61, %dma_start3A_64, %dma_start3A_65] : memref<3x512x64xf32, #tpu.memory_space<vmem>> -> memref<1x512x64xf32, #tpu.memory_space<vmem>>
    %dma_start3A_67 = tpu.memref_squeeze %dma_start3A_66 : memref<1x512x64xf32, #tpu.memory_space<vmem>> -> memref<512x64xf32, #tpu.memory_space<vmem>>
    %dma_start3A_68 = arith.constant 0 : i32
    %dma_start3A_69 = tpu.memref_slice %arg4[%mul3A_2, %dma_start3A_62, %dma_start3A_68] : memref<16384x20x64xf32, #tpu.memory_space<hbm>> -> memref<512x1x64xf32, #tpu.memory_space<hbm>>
    %dma_start3A_70 = tpu.memref_squeeze %dma_start3A_69 : memref<512x1x64xf32, #tpu.memory_space<hbm>> -> memref<512x64xf32, #tpu.memory_space<hbm>>
    %dma_start3A_71 = tpu.memref_slice %arg8[%dma_start3A_63] : memref<3x!tpu.dma_semaphore, #tpu.memory_space<semaphore_mem>> -> memref<1x!tpu.dma_semaphore, #tpu.memory_space<semaphore_mem>>
    %dma_start3A_72 = tpu.memref_squeeze %dma_start3A_71 : memref<1x!tpu.dma_semaphore, #tpu.memory_space<semaphore_mem>> -> memref<!tpu.dma_semaphore, #tpu.memory_space<semaphore_mem>>
    %dma_start3A_73 = arith.constant 0 : i32
    %dma_start3A_74 = tpu.memref_slice %arg4[%mul3A_2, %dma_start3A_62, %dma_start3A_73] : memref<16384x20x64xf32, #tpu.memory_space<hbm>> -> memref<512x1x64xf32, #tpu.memory_space<hbm>>
    %dma_start3A_75 = tpu.memref_squeeze %dma_start3A_74 : memref<512x1x64xf32, #tpu.memory_space<hbm>> -> memref<512x64xf32, #tpu.memory_space<hbm>>
    %dma_start3A_76 = arith.constant 0 : i32
    %dma_start3A_77 = arith.constant 0 : i32
    %dma_start3A_78 = tpu.memref_slice %arg6[%dma_start3A_61, %dma_start3A_76, %dma_start3A_77] : memref<3x512x64xf32, #tpu.memory_space<vmem>> -> memref<1x512x64xf32, #tpu.memory_space<vmem>>
    %dma_start3A_79 = tpu.memref_squeeze %dma_start3A_78 : memref<1x512x64xf32, #tpu.memory_space<vmem>> -> memref<512x64xf32, #tpu.memory_space<vmem>>
    tpu.enqueue_dma source(%dma_start3A_79 : memref<512x64xf32, #tpu.memory_space<vmem>>) target(%dma_start3A_75 : memref<512x64xf32, #tpu.memory_space<hbm>>) target_semaphore(%dma_start3A_72 : memref<!tpu.dma_semaphore, #tpu.memory_space<semaphore_mem>>)
    %dma_wait3A_80 = arith.constant 0 : i32
    %dma_wait3A_81 = arith.constant 0 : i32
    %dma_wait3A_82 = arith.constant 0 : i32
    %dma_wait3A_83 = arith.constant 0 : i32
    %dma_wait3A_84 = arith.constant 0 : i32
    %dma_wait3A_85 = tpu.memref_slice %arg6[%dma_wait3A_80, %dma_wait3A_83, %dma_wait3A_84] : memref<3x512x64xf32, #tpu.memory_space<vmem>> -> memref<1x512x64xf32, #tpu.memory_space<vmem>>
    %dma_wait3A_86 = tpu.memref_squeeze %dma_wait3A_85 : memref<1x512x64xf32, #tpu.memory_space<vmem>> -> memref<512x64xf32, #tpu.memory_space<vmem>>
    %dma_wait3A_87 = arith.constant 0 : i32
    %dma_wait3A_88 = tpu.memref_slice %arg4[%mul3A_2, %dma_wait3A_81, %dma_wait3A_87] : memref<16384x20x64xf32, #tpu.memory_space<hbm>> -> memref<512x1x64xf32, #tpu.memory_space<hbm>>
    %dma_wait3A_89 = tpu.memref_squeeze %dma_wait3A_88 : memref<512x1x64xf32, #tpu.memory_space<hbm>> -> memref<512x64xf32, #tpu.memory_space<hbm>>
    %dma_wait3A_90 = tpu.memref_slice %arg8[%dma_wait3A_82] : memref<3x!tpu.dma_semaphore, #tpu.memory_space<semaphore_mem>> -> memref<1x!tpu.dma_semaphore, #tpu.memory_space<semaphore_mem>>
    %dma_wait3A_91 = tpu.memref_squeeze %dma_wait3A_90 : memref<1x!tpu.dma_semaphore, #tpu.memory_space<semaphore_mem>> -> memref<!tpu.dma_semaphore, #tpu.memory_space<semaphore_mem>>
    %dma_wait3A_92 = arith.constant 0 : i32
    %dma_wait3A_93 = tpu.memref_slice %arg4[%mul3A_2, %dma_wait3A_81, %dma_wait3A_92] : memref<16384x20x64xf32, #tpu.memory_space<hbm>> -> memref<512x1x64xf32, #tpu.memory_space<hbm>>
    %dma_wait3A_94 = tpu.memref_squeeze %dma_wait3A_93 : memref<512x1x64xf32, #tpu.memory_space<hbm>> -> memref<512x64xf32, #tpu.memory_space<hbm>>
    %dma_wait3A_95 = arith.constant 0 : i32
    %dma_wait3A_96 = arith.constant 0 : i32
    %dma_wait3A_97 = tpu.memref_slice %arg6[%dma_wait3A_80, %dma_wait3A_95, %dma_wait3A_96] : memref<3x512x64xf32, #tpu.memory_space<vmem>> -> memref<1x512x64xf32, #tpu.memory_space<vmem>>
    %dma_wait3A_98 = tpu.memref_squeeze %dma_wait3A_97 : memref<1x512x64xf32, #tpu.memory_space<vmem>> -> memref<512x64xf32, #tpu.memory_space<vmem>>
    tpu.wait_dma2 semaphore(%dma_wait3A_91 : memref<!tpu.dma_semaphore, #tpu.memory_space<semaphore_mem>>) src(%dma_wait3A_98 : memref<512x64xf32, #tpu.memory_space<vmem>>) dst(%dma_wait3A_94 : memref<512x64xf32, #tpu.memory_space<hbm>>)
    %dma_start3A_99 = arith.constant 3 : i32
    %dma_start3A_100 = arith.constant 0 : i32
    %dma_start3A_101 = arith.constant 0 : i32
    %dma_start3A_102 = arith.constant 0 : i32
    %dma_start3A_103 = arith.constant 0 : i32
    %dma_start3A_104 = tpu.memref_slice %arg6[%dma_start3A_100, %dma_start3A_102, %dma_start3A_103] : memref<3x512x64xf32, #tpu.memory_space<vmem>> -> memref<1x512x64xf32, #tpu.memory_space<vmem>>
    %dma_start3A_105 = tpu.memref_squeeze %dma_start3A_104 : memref<1x512x64xf32, #tpu.memory_space<vmem>> -> memref<512x64xf32, #tpu.memory_space<vmem>>
    %dma_start3A_106 = arith.constant 0 : i32
    %dma_start3A_107 = tpu.memref_slice %arg5[%dma_start3A_99, %dma_start3A_106] : memref<20x512xi32, #tpu.memory_space<vmem>> -> memref<1x512xi32, #tpu.memory_space<vmem>>
    %dma_start3A_108 = tpu.memref_squeeze %dma_start3A_107 : memref<1x512xi32, #tpu.memory_space<vmem>> -> memref<512xi32, #tpu.memory_space<vmem>>
    %dma_start3A_109 = arith.constant 0 : i32
    %dma_start3A_110 = arith.constant 0 : i32
    %dma_start3A_111 = tpu.memref_slice %arg3[%dma_start3A_109, %dma_start3A_110] : memref<1000000x64xf32, #tpu.memory_space<hbm>> -> memref<1000000x64xf32, #tpu.memory_space<hbm>>
    %dma_start3A_112 = tpu.memref_slice %arg7[%dma_start3A_101] : memref<3x!tpu.dma_semaphore, #tpu.memory_space<semaphore_mem>> -> memref<1x!tpu.dma_semaphore, #tpu.memory_space<semaphore_mem>>
    %dma_start3A_113 = tpu.memref_squeeze %dma_start3A_112 : memref<1x!tpu.dma_semaphore, #tpu.memory_space<semaphore_mem>> -> memref<!tpu.dma_semaphore, #tpu.memory_space<semaphore_mem>>
    tpu.enqueue_indirect_dma source(%dma_start3A_111 : memref<1000000x64xf32, #tpu.memory_space<hbm>>) target(%dma_start3A_105 : memref<512x64xf32, #tpu.memory_space<vmem>>) offsets(%dma_start3A_108 : memref<512xi32, #tpu.memory_space<vmem>>) semaphore(%dma_start3A_113 : memref<!tpu.dma_semaphore, #tpu.memory_space<semaphore_mem>>)
    %dma_wait3A_114 = arith.constant 1 : i32
    %dma_wait3A_115 = arith.constant 1 : i32
    %dma_wait3A_116 = arith.constant 1 : i32
    %dma_wait3A_117 = arith.constant 0 : i32
    %dma_wait3A_118 = arith.constant 0 : i32
    %dma_wait3A_119 = tpu.memref_slice %arg6[%dma_wait3A_115, %dma_wait3A_117, %dma_wait3A_118] : memref<3x512x64xf32, #tpu.memory_space<vmem>> -> memref<1x512x64xf32, #tpu.memory_space<vmem>>
    %dma_wait3A_120 = tpu.memref_squeeze %dma_wait3A_119 : memref<1x512x64xf32, #tpu.memory_space<vmem>> -> memref<512x64xf32, #tpu.memory_space<vmem>>
    %dma_wait3A_121 = arith.constant 0 : i32
    %dma_wait3A_122 = tpu.memref_slice %arg5[%dma_wait3A_114, %dma_wait3A_121] : memref<20x512xi32, #tpu.memory_space<vmem>> -> memref<1x512xi32, #tpu.memory_space<vmem>>
    %dma_wait3A_123 = tpu.memref_squeeze %dma_wait3A_122 : memref<1x512xi32, #tpu.memory_space<vmem>> -> memref<512xi32, #tpu.memory_space<vmem>>
    %dma_wait3A_124 = arith.constant 0 : i32
    %dma_wait3A_125 = arith.constant 0 : i32
    %dma_wait3A_126 = tpu.memref_slice %arg3[%dma_wait3A_124, %dma_wait3A_125] : memref<1000000x64xf32, #tpu.memory_space<hbm>> -> memref<1000000x64xf32, #tpu.memory_space<hbm>>
    %dma_wait3A_127 = tpu.memref_slice %arg7[%dma_wait3A_116] : memref<3x!tpu.dma_semaphore, #tpu.memory_space<semaphore_mem>> -> memref<1x!tpu.dma_semaphore, #tpu.memory_space<semaphore_mem>>
    %dma_wait3A_128 = tpu.memref_squeeze %dma_wait3A_127 : memref<1x!tpu.dma_semaphore, #tpu.memory_space<semaphore_mem>> -> memref<!tpu.dma_semaphore, #tpu.memory_space<semaphore_mem>>
    tpu.wait_indirect_dma semaphore(%dma_wait3A_128 : memref<!tpu.dma_semaphore, #tpu.memory_space<semaphore_mem>>) src(%dma_wait3A_126 : memref<1000000x64xf32, #tpu.memory_space<hbm>>) dst(%dma_wait3A_120 : memref<512x64xf32, #tpu.memory_space<vmem>>)
    %dma_start3A_129 = arith.constant 1 : i32
    %dma_start3A_130 = arith.constant 1 : i32
    %dma_start3A_131 = arith.constant 1 : i32
    %dma_start3A_132 = arith.constant 0 : i32
    %dma_start3A_133 = arith.constant 0 : i32
    %dma_start3A_134 = tpu.memref_slice %arg6[%dma_start3A_129, %dma_start3A_132, %dma_start3A_133] : memref<3x512x64xf32, #tpu.memory_space<vmem>> -> memref<1x512x64xf32, #tpu.memory_space<vmem>>
    %dma_start3A_135 = tpu.memref_squeeze %dma_start3A_134 : memref<1x512x64xf32, #tpu.memory_space<vmem>> -> memref<512x64xf32, #tpu.memory_space<vmem>>
    %dma_start3A_136 = arith.constant 0 : i32
    %dma_start3A_137 = tpu.memref_slice %arg4[%mul3A_2, %dma_start3A_130, %dma_start3A_136] : memref<16384x20x64xf32, #tpu.memory_space<hbm>> -> memref<512x1x64xf32, #tpu.memory_space<hbm>>
    %dma_start3A_138 = tpu.memref_squeeze %dma_start3A_137 : memref<512x1x64xf32, #tpu.memory_space<hbm>> -> memref<512x64xf32, #tpu.memory_space<hbm>>
    %dma_start3A_139 = tpu.memref_slice %arg8[%dma_start3A_131] : memref<3x!tpu.dma_semaphore, #tpu.memory_space<semaphore_mem>> -> memref<1x!tpu.dma_semaphore, #tpu.memory_space<semaphore_mem>>
    %dma_start3A_140 = tpu.memref_squeeze %dma_start3A_139 : memref<1x!tpu.dma_semaphore, #tpu.memory_space<semaphore_mem>> -> memref<!tpu.dma_semaphore, #tpu.memory_space<semaphore_mem>>
    %dma_start3A_141 = arith.constant 0 : i32
    %dma_start3A_142 = tpu.memref_slice %arg4[%mul3A_2, %dma_start3A_130, %dma_start3A_141] : memref<16384x20x64xf32, #tpu.memory_space<hbm>> -> memref<512x1x64xf32, #tpu.memory_space<hbm>>
    %dma_start3A_143 = tpu.memref_squeeze %dma_start3A_142 : memref<512x1x64xf32, #tpu.memory_space<hbm>> -> memref<512x64xf32, #tpu.memory_space<hbm>>
    %dma_start3A_144 = arith.constant 0 : i32
    %dma_start3A_145 = arith.constant 0 : i32
    %dma_start3A_146 = tpu.memref_slice %arg6[%dma_start3A_129, %dma_start3A_144, %dma_start3A_145] : memref<3x512x64xf32, #tpu.memory_space<vmem>> -> memref<1x512x64xf32, #tpu.memory_space<vmem>>
    %dma_start3A_147 = tpu.memref_squeeze %dma_start3A_146 : memref<1x512x64xf32, #tpu.memory_space<vmem>> -> memref<512x64xf32, #tpu.memory_space<vmem>>
    tpu.enqueue_dma source(%dma_start3A_147 : memref<512x64xf32, #tpu.memory_space<vmem>>) target(%dma_start3A_143 : memref<512x64xf32, #tpu.memory_space<hbm>>) target_semaphore(%dma_start3A_140 : memref<!tpu.dma_semaphore, #tpu.memory_space<semaphore_mem>>)
    %dma_wait3A_148 = arith.constant 1 : i32
    %dma_wait3A_149 = arith.constant 1 : i32
    %dma_wait3A_150 = arith.constant 1 : i32
    %dma_wait3A_151 = arith.constant 0 : i32
    %dma_wait3A_152 = arith.constant 0 : i32
    %dma_wait3A_153 = tpu.memref_slice %arg6[%dma_wait3A_148, %dma_wait3A_151, %dma_wait3A_152] : memref<3x512x64xf32, #tpu.memory_space<vmem>> -> memref<1x512x64xf32, #tpu.memory_space<vmem>>
    %dma_wait3A_154 = tpu.memref_squeeze %dma_wait3A_153 : memref<1x512x64xf32, #tpu.memory_space<vmem>> -> memref<512x64xf32, #tpu.memory_space<vmem>>
    %dma_wait3A_155 = arith.constant 0 : i32
    %dma_wait3A_156 = tpu.memref_slice %arg4[%mul3A_2, %dma_wait3A_149, %dma_wait3A_155] : memref<16384x20x64xf32, #tpu.memory_space<hbm>> -> memref<512x1x64xf32, #tpu.memory_space<hbm>>
    %dma_wait3A_157 = tpu.memref_squeeze %dma_wait3A_156 : memref<512x1x64xf32, #tpu.memory_space<hbm>> -> memref<512x64xf32, #tpu.memory_space<hbm>>
    %dma_wait3A_158 = tpu.memref_slice %arg8[%dma_wait3A_150] : memref<3x!tpu.dma_semaphore, #tpu.memory_space<semaphore_mem>> -> memref<1x!tpu.dma_semaphore, #tpu.memory_space<semaphore_mem>>
    %dma_wait3A_159 = tpu.memref_squeeze %dma_wait3A_158 : memref<1x!tpu.dma_semaphore, #tpu.memory_space<semaphore_mem>> -> memref<!tpu.dma_semaphore, #tpu.memory_space<semaphore_mem>>
    %dma_wait3A_160 = arith.constant 0 : i32
    %dma_wait3A_161 = tpu.memref_slice %arg4[%mul3A_2, %dma_wait3A_149, %dma_wait3A_160] : memref<16384x20x64xf32, #tpu.memory_space<hbm>> -> memref<512x1x64xf32, #tpu.memory_space<hbm>>
    %dma_wait3A_162 = tpu.memref_squeeze %dma_wait3A_161 : memref<512x1x64xf32, #tpu.memory_space<hbm>> -> memref<512x64xf32, #tpu.memory_space<hbm>>
    %dma_wait3A_163 = arith.constant 0 : i32
    %dma_wait3A_164 = arith.constant 0 : i32
    %dma_wait3A_165 = tpu.memref_slice %arg6[%dma_wait3A_148, %dma_wait3A_163, %dma_wait3A_164] : memref<3x512x64xf32, #tpu.memory_space<vmem>> -> memref<1x512x64xf32, #tpu.memory_space<vmem>>
    %dma_wait3A_166 = tpu.memref_squeeze %dma_wait3A_165 : memref<1x512x64xf32, #tpu.memory_space<vmem>> -> memref<512x64xf32, #tpu.memory_space<vmem>>
    tpu.wait_dma2 semaphore(%dma_wait3A_159 : memref<!tpu.dma_semaphore, #tpu.memory_space<semaphore_mem>>) src(%dma_wait3A_166 : memref<512x64xf32, #tpu.memory_space<vmem>>) dst(%dma_wait3A_162 : memref<512x64xf32, #tpu.memory_space<hbm>>)
    %dma_start3A_167 = arith.constant 4 : i32
    %dma_start3A_168 = arith.constant 1 : i32
    %dma_start3A_169 = arith.constant 1 : i32
    %dma_start3A_170 = arith.constant 0 : i32
    %dma_start3A_171 = arith.constant 0 : i32
    %dma_start3A_172 = tpu.memref_slice %arg6[%dma_start3A_168, %dma_start3A_170, %dma_start3A_171] : memref<3x512x64xf32, #tpu.memory_space<vmem>> -> memref<1x512x64xf32, #tpu.memory_space<vmem>>
    %dma_start3A_173 = tpu.memref_squeeze %dma_start3A_172 : memref<1x512x64xf32, #tpu.memory_space<vmem>> -> memref<512x64xf32, #tpu.memory_space<vmem>>
    %dma_start3A_174 = arith.constant 0 : i32
    %dma_start3A_175 = tpu.memref_slice %arg5[%dma_start3A_167, %dma_start3A_174] : memref<20x512xi32, #tpu.memory_space<vmem>> -> memref<1x512xi32, #tpu.memory_space<vmem>>
    %dma_start3A_176 = tpu.memref_squeeze %dma_start3A_175 : memref<1x512xi32, #tpu.memory_space<vmem>> -> memref<512xi32, #tpu.memory_space<vmem>>
    %dma_start3A_177 = arith.constant 0 : i32
    %dma_start3A_178 = arith.constant 0 : i32
    %dma_start3A_179 = tpu.memref_slice %arg3[%dma_start3A_177, %dma_start3A_178] : memref<1000000x64xf32, #tpu.memory_space<hbm>> -> memref<1000000x64xf32, #tpu.memory_space<hbm>>
    %dma_start3A_180 = tpu.memref_slice %arg7[%dma_start3A_169] : memref<3x!tpu.dma_semaphore, #tpu.memory_space<semaphore_mem>> -> memref<1x!tpu.dma_semaphore, #tpu.memory_space<semaphore_mem>>
    %dma_start3A_181 = tpu.memref_squeeze %dma_start3A_180 : memref<1x!tpu.dma_semaphore, #tpu.memory_space<semaphore_mem>> -> memref<!tpu.dma_semaphore, #tpu.memory_space<semaphore_mem>>
    tpu.enqueue_indirect_dma source(%dma_start3A_179 : memref<1000000x64xf32, #tpu.memory_space<hbm>>) target(%dma_start3A_173 : memref<512x64xf32, #tpu.memory_space<vmem>>) offsets(%dma_start3A_176 : memref<512xi32, #tpu.memory_space<vmem>>) semaphore(%dma_start3A_181 : memref<!tpu.dma_semaphore, #tpu.memory_space<semaphore_mem>>)
    %dma_wait3A_182 = arith.constant 2 : i32
    %dma_wait3A_183 = arith.constant 2 : i32
    %dma_wait3A_184 = arith.constant 2 : i32
    %dma_wait3A_185 = arith.constant 0 : i32
    %dma_wait3A_186 = arith.constant 0 : i32
    %dma_wait3A_187 = tpu.memref_slice %arg6[%dma_wait3A_183, %dma_wait3A_185, %dma_wait3A_186] : memref<3x512x64xf32, #tpu.memory_space<vmem>> -> memref<1x512x64xf32, #tpu.memory_space<vmem>>
    %dma_wait3A_188 = tpu.memref_squeeze %dma_wait3A_187 : memref<1x512x64xf32, #tpu.memory_space<vmem>> -> memref<512x64xf32, #tpu.memory_space<vmem>>
    %dma_wait3A_189 = arith.constant 0 : i32
    %dma_wait3A_190 = tpu.memref_slice %arg5[%dma_wait3A_182, %dma_wait3A_189] : memref<20x512xi32, #tpu.memory_space<vmem>> -> memref<1x512xi32, #tpu.memory_space<vmem>>
    %dma_wait3A_191 = tpu.memref_squeeze %dma_wait3A_190 : memref<1x512xi32, #tpu.memory_space<vmem>> -> memref<512xi32, #tpu.memory_space<vmem>>
    %dma_wait3A_192 = arith.constant 0 : i32
    %dma_wait3A_193 = arith.constant 0 : i32
    %dma_wait3A_194 = tpu.memref_slice %arg3[%dma_wait3A_192, %dma_wait3A_193] : memref<1000000x64xf32, #tpu.memory_space<hbm>> -> memref<1000000x64xf32, #tpu.memory_space<hbm>>
    %dma_wait3A_195 = tpu.memref_slice %arg7[%dma_wait3A_184] : memref<3x!tpu.dma_semaphore, #tpu.memory_space<semaphore_mem>> -> memref<1x!tpu.dma_semaphore, #tpu.memory_space<semaphore_mem>>
    %dma_wait3A_196 = tpu.memref_squeeze %dma_wait3A_195 : memref<1x!tpu.dma_semaphore, #tpu.memory_space<semaphore_mem>> -> memref<!tpu.dma_semaphore, #tpu.memory_space<semaphore_mem>>
    tpu.wait_indirect_dma semaphore(%dma_wait3A_196 : memref<!tpu.dma_semaphore, #tpu.memory_space<semaphore_mem>>) src(%dma_wait3A_194 : memref<1000000x64xf32, #tpu.memory_space<hbm>>) dst(%dma_wait3A_188 : memref<512x64xf32, #tpu.memory_space<vmem>>)
    %dma_start3A_197 = arith.constant 2 : i32
    %dma_start3A_198 = arith.constant 2 : i32
    %dma_start3A_199 = arith.constant 2 : i32
    %dma_start3A_200 = arith.constant 0 : i32
    %dma_start3A_201 = arith.constant 0 : i32
    %dma_start3A_202 = tpu.memref_slice %arg6[%dma_start3A_197, %dma_start3A_200, %dma_start3A_201] : memref<3x512x64xf32, #tpu.memory_space<vmem>> -> memref<1x512x64xf32, #tpu.memory_space<vmem>>
    %dma_start3A_203 = tpu.memref_squeeze %dma_start3A_202 : memref<1x512x64xf32, #tpu.memory_space<vmem>> -> memref<512x64xf32, #tpu.memory_space<vmem>>
    %dma_start3A_204 = arith.constant 0 : i32
    %dma_start3A_205 = tpu.memref_slice %arg4[%mul3A_2, %dma_start3A_198, %dma_start3A_204] : memref<16384x20x64xf32, #tpu.memory_space<hbm>> -> memref<512x1x64xf32, #tpu.memory_space<hbm>>
    %dma_start3A_206 = tpu.memref_squeeze %dma_start3A_205 : memref<512x1x64xf32, #tpu.memory_space<hbm>> -> memref<512x64xf32, #tpu.memory_space<hbm>>
    %dma_start3A_207 = tpu.memref_slice %arg8[%dma_start3A_199] : memref<3x!tpu.dma_semaphore, #tpu.memory_space<semaphore_mem>> -> memref<1x!tpu.dma_semaphore, #tpu.memory_space<semaphore_mem>>
    %dma_start3A_208 = tpu.memref_squeeze %dma_start3A_207 : memref<1x!tpu.dma_semaphore, #tpu.memory_space<semaphore_mem>> -> memref<!tpu.dma_semaphore, #tpu.memory_space<semaphore_mem>>
    %dma_start3A_209 = arith.constant 0 : i32
    %dma_start3A_210 = tpu.memref_slice %arg4[%mul3A_2, %dma_start3A_198, %dma_start3A_209] : memref<16384x20x64xf32, #tpu.memory_space<hbm>> -> memref<512x1x64xf32, #tpu.memory_space<hbm>>
    %dma_start3A_211 = tpu.memref_squeeze %dma_start3A_210 : memref<512x1x64xf32, #tpu.memory_space<hbm>> -> memref<512x64xf32, #tpu.memory_space<hbm>>
    %dma_start3A_212 = arith.constant 0 : i32
    %dma_start3A_213 = arith.constant 0 : i32
    %dma_start3A_214 = tpu.memref_slice %arg6[%dma_start3A_197, %dma_start3A_212, %dma_start3A_213] : memref<3x512x64xf32, #tpu.memory_space<vmem>> -> memref<1x512x64xf32, #tpu.memory_space<vmem>>
    %dma_start3A_215 = tpu.memref_squeeze %dma_start3A_214 : memref<1x512x64xf32, #tpu.memory_space<vmem>> -> memref<512x64xf32, #tpu.memory_space<vmem>>
    tpu.enqueue_dma source(%dma_start3A_215 : memref<512x64xf32, #tpu.memory_space<vmem>>) target(%dma_start3A_211 : memref<512x64xf32, #tpu.memory_space<hbm>>) target_semaphore(%dma_start3A_208 : memref<!tpu.dma_semaphore, #tpu.memory_space<semaphore_mem>>)
    %dma_wait3A_216 = arith.constant 2 : i32
    %dma_wait3A_217 = arith.constant 2 : i32
    %dma_wait3A_218 = arith.constant 2 : i32
    %dma_wait3A_219 = arith.constant 0 : i32
    %dma_wait3A_220 = arith.constant 0 : i32
    %dma_wait3A_221 = tpu.memref_slice %arg6[%dma_wait3A_216, %dma_wait3A_219, %dma_wait3A_220] : memref<3x512x64xf32, #tpu.memory_space<vmem>> -> memref<1x512x64xf32, #tpu.memory_space<vmem>>
    %dma_wait3A_222 = tpu.memref_squeeze %dma_wait3A_221 : memref<1x512x64xf32, #tpu.memory_space<vmem>> -> memref<512x64xf32, #tpu.memory_space<vmem>>
    %dma_wait3A_223 = arith.constant 0 : i32
    %dma_wait3A_224 = tpu.memref_slice %arg4[%mul3A_2, %dma_wait3A_217, %dma_wait3A_223] : memref<16384x20x64xf32, #tpu.memory_space<hbm>> -> memref<512x1x64xf32, #tpu.memory_space<hbm>>
    %dma_wait3A_225 = tpu.memref_squeeze %dma_wait3A_224 : memref<512x1x64xf32, #tpu.memory_space<hbm>> -> memref<512x64xf32, #tpu.memory_space<hbm>>
    %dma_wait3A_226 = tpu.memref_slice %arg8[%dma_wait3A_218] : memref<3x!tpu.dma_semaphore, #tpu.memory_space<semaphore_mem>> -> memref<1x!tpu.dma_semaphore, #tpu.memory_space<semaphore_mem>>
    %dma_wait3A_227 = tpu.memref_squeeze %dma_wait3A_226 : memref<1x!tpu.dma_semaphore, #tpu.memory_space<semaphore_mem>> -> memref<!tpu.dma_semaphore, #tpu.memory_space<semaphore_mem>>
    %dma_wait3A_228 = arith.constant 0 : i32
    %dma_wait3A_229 = tpu.memref_slice %arg4[%mul3A_2, %dma_wait3A_217, %dma_wait3A_228] : memref<16384x20x64xf32, #tpu.memory_space<hbm>> -> memref<512x1x64xf32, #tpu.memory_space<hbm>>
    %dma_wait3A_230 = tpu.memref_squeeze %dma_wait3A_229 : memref<512x1x64xf32, #tpu.memory_space<hbm>> -> memref<512x64xf32, #tpu.memory_space<hbm>>
    %dma_wait3A_231 = arith.constant 0 : i32
    %dma_wait3A_232 = arith.constant 0 : i32
    %dma_wait3A_233 = tpu.memref_slice %arg6[%dma_wait3A_216, %dma_wait3A_231, %dma_wait3A_232] : memref<3x512x64xf32, #tpu.memory_space<vmem>> -> memref<1x512x64xf32, #tpu.memory_space<vmem>>
    %dma_wait3A_234 = tpu.memref_squeeze %dma_wait3A_233 : memref<1x512x64xf32, #tpu.memory_space<vmem>> -> memref<512x64xf32, #tpu.memory_space<vmem>>
    tpu.wait_dma2 semaphore(%dma_wait3A_227 : memref<!tpu.dma_semaphore, #tpu.memory_space<semaphore_mem>>) src(%dma_wait3A_234 : memref<512x64xf32, #tpu.memory_space<vmem>>) dst(%dma_wait3A_230 : memref<512x64xf32, #tpu.memory_space<hbm>>)
    %dma_start3A_235 = arith.constant 5 : i32
    %dma_start3A_236 = arith.constant 2 : i32
    %dma_start3A_237 = arith.constant 2 : i32
    %dma_start3A_238 = arith.constant 0 : i32
    %dma_start3A_239 = arith.constant 0 : i32
    %dma_start3A_240 = tpu.memref_slice %arg6[%dma_start3A_236, %dma_start3A_238, %dma_start3A_239] : memref<3x512x64xf32, #tpu.memory_space<vmem>> -> memref<1x512x64xf32, #tpu.memory_space<vmem>>
    %dma_start3A_241 = tpu.memref_squeeze %dma_start3A_240 : memref<1x512x64xf32, #tpu.memory_space<vmem>> -> memref<512x64xf32, #tpu.memory_space<vmem>>
    %dma_start3A_242 = arith.constant 0 : i32
    %dma_start3A_243 = tpu.memref_slice %arg5[%dma_start3A_235, %dma_start3A_242] : memref<20x512xi32, #tpu.memory_space<vmem>> -> memref<1x512xi32, #tpu.memory_space<vmem>>
    %dma_start3A_244 = tpu.memref_squeeze %dma_start3A_243 : memref<1x512xi32, #tpu.memory_space<vmem>> -> memref<512xi32, #tpu.memory_space<vmem>>
    %dma_start3A_245 = arith.constant 0 : i32
    %dma_start3A_246 = arith.constant 0 : i32
    %dma_start3A_247 = tpu.memref_slice %arg3[%dma_start3A_245, %dma_start3A_246] : memref<1000000x64xf32, #tpu.memory_space<hbm>> -> memref<1000000x64xf32, #tpu.memory_space<hbm>>
    %dma_start3A_248 = tpu.memref_slice %arg7[%dma_start3A_237] : memref<3x!tpu.dma_semaphore, #tpu.memory_space<semaphore_mem>> -> memref<1x!tpu.dma_semaphore, #tpu.memory_space<semaphore_mem>>
    %dma_start3A_249 = tpu.memref_squeeze %dma_start3A_248 : memref<1x!tpu.dma_semaphore, #tpu.memory_space<semaphore_mem>> -> memref<!tpu.dma_semaphore, #tpu.memory_space<semaphore_mem>>
    tpu.enqueue_indirect_dma source(%dma_start3A_247 : memref<1000000x64xf32, #tpu.memory_space<hbm>>) target(%dma_start3A_241 : memref<512x64xf32, #tpu.memory_space<vmem>>) offsets(%dma_start3A_244 : memref<512xi32, #tpu.memory_space<vmem>>) semaphore(%dma_start3A_249 : memref<!tpu.dma_semaphore, #tpu.memory_space<semaphore_mem>>)
    %dma_wait3A_250 = arith.constant 3 : i32
    %dma_wait3A_251 = arith.constant 0 : i32
    %dma_wait3A_252 = arith.constant 0 : i32
    %dma_wait3A_253 = arith.constant 0 : i32
    %dma_wait3A_254 = arith.constant 0 : i32
    %dma_wait3A_255 = tpu.memref_slice %arg6[%dma_wait3A_251, %dma_wait3A_253, %dma_wait3A_254] : memref<3x512x64xf32, #tpu.memory_space<vmem>> -> memref<1x512x64xf32, #tpu.memory_space<vmem>>
    %dma_wait3A_256 = tpu.memref_squeeze %dma_wait3A_255 : memref<1x512x64xf32, #tpu.memory_space<vmem>> -> memref<512x64xf32, #tpu.memory_space<vmem>>
    %dma_wait3A_257 = arith.constant 0 : i32
    %dma_wait3A_258 = tpu.memref_slice %arg5[%dma_wait3A_250, %dma_wait3A_257] : memref<20x512xi32, #tpu.memory_space<vmem>> -> memref<1x512xi32, #tpu.memory_space<vmem>>
    %dma_wait3A_259 = tpu.memref_squeeze %dma_wait3A_258 : memref<1x512xi32, #tpu.memory_space<vmem>> -> memref<512xi32, #tpu.memory_space<vmem>>
    %dma_wait3A_260 = arith.constant 0 : i32
    %dma_wait3A_261 = arith.constant 0 : i32
    %dma_wait3A_262 = tpu.memref_slice %arg3[%dma_wait3A_260, %dma_wait3A_261] : memref<1000000x64xf32, #tpu.memory_space<hbm>> -> memref<1000000x64xf32, #tpu.memory_space<hbm>>
    %dma_wait3A_263 = tpu.memref_slice %arg7[%dma_wait3A_252] : memref<3x!tpu.dma_semaphore, #tpu.memory_space<semaphore_mem>> -> memref<1x!tpu.dma_semaphore, #tpu.memory_space<semaphore_mem>>
    %dma_wait3A_264 = tpu.memref_squeeze %dma_wait3A_263 : memref<1x!tpu.dma_semaphore, #tpu.memory_space<semaphore_mem>> -> memref<!tpu.dma_semaphore, #tpu.memory_space<semaphore_mem>>
    tpu.wait_indirect_dma semaphore(%dma_wait3A_264 : memref<!tpu.dma_semaphore, #tpu.memory_space<semaphore_mem>>) src(%dma_wait3A_262 : memref<1000000x64xf32, #tpu.memory_space<hbm>>) dst(%dma_wait3A_256 : memref<512x64xf32, #tpu.memory_space<vmem>>)
    %dma_start3A_265 = arith.constant 0 : i32
    %dma_start3A_266 = arith.constant 3 : i32
    %dma_start3A_267 = arith.constant 0 : i32
    %dma_start3A_268 = arith.constant 0 : i32
    %dma_start3A_269 = arith.constant 0 : i32
    %dma_start3A_270 = tpu.memref_slice %arg6[%dma_start3A_265, %dma_start3A_268, %dma_start3A_269] : memref<3x512x64xf32, #tpu.memory_space<vmem>> -> memref<1x512x64xf32, #tpu.memory_space<vmem>>
    %dma_start3A_271 = tpu.memref_squeeze %dma_start3A_270 : memref<1x512x64xf32, #tpu.memory_space<vmem>> -> memref<512x64xf32, #tpu.memory_space<vmem>>
    %dma_start3A_272 = arith.constant 0 : i32
    %dma_start3A_273 = tpu.memref_slice %arg4[%mul3A_2, %dma_start3A_266, %dma_start3A_272] : memref<16384x20x64xf32, #tpu.memory_space<hbm>> -> memref<512x1x64xf32, #tpu.memory_space<hbm>>
    %dma_start3A_274 = tpu.memref_squeeze %dma_start3A_273 : memref<512x1x64xf32, #tpu.memory_space<hbm>> -> memref<512x64xf32, #tpu.memory_space<hbm>>
    %dma_start3A_275 = tpu.memref_slice %arg8[%dma_start3A_267] : memref<3x!tpu.dma_semaphore, #tpu.memory_space<semaphore_mem>> -> memref<1x!tpu.dma_semaphore, #tpu.memory_space<semaphore_mem>>
    %dma_start3A_276 = tpu.memref_squeeze %dma_start3A_275 : memref<1x!tpu.dma_semaphore, #tpu.memory_space<semaphore_mem>> -> memref<!tpu.dma_semaphore, #tpu.memory_space<semaphore_mem>>
    %dma_start3A_277 = arith.constant 0 : i32
    %dma_start3A_278 = tpu.memref_slice %arg4[%mul3A_2, %dma_start3A_266, %dma_start3A_277] : memref<16384x20x64xf32, #tpu.memory_space<hbm>> -> memref<512x1x64xf32, #tpu.memory_space<hbm>>
    %dma_start3A_279 = tpu.memref_squeeze %dma_start3A_278 : memref<512x1x64xf32, #tpu.memory_space<hbm>> -> memref<512x64xf32, #tpu.memory_space<hbm>>
    %dma_start3A_280 = arith.constant 0 : i32
    %dma_start3A_281 = arith.constant 0 : i32
    %dma_start3A_282 = tpu.memref_slice %arg6[%dma_start3A_265, %dma_start3A_280, %dma_start3A_281] : memref<3x512x64xf32, #tpu.memory_space<vmem>> -> memref<1x512x64xf32, #tpu.memory_space<vmem>>
    %dma_start3A_283 = tpu.memref_squeeze %dma_start3A_282 : memref<1x512x64xf32, #tpu.memory_space<vmem>> -> memref<512x64xf32, #tpu.memory_space<vmem>>
    tpu.enqueue_dma source(%dma_start3A_283 : memref<512x64xf32, #tpu.memory_space<vmem>>) target(%dma_start3A_279 : memref<512x64xf32, #tpu.memory_space<hbm>>) target_semaphore(%dma_start3A_276 : memref<!tpu.dma_semaphore, #tpu.memory_space<semaphore_mem>>)
    %dma_wait3A_284 = arith.constant 0 : i32
    %dma_wait3A_285 = arith.constant 3 : i32
    %dma_wait3A_286 = arith.constant 0 : i32
    %dma_wait3A_287 = arith.constant 0 : i32
    %dma_wait3A_288 = arith.constant 0 : i32
    %dma_wait3A_289 = tpu.memref_slice %arg6[%dma_wait3A_284, %dma_wait3A_287, %dma_wait3A_288] : memref<3x512x64xf32, #tpu.memory_space<vmem>> -> memref<1x512x64xf32, #tpu.memory_space<vmem>>
    %dma_wait3A_290 = tpu.memref_squeeze %dma_wait3A_289 : memref<1x512x64xf32, #tpu.memory_space<vmem>> -> memref<512x64xf32, #tpu.memory_space<vmem>>
    %dma_wait3A_291 = arith.constant 0 : i32
    %dma_wait3A_292 = tpu.memref_slice %arg4[%mul3A_2, %dma_wait3A_285, %dma_wait3A_291] : memref<16384x20x64xf32, #tpu.memory_space<hbm>> -> memref<512x1x64xf32, #tpu.memory_space<hbm>>
    %dma_wait3A_293 = tpu.memref_squeeze %dma_wait3A_292 : memref<512x1x64xf32, #tpu.memory_space<hbm>> -> memref<512x64xf32, #tpu.memory_space<hbm>>
    %dma_wait3A_294 = tpu.memref_slice %arg8[%dma_wait3A_286] : memref<3x!tpu.dma_semaphore, #tpu.memory_space<semaphore_mem>> -> memref<1x!tpu.dma_semaphore, #tpu.memory_space<semaphore_mem>>
    %dma_wait3A_295 = tpu.memref_squeeze %dma_wait3A_294 : memref<1x!tpu.dma_semaphore, #tpu.memory_space<semaphore_mem>> -> memref<!tpu.dma_semaphore, #tpu.memory_space<semaphore_mem>>
    %dma_wait3A_296 = arith.constant 0 : i32
    %dma_wait3A_297 = tpu.memref_slice %arg4[%mul3A_2, %dma_wait3A_285, %dma_wait3A_296] : memref<16384x20x64xf32, #tpu.memory_space<hbm>> -> memref<512x1x64xf32, #tpu.memory_space<hbm>>
    %dma_wait3A_298 = tpu.memref_squeeze %dma_wait3A_297 : memref<512x1x64xf32, #tpu.memory_space<hbm>> -> memref<512x64xf32, #tpu.memory_space<hbm>>
    %dma_wait3A_299 = arith.constant 0 : i32
    %dma_wait3A_300 = arith.constant 0 : i32
    %dma_wait3A_301 = tpu.memref_slice %arg6[%dma_wait3A_284, %dma_wait3A_299, %dma_wait3A_300] : memref<3x512x64xf32, #tpu.memory_space<vmem>> -> memref<1x512x64xf32, #tpu.memory_space<vmem>>
    %dma_wait3A_302 = tpu.memref_squeeze %dma_wait3A_301 : memref<1x512x64xf32, #tpu.memory_space<vmem>> -> memref<512x64xf32, #tpu.memory_space<vmem>>
    tpu.wait_dma2 semaphore(%dma_wait3A_295 : memref<!tpu.dma_semaphore, #tpu.memory_space<semaphore_mem>>) src(%dma_wait3A_302 : memref<512x64xf32, #tpu.memory_space<vmem>>) dst(%dma_wait3A_298 : memref<512x64xf32, #tpu.memory_space<hbm>>)
    %dma_start3A_303 = arith.constant 6 : i32
    %dma_start3A_304 = arith.constant 0 : i32
    %dma_start3A_305 = arith.constant 0 : i32
    %dma_start3A_306 = arith.constant 0 : i32
    %dma_start3A_307 = arith.constant 0 : i32
    %dma_start3A_308 = tpu.memref_slice %arg6[%dma_start3A_304, %dma_start3A_306, %dma_start3A_307] : memref<3x512x64xf32, #tpu.memory_space<vmem>> -> memref<1x512x64xf32, #tpu.memory_space<vmem>>
    %dma_start3A_309 = tpu.memref_squeeze %dma_start3A_308 : memref<1x512x64xf32, #tpu.memory_space<vmem>> -> memref<512x64xf32, #tpu.memory_space<vmem>>
    %dma_start3A_310 = arith.constant 0 : i32
    %dma_start3A_311 = tpu.memref_slice %arg5[%dma_start3A_303, %dma_start3A_310] : memref<20x512xi32, #tpu.memory_space<vmem>> -> memref<1x512xi32, #tpu.memory_space<vmem>>
    %dma_start3A_312 = tpu.memref_squeeze %dma_start3A_311 : memref<1x512xi32, #tpu.memory_space<vmem>> -> memref<512xi32, #tpu.memory_space<vmem>>
    %dma_start3A_313 = arith.constant 0 : i32
    %dma_start3A_314 = arith.constant 0 : i32
    %dma_start3A_315 = tpu.memref_slice %arg3[%dma_start3A_313, %dma_start3A_314] : memref<1000000x64xf32, #tpu.memory_space<hbm>> -> memref<1000000x64xf32, #tpu.memory_space<hbm>>
    %dma_start3A_316 = tpu.memref_slice %arg7[%dma_start3A_305] : memref<3x!tpu.dma_semaphore, #tpu.memory_space<semaphore_mem>> -> memref<1x!tpu.dma_semaphore, #tpu.memory_space<semaphore_mem>>
    %dma_start3A_317 = tpu.memref_squeeze %dma_start3A_316 : memref<1x!tpu.dma_semaphore, #tpu.memory_space<semaphore_mem>> -> memref<!tpu.dma_semaphore, #tpu.memory_space<semaphore_mem>>
    tpu.enqueue_indirect_dma source(%dma_start3A_315 : memref<1000000x64xf32, #tpu.memory_space<hbm>>) target(%dma_start3A_309 : memref<512x64xf32, #tpu.memory_space<vmem>>) offsets(%dma_start3A_312 : memref<512xi32, #tpu.memory_space<vmem>>) semaphore(%dma_start3A_317 : memref<!tpu.dma_semaphore, #tpu.memory_space<semaphore_mem>>)
    %dma_wait3A_318 = arith.constant 4 : i32
    %dma_wait3A_319 = arith.constant 1 : i32
    %dma_wait3A_320 = arith.constant 1 : i32
    %dma_wait3A_321 = arith.constant 0 : i32
    %dma_wait3A_322 = arith.constant 0 : i32
    %dma_wait3A_323 = tpu.memref_slice %arg6[%dma_wait3A_319, %dma_wait3A_321, %dma_wait3A_322] : memref<3x512x64xf32, #tpu.memory_space<vmem>> -> memref<1x512x64xf32, #tpu.memory_space<vmem>>
    %dma_wait3A_324 = tpu.memref_squeeze %dma_wait3A_323 : memref<1x512x64xf32, #tpu.memory_space<vmem>> -> memref<512x64xf32, #tpu.memory_space<vmem>>
    %dma_wait3A_325 = arith.constant 0 : i32
    %dma_wait3A_326 = tpu.memref_slice %arg5[%dma_wait3A_318, %dma_wait3A_325] : memref<20x512xi32, #tpu.memory_space<vmem>> -> memref<1x512xi32, #tpu.memory_space<vmem>>
    %dma_wait3A_327 = tpu.memref_squeeze %dma_wait3A_326 : memref<1x512xi32, #tpu.memory_space<vmem>> -> memref<512xi32, #tpu.memory_space<vmem>>
    %dma_wait3A_328 = arith.constant 0 : i32
    %dma_wait3A_329 = arith.constant 0 : i32
    %dma_wait3A_330 = tpu.memref_slice %arg3[%dma_wait3A_328, %dma_wait3A_329] : memref<1000000x64xf32, #tpu.memory_space<hbm>> -> memref<1000000x64xf32, #tpu.memory_space<hbm>>
    %dma_wait3A_331 = tpu.memref_slice %arg7[%dma_wait3A_320] : memref<3x!tpu.dma_semaphore, #tpu.memory_space<semaphore_mem>> -> memref<1x!tpu.dma_semaphore, #tpu.memory_space<semaphore_mem>>
    %dma_wait3A_332 = tpu.memref_squeeze %dma_wait3A_331 : memref<1x!tpu.dma_semaphore, #tpu.memory_space<semaphore_mem>> -> memref<!tpu.dma_semaphore, #tpu.memory_space<semaphore_mem>>
    tpu.wait_indirect_dma semaphore(%dma_wait3A_332 : memref<!tpu.dma_semaphore, #tpu.memory_space<semaphore_mem>>) src(%dma_wait3A_330 : memref<1000000x64xf32, #tpu.memory_space<hbm>>) dst(%dma_wait3A_324 : memref<512x64xf32, #tpu.memory_space<vmem>>)
    %dma_start3A_333 = arith.constant 1 : i32
    %dma_start3A_334 = arith.constant 4 : i32
    %dma_start3A_335 = arith.constant 1 : i32
    %dma_start3A_336 = arith.constant 0 : i32
    %dma_start3A_337 = arith.constant 0 : i32
    %dma_start3A_338 = tpu.memref_slice %arg6[%dma_start3A_333, %dma_start3A_336, %dma_start3A_337] : memref<3x512x64xf32, #tpu.memory_space<vmem>> -> memref<1x512x64xf32, #tpu.memory_space<vmem>>
    %dma_start3A_339 = tpu.memref_squeeze %dma_start3A_338 : memref<1x512x64xf32, #tpu.memory_space<vmem>> -> memref<512x64xf32, #tpu.memory_space<vmem>>
    %dma_start3A_340 = arith.constant 0 : i32
    %dma_start3A_341 = tpu.memref_slice %arg4[%mul3A_2, %dma_start3A_334, %dma_start3A_340] : memref<16384x20x64xf32, #tpu.memory_space<hbm>> -> memref<512x1x64xf32, #tpu.memory_space<hbm>>
    %dma_start3A_342 = tpu.memref_squeeze %dma_start3A_341 : memref<512x1x64xf32, #tpu.memory_space<hbm>> -> memref<512x64xf32, #tpu.memory_space<hbm>>
    %dma_start3A_343 = tpu.memref_slice %arg8[%dma_start3A_335] : memref<3x!tpu.dma_semaphore, #tpu.memory_space<semaphore_mem>> -> memref<1x!tpu.dma_semaphore, #tpu.memory_space<semaphore_mem>>
    %dma_start3A_344 = tpu.memref_squeeze %dma_start3A_343 : memref<1x!tpu.dma_semaphore, #tpu.memory_space<semaphore_mem>> -> memref<!tpu.dma_semaphore, #tpu.memory_space<semaphore_mem>>
    %dma_start3A_345 = arith.constant 0 : i32
    %dma_start3A_346 = tpu.memref_slice %arg4[%mul3A_2, %dma_start3A_334, %dma_start3A_345] : memref<16384x20x64xf32, #tpu.memory_space<hbm>> -> memref<512x1x64xf32, #tpu.memory_space<hbm>>
    %dma_start3A_347 = tpu.memref_squeeze %dma_start3A_346 : memref<512x1x64xf32, #tpu.memory_space<hbm>> -> memref<512x64xf32, #tpu.memory_space<hbm>>
    %dma_start3A_348 = arith.constant 0 : i32
    %dma_start3A_349 = arith.constant 0 : i32
    %dma_start3A_350 = tpu.memref_slice %arg6[%dma_start3A_333, %dma_start3A_348, %dma_start3A_349] : memref<3x512x64xf32, #tpu.memory_space<vmem>> -> memref<1x512x64xf32, #tpu.memory_space<vmem>>
    %dma_start3A_351 = tpu.memref_squeeze %dma_start3A_350 : memref<1x512x64xf32, #tpu.memory_space<vmem>> -> memref<512x64xf32, #tpu.memory_space<vmem>>
    tpu.enqueue_dma source(%dma_start3A_351 : memref<512x64xf32, #tpu.memory_space<vmem>>) target(%dma_start3A_347 : memref<512x64xf32, #tpu.memory_space<hbm>>) target_semaphore(%dma_start3A_344 : memref<!tpu.dma_semaphore, #tpu.memory_space<semaphore_mem>>)
    %dma_wait3A_352 = arith.constant 1 : i32
    %dma_wait3A_353 = arith.constant 4 : i32
    %dma_wait3A_354 = arith.constant 1 : i32
    %dma_wait3A_355 = arith.constant 0 : i32
    %dma_wait3A_356 = arith.constant 0 : i32
    %dma_wait3A_357 = tpu.memref_slice %arg6[%dma_wait3A_352, %dma_wait3A_355, %dma_wait3A_356] : memref<3x512x64xf32, #tpu.memory_space<vmem>> -> memref<1x512x64xf32, #tpu.memory_space<vmem>>
    %dma_wait3A_358 = tpu.memref_squeeze %dma_wait3A_357 : memref<1x512x64xf32, #tpu.memory_space<vmem>> -> memref<512x64xf32, #tpu.memory_space<vmem>>
    %dma_wait3A_359 = arith.constant 0 : i32
    %dma_wait3A_360 = tpu.memref_slice %arg4[%mul3A_2, %dma_wait3A_353, %dma_wait3A_359] : memref<16384x20x64xf32, #tpu.memory_space<hbm>> -> memref<512x1x64xf32, #tpu.memory_space<hbm>>
    %dma_wait3A_361 = tpu.memref_squeeze %dma_wait3A_360 : memref<512x1x64xf32, #tpu.memory_space<hbm>> -> memref<512x64xf32, #tpu.memory_space<hbm>>
    %dma_wait3A_362 = tpu.memref_slice %arg8[%dma_wait3A_354] : memref<3x!tpu.dma_semaphore, #tpu.memory_space<semaphore_mem>> -> memref<1x!tpu.dma_semaphore, #tpu.memory_space<semaphore_mem>>
    %dma_wait3A_363 = tpu.memref_squeeze %dma_wait3A_362 : memref<1x!tpu.dma_semaphore, #tpu.memory_space<semaphore_mem>> -> memref<!tpu.dma_semaphore, #tpu.memory_space<semaphore_mem>>
    %dma_wait3A_364 = arith.constant 0 : i32
    %dma_wait3A_365 = tpu.memref_slice %arg4[%mul3A_2, %dma_wait3A_353, %dma_wait3A_364] : memref<16384x20x64xf32, #tpu.memory_space<hbm>> -> memref<512x1x64xf32, #tpu.memory_space<hbm>>
    %dma_wait3A_366 = tpu.memref_squeeze %dma_wait3A_365 : memref<512x1x64xf32, #tpu.memory_space<hbm>> -> memref<512x64xf32, #tpu.memory_space<hbm>>
    %dma_wait3A_367 = arith.constant 0 : i32
    %dma_wait3A_368 = arith.constant 0 : i32
    %dma_wait3A_369 = tpu.memref_slice %arg6[%dma_wait3A_352, %dma_wait3A_367, %dma_wait3A_368] : memref<3x512x64xf32, #tpu.memory_space<vmem>> -> memref<1x512x64xf32, #tpu.memory_space<vmem>>
    %dma_wait3A_370 = tpu.memref_squeeze %dma_wait3A_369 : memref<1x512x64xf32, #tpu.memory_space<vmem>> -> memref<512x64xf32, #tpu.memory_space<vmem>>
    tpu.wait_dma2 semaphore(%dma_wait3A_363 : memref<!tpu.dma_semaphore, #tpu.memory_space<semaphore_mem>>) src(%dma_wait3A_370 : memref<512x64xf32, #tpu.memory_space<vmem>>) dst(%dma_wait3A_366 : memref<512x64xf32, #tpu.memory_space<hbm>>)
    %dma_start3A_371 = arith.constant 7 : i32
    %dma_start3A_372 = arith.constant 1 : i32
    %dma_start3A_373 = arith.constant 1 : i32
    %dma_start3A_374 = arith.constant 0 : i32
    %dma_start3A_375 = arith.constant 0 : i32
    %dma_start3A_376 = tpu.memref_slice %arg6[%dma_start3A_372, %dma_start3A_374, %dma_start3A_375] : memref<3x512x64xf32, #tpu.memory_space<vmem>> -> memref<1x512x64xf32, #tpu.memory_space<vmem>>
    %dma_start3A_377 = tpu.memref_squeeze %dma_start3A_376 : memref<1x512x64xf32, #tpu.memory_space<vmem>> -> memref<512x64xf32, #tpu.memory_space<vmem>>
    %dma_start3A_378 = arith.constant 0 : i32
    %dma_start3A_379 = tpu.memref_slice %arg5[%dma_start3A_371, %dma_start3A_378] : memref<20x512xi32, #tpu.memory_space<vmem>> -> memref<1x512xi32, #tpu.memory_space<vmem>>
    %dma_start3A_380 = tpu.memref_squeeze %dma_start3A_379 : memref<1x512xi32, #tpu.memory_space<vmem>> -> memref<512xi32, #tpu.memory_space<vmem>>
    %dma_start3A_381 = arith.constant 0 : i32
    %dma_start3A_382 = arith.constant 0 : i32
    %dma_start3A_383 = tpu.memref_slice %arg3[%dma_start3A_381, %dma_start3A_382] : memref<1000000x64xf32, #tpu.memory_space<hbm>> -> memref<1000000x64xf32, #tpu.memory_space<hbm>>
    %dma_start3A_384 = tpu.memref_slice %arg7[%dma_start3A_373] : memref<3x!tpu.dma_semaphore, #tpu.memory_space<semaphore_mem>> -> memref<1x!tpu.dma_semaphore, #tpu.memory_space<semaphore_mem>>
    %dma_start3A_385 = tpu.memref_squeeze %dma_start3A_384 : memref<1x!tpu.dma_semaphore, #tpu.memory_space<semaphore_mem>> -> memref<!tpu.dma_semaphore, #tpu.memory_space<semaphore_mem>>
    tpu.enqueue_indirect_dma source(%dma_start3A_383 : memref<1000000x64xf32, #tpu.memory_space<hbm>>) target(%dma_start3A_377 : memref<512x64xf32, #tpu.memory_space<vmem>>) offsets(%dma_start3A_380 : memref<512xi32, #tpu.memory_space<vmem>>) semaphore(%dma_start3A_385 : memref<!tpu.dma_semaphore, #tpu.memory_space<semaphore_mem>>)
    %dma_wait3A_386 = arith.constant 5 : i32
    %dma_wait3A_387 = arith.constant 2 : i32
    %dma_wait3A_388 = arith.constant 2 : i32
    %dma_wait3A_389 = arith.constant 0 : i32
    %dma_wait3A_390 = arith.constant 0 : i32
    %dma_wait3A_391 = tpu.memref_slice %arg6[%dma_wait3A_387, %dma_wait3A_389, %dma_wait3A_390] : memref<3x512x64xf32, #tpu.memory_space<vmem>> -> memref<1x512x64xf32, #tpu.memory_space<vmem>>
    %dma_wait3A_392 = tpu.memref_squeeze %dma_wait3A_391 : memref<1x512x64xf32, #tpu.memory_space<vmem>> -> memref<512x64xf32, #tpu.memory_space<vmem>>
    %dma_wait3A_393 = arith.constant 0 : i32
    %dma_wait3A_394 = tpu.memref_slice %arg5[%dma_wait3A_386, %dma_wait3A_393] : memref<20x512xi32, #tpu.memory_space<vmem>> -> memref<1x512xi32, #tpu.memory_space<vmem>>
    %dma_wait3A_395 = tpu.memref_squeeze %dma_wait3A_394 : memref<1x512xi32, #tpu.memory_space<vmem>> -> memref<512xi32, #tpu.memory_space<vmem>>
    %dma_wait3A_396 = arith.constant 0 : i32
    %dma_wait3A_397 = arith.constant 0 : i32
    %dma_wait3A_398 = tpu.memref_slice %arg3[%dma_wait3A_396, %dma_wait3A_397] : memref<1000000x64xf32, #tpu.memory_space<hbm>> -> memref<1000000x64xf32, #tpu.memory_space<hbm>>
    %dma_wait3A_399 = tpu.memref_slice %arg7[%dma_wait3A_388] : memref<3x!tpu.dma_semaphore, #tpu.memory_space<semaphore_mem>> -> memref<1x!tpu.dma_semaphore, #tpu.memory_space<semaphore_mem>>
    %dma_wait3A_400 = tpu.memref_squeeze %dma_wait3A_399 : memref<1x!tpu.dma_semaphore, #tpu.memory_space<semaphore_mem>> -> memref<!tpu.dma_semaphore, #tpu.memory_space<semaphore_mem>>
    tpu.wait_indirect_dma semaphore(%dma_wait3A_400 : memref<!tpu.dma_semaphore, #tpu.memory_space<semaphore_mem>>) src(%dma_wait3A_398 : memref<1000000x64xf32, #tpu.memory_space<hbm>>) dst(%dma_wait3A_392 : memref<512x64xf32, #tpu.memory_space<vmem>>)
    %dma_start3A_401 = arith.constant 2 : i32
    %dma_start3A_402 = arith.constant 5 : i32
    %dma_start3A_403 = arith.constant 2 : i32
    %dma_start3A_404 = arith.constant 0 : i32
    %dma_start3A_405 = arith.constant 0 : i32
    %dma_start3A_406 = tpu.memref_slice %arg6[%dma_start3A_401, %dma_start3A_404, %dma_start3A_405] : memref<3x512x64xf32, #tpu.memory_space<vmem>> -> memref<1x512x64xf32, #tpu.memory_space<vmem>>
    %dma_start3A_407 = tpu.memref_squeeze %dma_start3A_406 : memref<1x512x64xf32, #tpu.memory_space<vmem>> -> memref<512x64xf32, #tpu.memory_space<vmem>>
    %dma_start3A_408 = arith.constant 0 : i32
    %dma_start3A_409 = tpu.memref_slice %arg4[%mul3A_2, %dma_start3A_402, %dma_start3A_408] : memref<16384x20x64xf32, #tpu.memory_space<hbm>> -> memref<512x1x64xf32, #tpu.memory_space<hbm>>
    %dma_start3A_410 = tpu.memref_squeeze %dma_start3A_409 : memref<512x1x64xf32, #tpu.memory_space<hbm>> -> memref<512x64xf32, #tpu.memory_space<hbm>>
    %dma_start3A_411 = tpu.memref_slice %arg8[%dma_start3A_403] : memref<3x!tpu.dma_semaphore, #tpu.memory_space<semaphore_mem>> -> memref<1x!tpu.dma_semaphore, #tpu.memory_space<semaphore_mem>>
    %dma_start3A_412 = tpu.memref_squeeze %dma_start3A_411 : memref<1x!tpu.dma_semaphore, #tpu.memory_space<semaphore_mem>> -> memref<!tpu.dma_semaphore, #tpu.memory_space<semaphore_mem>>
    %dma_start3A_413 = arith.constant 0 : i32
    %dma_start3A_414 = tpu.memref_slice %arg4[%mul3A_2, %dma_start3A_402, %dma_start3A_413] : memref<16384x20x64xf32, #tpu.memory_space<hbm>> -> memref<512x1x64xf32, #tpu.memory_space<hbm>>
    %dma_start3A_415 = tpu.memref_squeeze %dma_start3A_414 : memref<512x1x64xf32, #tpu.memory_space<hbm>> -> memref<512x64xf32, #tpu.memory_space<hbm>>
    %dma_start3A_416 = arith.constant 0 : i32
    %dma_start3A_417 = arith.constant 0 : i32
    %dma_start3A_418 = tpu.memref_slice %arg6[%dma_start3A_401, %dma_start3A_416, %dma_start3A_417] : memref<3x512x64xf32, #tpu.memory_space<vmem>> -> memref<1x512x64xf32, #tpu.memory_space<vmem>>
    %dma_start3A_419 = tpu.memref_squeeze %dma_start3A_418 : memref<1x512x64xf32, #tpu.memory_space<vmem>> -> memref<512x64xf32, #tpu.memory_space<vmem>>
    tpu.enqueue_dma source(%dma_start3A_419 : memref<512x64xf32, #tpu.memory_space<vmem>>) target(%dma_start3A_415 : memref<512x64xf32, #tpu.memory_space<hbm>>) target_semaphore(%dma_start3A_412 : memref<!tpu.dma_semaphore, #tpu.memory_space<semaphore_mem>>)
    %dma_wait3A_420 = arith.constant 2 : i32
    %dma_wait3A_421 = arith.constant 5 : i32
    %dma_wait3A_422 = arith.constant 2 : i32
    %dma_wait3A_423 = arith.constant 0 : i32
    %dma_wait3A_424 = arith.constant 0 : i32
    %dma_wait3A_425 = tpu.memref_slice %arg6[%dma_wait3A_420, %dma_wait3A_423, %dma_wait3A_424] : memref<3x512x64xf32, #tpu.memory_space<vmem>> -> memref<1x512x64xf32, #tpu.memory_space<vmem>>
    %dma_wait3A_426 = tpu.memref_squeeze %dma_wait3A_425 : memref<1x512x64xf32, #tpu.memory_space<vmem>> -> memref<512x64xf32, #tpu.memory_space<vmem>>
    %dma_wait3A_427 = arith.constant 0 : i32
    %dma_wait3A_428 = tpu.memref_slice %arg4[%mul3A_2, %dma_wait3A_421, %dma_wait3A_427] : memref<16384x20x64xf32, #tpu.memory_space<hbm>> -> memref<512x1x64xf32, #tpu.memory_space<hbm>>
    %dma_wait3A_429 = tpu.memref_squeeze %dma_wait3A_428 : memref<512x1x64xf32, #tpu.memory_space<hbm>> -> memref<512x64xf32, #tpu.memory_space<hbm>>
    %dma_wait3A_430 = tpu.memref_slice %arg8[%dma_wait3A_422] : memref<3x!tpu.dma_semaphore, #tpu.memory_space<semaphore_mem>> -> memref<1x!tpu.dma_semaphore, #tpu.memory_space<semaphore_mem>>
    %dma_wait3A_431 = tpu.memref_squeeze %dma_wait3A_430 : memref<1x!tpu.dma_semaphore, #tpu.memory_space<semaphore_mem>> -> memref<!tpu.dma_semaphore, #tpu.memory_space<semaphore_mem>>
    %dma_wait3A_432 = arith.constant 0 : i32
    %dma_wait3A_433 = tpu.memref_slice %arg4[%mul3A_2, %dma_wait3A_421, %dma_wait3A_432] : memref<16384x20x64xf32, #tpu.memory_space<hbm>> -> memref<512x1x64xf32, #tpu.memory_space<hbm>>
    %dma_wait3A_434 = tpu.memref_squeeze %dma_wait3A_433 : memref<512x1x64xf32, #tpu.memory_space<hbm>> -> memref<512x64xf32, #tpu.memory_space<hbm>>
    %dma_wait3A_435 = arith.constant 0 : i32
    %dma_wait3A_436 = arith.constant 0 : i32
    %dma_wait3A_437 = tpu.memref_slice %arg6[%dma_wait3A_420, %dma_wait3A_435, %dma_wait3A_436] : memref<3x512x64xf32, #tpu.memory_space<vmem>> -> memref<1x512x64xf32, #tpu.memory_space<vmem>>
    %dma_wait3A_438 = tpu.memref_squeeze %dma_wait3A_437 : memref<1x512x64xf32, #tpu.memory_space<vmem>> -> memref<512x64xf32, #tpu.memory_space<vmem>>
    tpu.wait_dma2 semaphore(%dma_wait3A_431 : memref<!tpu.dma_semaphore, #tpu.memory_space<semaphore_mem>>) src(%dma_wait3A_438 : memref<512x64xf32, #tpu.memory_space<vmem>>) dst(%dma_wait3A_434 : memref<512x64xf32, #tpu.memory_space<hbm>>)
    %dma_start3A_439 = arith.constant 8 : i32
    %dma_start3A_440 = arith.constant 2 : i32
    %dma_start3A_441 = arith.constant 2 : i32
    %dma_start3A_442 = arith.constant 0 : i32
    %dma_start3A_443 = arith.constant 0 : i32
    %dma_start3A_444 = tpu.memref_slice %arg6[%dma_start3A_440, %dma_start3A_442, %dma_start3A_443] : memref<3x512x64xf32, #tpu.memory_space<vmem>> -> memref<1x512x64xf32, #tpu.memory_space<vmem>>
    %dma_start3A_445 = tpu.memref_squeeze %dma_start3A_444 : memref<1x512x64xf32, #tpu.memory_space<vmem>> -> memref<512x64xf32, #tpu.memory_space<vmem>>
    %dma_start3A_446 = arith.constant 0 : i32
    %dma_start3A_447 = tpu.memref_slice %arg5[%dma_start3A_439, %dma_start3A_446] : memref<20x512xi32, #tpu.memory_space<vmem>> -> memref<1x512xi32, #tpu.memory_space<vmem>>
    %dma_start3A_448 = tpu.memref_squeeze %dma_start3A_447 : memref<1x512xi32, #tpu.memory_space<vmem>> -> memref<512xi32, #tpu.memory_space<vmem>>
    %dma_start3A_449 = arith.constant 0 : i32
    %dma_start3A_450 = arith.constant 0 : i32
    %dma_start3A_451 = tpu.memref_slice %arg3[%dma_start3A_449, %dma_start3A_450] : memref<1000000x64xf32, #tpu.memory_space<hbm>> -> memref<1000000x64xf32, #tpu.memory_space<hbm>>
    %dma_start3A_452 = tpu.memref_slice %arg7[%dma_start3A_441] : memref<3x!tpu.dma_semaphore, #tpu.memory_space<semaphore_mem>> -> memref<1x!tpu.dma_semaphore, #tpu.memory_space<semaphore_mem>>
    %dma_start3A_453 = tpu.memref_squeeze %dma_start3A_452 : memref<1x!tpu.dma_semaphore, #tpu.memory_space<semaphore_mem>> -> memref<!tpu.dma_semaphore, #tpu.memory_space<semaphore_mem>>
    tpu.enqueue_indirect_dma source(%dma_start3A_451 : memref<1000000x64xf32, #tpu.memory_space<hbm>>) target(%dma_start3A_445 : memref<512x64xf32, #tpu.memory_space<vmem>>) offsets(%dma_start3A_448 : memref<512xi32, #tpu.memory_space<vmem>>) semaphore(%dma_start3A_453 : memref<!tpu.dma_semaphore, #tpu.memory_space<semaphore_mem>>)
    %dma_wait3A_454 = arith.constant 6 : i32
    %dma_wait3A_455 = arith.constant 0 : i32
    %dma_wait3A_456 = arith.constant 0 : i32
    %dma_wait3A_457 = arith.constant 0 : i32
    %dma_wait3A_458 = arith.constant 0 : i32
    %dma_wait3A_459 = tpu.memref_slice %arg6[%dma_wait3A_455, %dma_wait3A_457, %dma_wait3A_458] : memref<3x512x64xf32, #tpu.memory_space<vmem>> -> memref<1x512x64xf32, #tpu.memory_space<vmem>>
    %dma_wait3A_460 = tpu.memref_squeeze %dma_wait3A_459 : memref<1x512x64xf32, #tpu.memory_space<vmem>> -> memref<512x64xf32, #tpu.memory_space<vmem>>
    %dma_wait3A_461 = arith.constant 0 : i32
    %dma_wait3A_462 = tpu.memref_slice %arg5[%dma_wait3A_454, %dma_wait3A_461] : memref<20x512xi32, #tpu.memory_space<vmem>> -> memref<1x512xi32, #tpu.memory_space<vmem>>
    %dma_wait3A_463 = tpu.memref_squeeze %dma_wait3A_462 : memref<1x512xi32, #tpu.memory_space<vmem>> -> memref<512xi32, #tpu.memory_space<vmem>>
    %dma_wait3A_464 = arith.constant 0 : i32
    %dma_wait3A_465 = arith.constant 0 : i32
    %dma_wait3A_466 = tpu.memref_slice %arg3[%dma_wait3A_464, %dma_wait3A_465] : memref<1000000x64xf32, #tpu.memory_space<hbm>> -> memref<1000000x64xf32, #tpu.memory_space<hbm>>
    %dma_wait3A_467 = tpu.memref_slice %arg7[%dma_wait3A_456] : memref<3x!tpu.dma_semaphore, #tpu.memory_space<semaphore_mem>> -> memref<1x!tpu.dma_semaphore, #tpu.memory_space<semaphore_mem>>
    %dma_wait3A_468 = tpu.memref_squeeze %dma_wait3A_467 : memref<1x!tpu.dma_semaphore, #tpu.memory_space<semaphore_mem>> -> memref<!tpu.dma_semaphore, #tpu.memory_space<semaphore_mem>>
    tpu.wait_indirect_dma semaphore(%dma_wait3A_468 : memref<!tpu.dma_semaphore, #tpu.memory_space<semaphore_mem>>) src(%dma_wait3A_466 : memref<1000000x64xf32, #tpu.memory_space<hbm>>) dst(%dma_wait3A_460 : memref<512x64xf32, #tpu.memory_space<vmem>>)
    %dma_start3A_469 = arith.constant 0 : i32
    %dma_start3A_470 = arith.constant 6 : i32
    %dma_start3A_471 = arith.constant 0 : i32
    %dma_start3A_472 = arith.constant 0 : i32
    %dma_start3A_473 = arith.constant 0 : i32
    %dma_start3A_474 = tpu.memref_slice %arg6[%dma_start3A_469, %dma_start3A_472, %dma_start3A_473] : memref<3x512x64xf32, #tpu.memory_space<vmem>> -> memref<1x512x64xf32, #tpu.memory_space<vmem>>
    %dma_start3A_475 = tpu.memref_squeeze %dma_start3A_474 : memref<1x512x64xf32, #tpu.memory_space<vmem>> -> memref<512x64xf32, #tpu.memory_space<vmem>>
    %dma_start3A_476 = arith.constant 0 : i32
    %dma_start3A_477 = tpu.memref_slice %arg4[%mul3A_2, %dma_start3A_470, %dma_start3A_476] : memref<16384x20x64xf32, #tpu.memory_space<hbm>> -> memref<512x1x64xf32, #tpu.memory_space<hbm>>
    %dma_start3A_478 = tpu.memref_squeeze %dma_start3A_477 : memref<512x1x64xf32, #tpu.memory_space<hbm>> -> memref<512x64xf32, #tpu.memory_space<hbm>>
    %dma_start3A_479 = tpu.memref_slice %arg8[%dma_start3A_471] : memref<3x!tpu.dma_semaphore, #tpu.memory_space<semaphore_mem>> -> memref<1x!tpu.dma_semaphore, #tpu.memory_space<semaphore_mem>>
    %dma_start3A_480 = tpu.memref_squeeze %dma_start3A_479 : memref<1x!tpu.dma_semaphore, #tpu.memory_space<semaphore_mem>> -> memref<!tpu.dma_semaphore, #tpu.memory_space<semaphore_mem>>
    %dma_start3A_481 = arith.constant 0 : i32
    %dma_start3A_482 = tpu.memref_slice %arg4[%mul3A_2, %dma_start3A_470, %dma_start3A_481] : memref<16384x20x64xf32, #tpu.memory_space<hbm>> -> memref<512x1x64xf32, #tpu.memory_space<hbm>>
    %dma_start3A_483 = tpu.memref_squeeze %dma_start3A_482 : memref<512x1x64xf32, #tpu.memory_space<hbm>> -> memref<512x64xf32, #tpu.memory_space<hbm>>
    %dma_start3A_484 = arith.constant 0 : i32
    %dma_start3A_485 = arith.constant 0 : i32
    %dma_start3A_486 = tpu.memref_slice %arg6[%dma_start3A_469, %dma_start3A_484, %dma_start3A_485] : memref<3x512x64xf32, #tpu.memory_space<vmem>> -> memref<1x512x64xf32, #tpu.memory_space<vmem>>
    %dma_start3A_487 = tpu.memref_squeeze %dma_start3A_486 : memref<1x512x64xf32, #tpu.memory_space<vmem>> -> memref<512x64xf32, #tpu.memory_space<vmem>>
    tpu.enqueue_dma source(%dma_start3A_487 : memref<512x64xf32, #tpu.memory_space<vmem>>) target(%dma_start3A_483 : memref<512x64xf32, #tpu.memory_space<hbm>>) target_semaphore(%dma_start3A_480 : memref<!tpu.dma_semaphore, #tpu.memory_space<semaphore_mem>>)
    %dma_wait3A_488 = arith.constant 0 : i32
    %dma_wait3A_489 = arith.constant 6 : i32
    %dma_wait3A_490 = arith.constant 0 : i32
    %dma_wait3A_491 = arith.constant 0 : i32
    %dma_wait3A_492 = arith.constant 0 : i32
    %dma_wait3A_493 = tpu.memref_slice %arg6[%dma_wait3A_488, %dma_wait3A_491, %dma_wait3A_492] : memref<3x512x64xf32, #tpu.memory_space<vmem>> -> memref<1x512x64xf32, #tpu.memory_space<vmem>>
    %dma_wait3A_494 = tpu.memref_squeeze %dma_wait3A_493 : memref<1x512x64xf32, #tpu.memory_space<vmem>> -> memref<512x64xf32, #tpu.memory_space<vmem>>
    %dma_wait3A_495 = arith.constant 0 : i32
    %dma_wait3A_496 = tpu.memref_slice %arg4[%mul3A_2, %dma_wait3A_489, %dma_wait3A_495] : memref<16384x20x64xf32, #tpu.memory_space<hbm>> -> memref<512x1x64xf32, #tpu.memory_space<hbm>>
    %dma_wait3A_497 = tpu.memref_squeeze %dma_wait3A_496 : memref<512x1x64xf32, #tpu.memory_space<hbm>> -> memref<512x64xf32, #tpu.memory_space<hbm>>
    %dma_wait3A_498 = tpu.memref_slice %arg8[%dma_wait3A_490] : memref<3x!tpu.dma_semaphore, #tpu.memory_space<semaphore_mem>> -> memref<1x!tpu.dma_semaphore, #tpu.memory_space<semaphore_mem>>
    %dma_wait3A_499 = tpu.memref_squeeze %dma_wait3A_498 : memref<1x!tpu.dma_semaphore, #tpu.memory_space<semaphore_mem>> -> memref<!tpu.dma_semaphore, #tpu.memory_space<semaphore_mem>>
    %dma_wait3A_500 = arith.constant 0 : i32
    %dma_wait3A_501 = tpu.memref_slice %arg4[%mul3A_2, %dma_wait3A_489, %dma_wait3A_500] : memref<16384x20x64xf32, #tpu.memory_space<hbm>> -> memref<512x1x64xf32, #tpu.memory_space<hbm>>
    %dma_wait3A_502 = tpu.memref_squeeze %dma_wait3A_501 : memref<512x1x64xf32, #tpu.memory_space<hbm>> -> memref<512x64xf32, #tpu.memory_space<hbm>>
    %dma_wait3A_503 = arith.constant 0 : i32
    %dma_wait3A_504 = arith.constant 0 : i32
    %dma_wait3A_505 = tpu.memref_slice %arg6[%dma_wait3A_488, %dma_wait3A_503, %dma_wait3A_504] : memref<3x512x64xf32, #tpu.memory_space<vmem>> -> memref<1x512x64xf32, #tpu.memory_space<vmem>>
    %dma_wait3A_506 = tpu.memref_squeeze %dma_wait3A_505 : memref<1x512x64xf32, #tpu.memory_space<vmem>> -> memref<512x64xf32, #tpu.memory_space<vmem>>
    tpu.wait_dma2 semaphore(%dma_wait3A_499 : memref<!tpu.dma_semaphore, #tpu.memory_space<semaphore_mem>>) src(%dma_wait3A_506 : memref<512x64xf32, #tpu.memory_space<vmem>>) dst(%dma_wait3A_502 : memref<512x64xf32, #tpu.memory_space<hbm>>)
    %dma_start3A_507 = arith.constant 9 : i32
    %dma_start3A_508 = arith.constant 0 : i32
    %dma_start3A_509 = arith.constant 0 : i32
    %dma_start3A_510 = arith.constant 0 : i32
    %dma_start3A_511 = arith.constant 0 : i32
    %dma_start3A_512 = tpu.memref_slice %arg6[%dma_start3A_508, %dma_start3A_510, %dma_start3A_511] : memref<3x512x64xf32, #tpu.memory_space<vmem>> -> memref<1x512x64xf32, #tpu.memory_space<vmem>>
    %dma_start3A_513 = tpu.memref_squeeze %dma_start3A_512 : memref<1x512x64xf32, #tpu.memory_space<vmem>> -> memref<512x64xf32, #tpu.memory_space<vmem>>
    %dma_start3A_514 = arith.constant 0 : i32
    %dma_start3A_515 = tpu.memref_slice %arg5[%dma_start3A_507, %dma_start3A_514] : memref<20x512xi32, #tpu.memory_space<vmem>> -> memref<1x512xi32, #tpu.memory_space<vmem>>
    %dma_start3A_516 = tpu.memref_squeeze %dma_start3A_515 : memref<1x512xi32, #tpu.memory_space<vmem>> -> memref<512xi32, #tpu.memory_space<vmem>>
    %dma_start3A_517 = arith.constant 0 : i32
    %dma_start3A_518 = arith.constant 0 : i32
    %dma_start3A_519 = tpu.memref_slice %arg3[%dma_start3A_517, %dma_start3A_518] : memref<1000000x64xf32, #tpu.memory_space<hbm>> -> memref<1000000x64xf32, #tpu.memory_space<hbm>>
    %dma_start3A_520 = tpu.memref_slice %arg7[%dma_start3A_509] : memref<3x!tpu.dma_semaphore, #tpu.memory_space<semaphore_mem>> -> memref<1x!tpu.dma_semaphore, #tpu.memory_space<semaphore_mem>>
    %dma_start3A_521 = tpu.memref_squeeze %dma_start3A_520 : memref<1x!tpu.dma_semaphore, #tpu.memory_space<semaphore_mem>> -> memref<!tpu.dma_semaphore, #tpu.memory_space<semaphore_mem>>
    tpu.enqueue_indirect_dma source(%dma_start3A_519 : memref<1000000x64xf32, #tpu.memory_space<hbm>>) target(%dma_start3A_513 : memref<512x64xf32, #tpu.memory_space<vmem>>) offsets(%dma_start3A_516 : memref<512xi32, #tpu.memory_space<vmem>>) semaphore(%dma_start3A_521 : memref<!tpu.dma_semaphore, #tpu.memory_space<semaphore_mem>>)
    %dma_wait3A_522 = arith.constant 7 : i32
    %dma_wait3A_523 = arith.constant 1 : i32
    %dma_wait3A_524 = arith.constant 1 : i32
    %dma_wait3A_525 = arith.constant 0 : i32
    %dma_wait3A_526 = arith.constant 0 : i32
    %dma_wait3A_527 = tpu.memref_slice %arg6[%dma_wait3A_523, %dma_wait3A_525, %dma_wait3A_526] : memref<3x512x64xf32, #tpu.memory_space<vmem>> -> memref<1x512x64xf32, #tpu.memory_space<vmem>>
    %dma_wait3A_528 = tpu.memref_squeeze %dma_wait3A_527 : memref<1x512x64xf32, #tpu.memory_space<vmem>> -> memref<512x64xf32, #tpu.memory_space<vmem>>
    %dma_wait3A_529 = arith.constant 0 : i32
    %dma_wait3A_530 = tpu.memref_slice %arg5[%dma_wait3A_522, %dma_wait3A_529] : memref<20x512xi32, #tpu.memory_space<vmem>> -> memref<1x512xi32, #tpu.memory_space<vmem>>
    %dma_wait3A_531 = tpu.memref_squeeze %dma_wait3A_530 : memref<1x512xi32, #tpu.memory_space<vmem>> -> memref<512xi32, #tpu.memory_space<vmem>>
    %dma_wait3A_532 = arith.constant 0 : i32
    %dma_wait3A_533 = arith.constant 0 : i32
    %dma_wait3A_534 = tpu.memref_slice %arg3[%dma_wait3A_532, %dma_wait3A_533] : memref<1000000x64xf32, #tpu.memory_space<hbm>> -> memref<1000000x64xf32, #tpu.memory_space<hbm>>
    %dma_wait3A_535 = tpu.memref_slice %arg7[%dma_wait3A_524] : memref<3x!tpu.dma_semaphore, #tpu.memory_space<semaphore_mem>> -> memref<1x!tpu.dma_semaphore, #tpu.memory_space<semaphore_mem>>
    %dma_wait3A_536 = tpu.memref_squeeze %dma_wait3A_535 : memref<1x!tpu.dma_semaphore, #tpu.memory_space<semaphore_mem>> -> memref<!tpu.dma_semaphore, #tpu.memory_space<semaphore_mem>>
    tpu.wait_indirect_dma semaphore(%dma_wait3A_536 : memref<!tpu.dma_semaphore, #tpu.memory_space<semaphore_mem>>) src(%dma_wait3A_534 : memref<1000000x64xf32, #tpu.memory_space<hbm>>) dst(%dma_wait3A_528 : memref<512x64xf32, #tpu.memory_space<vmem>>)
    %dma_start3A_537 = arith.constant 1 : i32
    %dma_start3A_538 = arith.constant 7 : i32
    %dma_start3A_539 = arith.constant 1 : i32
    %dma_start3A_540 = arith.constant 0 : i32
    %dma_start3A_541 = arith.constant 0 : i32
    %dma_start3A_542 = tpu.memref_slice %arg6[%dma_start3A_537, %dma_start3A_540, %dma_start3A_541] : memref<3x512x64xf32, #tpu.memory_space<vmem>> -> memref<1x512x64xf32, #tpu.memory_space<vmem>>
    %dma_start3A_543 = tpu.memref_squeeze %dma_start3A_542 : memref<1x512x64xf32, #tpu.memory_space<vmem>> -> memref<512x64xf32, #tpu.memory_space<vmem>>
    %dma_start3A_544 = arith.constant 0 : i32
    %dma_start3A_545 = tpu.memref_slice %arg4[%mul3A_2, %dma_start3A_538, %dma_start3A_544] : memref<16384x20x64xf32, #tpu.memory_space<hbm>> -> memref<512x1x64xf32, #tpu.memory_space<hbm>>
    %dma_start3A_546 = tpu.memref_squeeze %dma_start3A_545 : memref<512x1x64xf32, #tpu.memory_space<hbm>> -> memref<512x64xf32, #tpu.memory_space<hbm>>
    %dma_start3A_547 = tpu.memref_slice %arg8[%dma_start3A_539] : memref<3x!tpu.dma_semaphore, #tpu.memory_space<semaphore_mem>> -> memref<1x!tpu.dma_semaphore, #tpu.memory_space<semaphore_mem>>
    %dma_start3A_548 = tpu.memref_squeeze %dma_start3A_547 : memref<1x!tpu.dma_semaphore, #tpu.memory_space<semaphore_mem>> -> memref<!tpu.dma_semaphore, #tpu.memory_space<semaphore_mem>>
    %dma_start3A_549 = arith.constant 0 : i32
    %dma_start3A_550 = tpu.memref_slice %arg4[%mul3A_2, %dma_start3A_538, %dma_start3A_549] : memref<16384x20x64xf32, #tpu.memory_space<hbm>> -> memref<512x1x64xf32, #tpu.memory_space<hbm>>
    %dma_start3A_551 = tpu.memref_squeeze %dma_start3A_550 : memref<512x1x64xf32, #tpu.memory_space<hbm>> -> memref<512x64xf32, #tpu.memory_space<hbm>>
    %dma_start3A_552 = arith.constant 0 : i32
    %dma_start3A_553 = arith.constant 0 : i32
    %dma_start3A_554 = tpu.memref_slice %arg6[%dma_start3A_537, %dma_start3A_552, %dma_start3A_553] : memref<3x512x64xf32, #tpu.memory_space<vmem>> -> memref<1x512x64xf32, #tpu.memory_space<vmem>>
    %dma_start3A_555 = tpu.memref_squeeze %dma_start3A_554 : memref<1x512x64xf32, #tpu.memory_space<vmem>> -> memref<512x64xf32, #tpu.memory_space<vmem>>
    tpu.enqueue_dma source(%dma_start3A_555 : memref<512x64xf32, #tpu.memory_space<vmem>>) target(%dma_start3A_551 : memref<512x64xf32, #tpu.memory_space<hbm>>) target_semaphore(%dma_start3A_548 : memref<!tpu.dma_semaphore, #tpu.memory_space<semaphore_mem>>)
    %dma_wait3A_556 = arith.constant 1 : i32
    %dma_wait3A_557 = arith.constant 7 : i32
    %dma_wait3A_558 = arith.constant 1 : i32
    %dma_wait3A_559 = arith.constant 0 : i32
    %dma_wait3A_560 = arith.constant 0 : i32
    %dma_wait3A_561 = tpu.memref_slice %arg6[%dma_wait3A_556, %dma_wait3A_559, %dma_wait3A_560] : memref<3x512x64xf32, #tpu.memory_space<vmem>> -> memref<1x512x64xf32, #tpu.memory_space<vmem>>
    %dma_wait3A_562 = tpu.memref_squeeze %dma_wait3A_561 : memref<1x512x64xf32, #tpu.memory_space<vmem>> -> memref<512x64xf32, #tpu.memory_space<vmem>>
    %dma_wait3A_563 = arith.constant 0 : i32
    %dma_wait3A_564 = tpu.memref_slice %arg4[%mul3A_2, %dma_wait3A_557, %dma_wait3A_563] : memref<16384x20x64xf32, #tpu.memory_space<hbm>> -> memref<512x1x64xf32, #tpu.memory_space<hbm>>
    %dma_wait3A_565 = tpu.memref_squeeze %dma_wait3A_564 : memref<512x1x64xf32, #tpu.memory_space<hbm>> -> memref<512x64xf32, #tpu.memory_space<hbm>>
    %dma_wait3A_566 = tpu.memref_slice %arg8[%dma_wait3A_558] : memref<3x!tpu.dma_semaphore, #tpu.memory_space<semaphore_mem>> -> memref<1x!tpu.dma_semaphore, #tpu.memory_space<semaphore_mem>>
    %dma_wait3A_567 = tpu.memref_squeeze %dma_wait3A_566 : memref<1x!tpu.dma_semaphore, #tpu.memory_space<semaphore_mem>> -> memref<!tpu.dma_semaphore, #tpu.memory_space<semaphore_mem>>
    %dma_wait3A_568 = arith.constant 0 : i32
    %dma_wait3A_569 = tpu.memref_slice %arg4[%mul3A_2, %dma_wait3A_557, %dma_wait3A_568] : memref<16384x20x64xf32, #tpu.memory_space<hbm>> -> memref<512x1x64xf32, #tpu.memory_space<hbm>>
    %dma_wait3A_570 = tpu.memref_squeeze %dma_wait3A_569 : memref<512x1x64xf32, #tpu.memory_space<hbm>> -> memref<512x64xf32, #tpu.memory_space<hbm>>
    %dma_wait3A_571 = arith.constant 0 : i32
    %dma_wait3A_572 = arith.constant 0 : i32
    %dma_wait3A_573 = tpu.memref_slice %arg6[%dma_wait3A_556, %dma_wait3A_571, %dma_wait3A_572] : memref<3x512x64xf32, #tpu.memory_space<vmem>> -> memref<1x512x64xf32, #tpu.memory_space<vmem>>
    %dma_wait3A_574 = tpu.memref_squeeze %dma_wait3A_573 : memref<1x512x64xf32, #tpu.memory_space<vmem>> -> memref<512x64xf32, #tpu.memory_space<vmem>>
    tpu.wait_dma2 semaphore(%dma_wait3A_567 : memref<!tpu.dma_semaphore, #tpu.memory_space<semaphore_mem>>) src(%dma_wait3A_574 : memref<512x64xf32, #tpu.memory_space<vmem>>) dst(%dma_wait3A_570 : memref<512x64xf32, #tpu.memory_space<hbm>>)
    %dma_start3A_575 = arith.constant 10 : i32
    %dma_start3A_576 = arith.constant 1 : i32
    %dma_start3A_577 = arith.constant 1 : i32
    %dma_start3A_578 = arith.constant 0 : i32
    %dma_start3A_579 = arith.constant 0 : i32
    %dma_start3A_580 = tpu.memref_slice %arg6[%dma_start3A_576, %dma_start3A_578, %dma_start3A_579] : memref<3x512x64xf32, #tpu.memory_space<vmem>> -> memref<1x512x64xf32, #tpu.memory_space<vmem>>
    %dma_start3A_581 = tpu.memref_squeeze %dma_start3A_580 : memref<1x512x64xf32, #tpu.memory_space<vmem>> -> memref<512x64xf32, #tpu.memory_space<vmem>>
    %dma_start3A_582 = arith.constant 0 : i32
    %dma_start3A_583 = tpu.memref_slice %arg5[%dma_start3A_575, %dma_start3A_582] : memref<20x512xi32, #tpu.memory_space<vmem>> -> memref<1x512xi32, #tpu.memory_space<vmem>>
    %dma_start3A_584 = tpu.memref_squeeze %dma_start3A_583 : memref<1x512xi32, #tpu.memory_space<vmem>> -> memref<512xi32, #tpu.memory_space<vmem>>
    %dma_start3A_585 = arith.constant 0 : i32
    %dma_start3A_586 = arith.constant 0 : i32
    %dma_start3A_587 = tpu.memref_slice %arg3[%dma_start3A_585, %dma_start3A_586] : memref<1000000x64xf32, #tpu.memory_space<hbm>> -> memref<1000000x64xf32, #tpu.memory_space<hbm>>
    %dma_start3A_588 = tpu.memref_slice %arg7[%dma_start3A_577] : memref<3x!tpu.dma_semaphore, #tpu.memory_space<semaphore_mem>> -> memref<1x!tpu.dma_semaphore, #tpu.memory_space<semaphore_mem>>
    %dma_start3A_589 = tpu.memref_squeeze %dma_start3A_588 : memref<1x!tpu.dma_semaphore, #tpu.memory_space<semaphore_mem>> -> memref<!tpu.dma_semaphore, #tpu.memory_space<semaphore_mem>>
    tpu.enqueue_indirect_dma source(%dma_start3A_587 : memref<1000000x64xf32, #tpu.memory_space<hbm>>) target(%dma_start3A_581 : memref<512x64xf32, #tpu.memory_space<vmem>>) offsets(%dma_start3A_584 : memref<512xi32, #tpu.memory_space<vmem>>) semaphore(%dma_start3A_589 : memref<!tpu.dma_semaphore, #tpu.memory_space<semaphore_mem>>)
    %dma_wait3A_590 = arith.constant 8 : i32
    %dma_wait3A_591 = arith.constant 2 : i32
    %dma_wait3A_592 = arith.constant 2 : i32
    %dma_wait3A_593 = arith.constant 0 : i32
    %dma_wait3A_594 = arith.constant 0 : i32
    %dma_wait3A_595 = tpu.memref_slice %arg6[%dma_wait3A_591, %dma_wait3A_593, %dma_wait3A_594] : memref<3x512x64xf32, #tpu.memory_space<vmem>> -> memref<1x512x64xf32, #tpu.memory_space<vmem>>
    %dma_wait3A_596 = tpu.memref_squeeze %dma_wait3A_595 : memref<1x512x64xf32, #tpu.memory_space<vmem>> -> memref<512x64xf32, #tpu.memory_space<vmem>>
    %dma_wait3A_597 = arith.constant 0 : i32
    %dma_wait3A_598 = tpu.memref_slice %arg5[%dma_wait3A_590, %dma_wait3A_597] : memref<20x512xi32, #tpu.memory_space<vmem>> -> memref<1x512xi32, #tpu.memory_space<vmem>>
    %dma_wait3A_599 = tpu.memref_squeeze %dma_wait3A_598 : memref<1x512xi32, #tpu.memory_space<vmem>> -> memref<512xi32, #tpu.memory_space<vmem>>
    %dma_wait3A_600 = arith.constant 0 : i32
    %dma_wait3A_601 = arith.constant 0 : i32
    %dma_wait3A_602 = tpu.memref_slice %arg3[%dma_wait3A_600, %dma_wait3A_601] : memref<1000000x64xf32, #tpu.memory_space<hbm>> -> memref<1000000x64xf32, #tpu.memory_space<hbm>>
    %dma_wait3A_603 = tpu.memref_slice %arg7[%dma_wait3A_592] : memref<3x!tpu.dma_semaphore, #tpu.memory_space<semaphore_mem>> -> memref<1x!tpu.dma_semaphore, #tpu.memory_space<semaphore_mem>>
    %dma_wait3A_604 = tpu.memref_squeeze %dma_wait3A_603 : memref<1x!tpu.dma_semaphore, #tpu.memory_space<semaphore_mem>> -> memref<!tpu.dma_semaphore, #tpu.memory_space<semaphore_mem>>
    tpu.wait_indirect_dma semaphore(%dma_wait3A_604 : memref<!tpu.dma_semaphore, #tpu.memory_space<semaphore_mem>>) src(%dma_wait3A_602 : memref<1000000x64xf32, #tpu.memory_space<hbm>>) dst(%dma_wait3A_596 : memref<512x64xf32, #tpu.memory_space<vmem>>)
    %dma_start3A_605 = arith.constant 2 : i32
    %dma_start3A_606 = arith.constant 8 : i32
    %dma_start3A_607 = arith.constant 2 : i32
    %dma_start3A_608 = arith.constant 0 : i32
    %dma_start3A_609 = arith.constant 0 : i32
    %dma_start3A_610 = tpu.memref_slice %arg6[%dma_start3A_605, %dma_start3A_608, %dma_start3A_609] : memref<3x512x64xf32, #tpu.memory_space<vmem>> -> memref<1x512x64xf32, #tpu.memory_space<vmem>>
    %dma_start3A_611 = tpu.memref_squeeze %dma_start3A_610 : memref<1x512x64xf32, #tpu.memory_space<vmem>> -> memref<512x64xf32, #tpu.memory_space<vmem>>
    %dma_start3A_612 = arith.constant 0 : i32
    %dma_start3A_613 = tpu.memref_slice %arg4[%mul3A_2, %dma_start3A_606, %dma_start3A_612] : memref<16384x20x64xf32, #tpu.memory_space<hbm>> -> memref<512x1x64xf32, #tpu.memory_space<hbm>>
    %dma_start3A_614 = tpu.memref_squeeze %dma_start3A_613 : memref<512x1x64xf32, #tpu.memory_space<hbm>> -> memref<512x64xf32, #tpu.memory_space<hbm>>
    %dma_start3A_615 = tpu.memref_slice %arg8[%dma_start3A_607] : memref<3x!tpu.dma_semaphore, #tpu.memory_space<semaphore_mem>> -> memref<1x!tpu.dma_semaphore, #tpu.memory_space<semaphore_mem>>
    %dma_start3A_616 = tpu.memref_squeeze %dma_start3A_615 : memref<1x!tpu.dma_semaphore, #tpu.memory_space<semaphore_mem>> -> memref<!tpu.dma_semaphore, #tpu.memory_space<semaphore_mem>>
    %dma_start3A_617 = arith.constant 0 : i32
    %dma_start3A_618 = tpu.memref_slice %arg4[%mul3A_2, %dma_start3A_606, %dma_start3A_617] : memref<16384x20x64xf32, #tpu.memory_space<hbm>> -> memref<512x1x64xf32, #tpu.memory_space<hbm>>
    %dma_start3A_619 = tpu.memref_squeeze %dma_start3A_618 : memref<512x1x64xf32, #tpu.memory_space<hbm>> -> memref<512x64xf32, #tpu.memory_space<hbm>>
    %dma_start3A_620 = arith.constant 0 : i32
    %dma_start3A_621 = arith.constant 0 : i32
    %dma_start3A_622 = tpu.memref_slice %arg6[%dma_start3A_605, %dma_start3A_620, %dma_start3A_621] : memref<3x512x64xf32, #tpu.memory_space<vmem>> -> memref<1x512x64xf32, #tpu.memory_space<vmem>>
    %dma_start3A_623 = tpu.memref_squeeze %dma_start3A_622 : memref<1x512x64xf32, #tpu.memory_space<vmem>> -> memref<512x64xf32, #tpu.memory_space<vmem>>
    tpu.enqueue_dma source(%dma_start3A_623 : memref<512x64xf32, #tpu.memory_space<vmem>>) target(%dma_start3A_619 : memref<512x64xf32, #tpu.memory_space<hbm>>) target_semaphore(%dma_start3A_616 : memref<!tpu.dma_semaphore, #tpu.memory_space<semaphore_mem>>)
    %dma_wait3A_624 = arith.constant 2 : i32
    %dma_wait3A_625 = arith.constant 8 : i32
    %dma_wait3A_626 = arith.constant 2 : i32
    %dma_wait3A_627 = arith.constant 0 : i32
    %dma_wait3A_628 = arith.constant 0 : i32
    %dma_wait3A_629 = tpu.memref_slice %arg6[%dma_wait3A_624, %dma_wait3A_627, %dma_wait3A_628] : memref<3x512x64xf32, #tpu.memory_space<vmem>> -> memref<1x512x64xf32, #tpu.memory_space<vmem>>
    %dma_wait3A_630 = tpu.memref_squeeze %dma_wait3A_629 : memref<1x512x64xf32, #tpu.memory_space<vmem>> -> memref<512x64xf32, #tpu.memory_space<vmem>>
    %dma_wait3A_631 = arith.constant 0 : i32
    %dma_wait3A_632 = tpu.memref_slice %arg4[%mul3A_2, %dma_wait3A_625, %dma_wait3A_631] : memref<16384x20x64xf32, #tpu.memory_space<hbm>> -> memref<512x1x64xf32, #tpu.memory_space<hbm>>
    %dma_wait3A_633 = tpu.memref_squeeze %dma_wait3A_632 : memref<512x1x64xf32, #tpu.memory_space<hbm>> -> memref<512x64xf32, #tpu.memory_space<hbm>>
    %dma_wait3A_634 = tpu.memref_slice %arg8[%dma_wait3A_626] : memref<3x!tpu.dma_semaphore, #tpu.memory_space<semaphore_mem>> -> memref<1x!tpu.dma_semaphore, #tpu.memory_space<semaphore_mem>>
    %dma_wait3A_635 = tpu.memref_squeeze %dma_wait3A_634 : memref<1x!tpu.dma_semaphore, #tpu.memory_space<semaphore_mem>> -> memref<!tpu.dma_semaphore, #tpu.memory_space<semaphore_mem>>
    %dma_wait3A_636 = arith.constant 0 : i32
    %dma_wait3A_637 = tpu.memref_slice %arg4[%mul3A_2, %dma_wait3A_625, %dma_wait3A_636] : memref<16384x20x64xf32, #tpu.memory_space<hbm>> -> memref<512x1x64xf32, #tpu.memory_space<hbm>>
    %dma_wait3A_638 = tpu.memref_squeeze %dma_wait3A_637 : memref<512x1x64xf32, #tpu.memory_space<hbm>> -> memref<512x64xf32, #tpu.memory_space<hbm>>
    %dma_wait3A_639 = arith.constant 0 : i32
    %dma_wait3A_640 = arith.constant 0 : i32
    %dma_wait3A_641 = tpu.memref_slice %arg6[%dma_wait3A_624, %dma_wait3A_639, %dma_wait3A_640] : memref<3x512x64xf32, #tpu.memory_space<vmem>> -> memref<1x512x64xf32, #tpu.memory_space<vmem>>
    %dma_wait3A_642 = tpu.memref_squeeze %dma_wait3A_641 : memref<1x512x64xf32, #tpu.memory_space<vmem>> -> memref<512x64xf32, #tpu.memory_space<vmem>>
    tpu.wait_dma2 semaphore(%dma_wait3A_635 : memref<!tpu.dma_semaphore, #tpu.memory_space<semaphore_mem>>) src(%dma_wait3A_642 : memref<512x64xf32, #tpu.memory_space<vmem>>) dst(%dma_wait3A_638 : memref<512x64xf32, #tpu.memory_space<hbm>>)
    %dma_start3A_643 = arith.constant 11 : i32
    %dma_start3A_644 = arith.constant 2 : i32
    %dma_start3A_645 = arith.constant 2 : i32
    %dma_start3A_646 = arith.constant 0 : i32
    %dma_start3A_647 = arith.constant 0 : i32
    %dma_start3A_648 = tpu.memref_slice %arg6[%dma_start3A_644, %dma_start3A_646, %dma_start3A_647] : memref<3x512x64xf32, #tpu.memory_space<vmem>> -> memref<1x512x64xf32, #tpu.memory_space<vmem>>
    %dma_start3A_649 = tpu.memref_squeeze %dma_start3A_648 : memref<1x512x64xf32, #tpu.memory_space<vmem>> -> memref<512x64xf32, #tpu.memory_space<vmem>>
    %dma_start3A_650 = arith.constant 0 : i32
    %dma_start3A_651 = tpu.memref_slice %arg5[%dma_start3A_643, %dma_start3A_650] : memref<20x512xi32, #tpu.memory_space<vmem>> -> memref<1x512xi32, #tpu.memory_space<vmem>>
    %dma_start3A_652 = tpu.memref_squeeze %dma_start3A_651 : memref<1x512xi32, #tpu.memory_space<vmem>> -> memref<512xi32, #tpu.memory_space<vmem>>
    %dma_start3A_653 = arith.constant 0 : i32
    %dma_start3A_654 = arith.constant 0 : i32
    %dma_start3A_655 = tpu.memref_slice %arg3[%dma_start3A_653, %dma_start3A_654] : memref<1000000x64xf32, #tpu.memory_space<hbm>> -> memref<1000000x64xf32, #tpu.memory_space<hbm>>
    %dma_start3A_656 = tpu.memref_slice %arg7[%dma_start3A_645] : memref<3x!tpu.dma_semaphore, #tpu.memory_space<semaphore_mem>> -> memref<1x!tpu.dma_semaphore, #tpu.memory_space<semaphore_mem>>
    %dma_start3A_657 = tpu.memref_squeeze %dma_start3A_656 : memref<1x!tpu.dma_semaphore, #tpu.memory_space<semaphore_mem>> -> memref<!tpu.dma_semaphore, #tpu.memory_space<semaphore_mem>>
    tpu.enqueue_indirect_dma source(%dma_start3A_655 : memref<1000000x64xf32, #tpu.memory_space<hbm>>) target(%dma_start3A_649 : memref<512x64xf32, #tpu.memory_space<vmem>>) offsets(%dma_start3A_652 : memref<512xi32, #tpu.memory_space<vmem>>) semaphore(%dma_start3A_657 : memref<!tpu.dma_semaphore, #tpu.memory_space<semaphore_mem>>)
    %dma_wait3A_658 = arith.constant 9 : i32
    %dma_wait3A_659 = arith.constant 0 : i32
    %dma_wait3A_660 = arith.constant 0 : i32
    %dma_wait3A_661 = arith.constant 0 : i32
    %dma_wait3A_662 = arith.constant 0 : i32
    %dma_wait3A_663 = tpu.memref_slice %arg6[%dma_wait3A_659, %dma_wait3A_661, %dma_wait3A_662] : memref<3x512x64xf32, #tpu.memory_space<vmem>> -> memref<1x512x64xf32, #tpu.memory_space<vmem>>
    %dma_wait3A_664 = tpu.memref_squeeze %dma_wait3A_663 : memref<1x512x64xf32, #tpu.memory_space<vmem>> -> memref<512x64xf32, #tpu.memory_space<vmem>>
    %dma_wait3A_665 = arith.constant 0 : i32
    %dma_wait3A_666 = tpu.memref_slice %arg5[%dma_wait3A_658, %dma_wait3A_665] : memref<20x512xi32, #tpu.memory_space<vmem>> -> memref<1x512xi32, #tpu.memory_space<vmem>>
    %dma_wait3A_667 = tpu.memref_squeeze %dma_wait3A_666 : memref<1x512xi32, #tpu.memory_space<vmem>> -> memref<512xi32, #tpu.memory_space<vmem>>
    %dma_wait3A_668 = arith.constant 0 : i32
    %dma_wait3A_669 = arith.constant 0 : i32
    %dma_wait3A_670 = tpu.memref_slice %arg3[%dma_wait3A_668, %dma_wait3A_669] : memref<1000000x64xf32, #tpu.memory_space<hbm>> -> memref<1000000x64xf32, #tpu.memory_space<hbm>>
    %dma_wait3A_671 = tpu.memref_slice %arg7[%dma_wait3A_660] : memref<3x!tpu.dma_semaphore, #tpu.memory_space<semaphore_mem>> -> memref<1x!tpu.dma_semaphore, #tpu.memory_space<semaphore_mem>>
    %dma_wait3A_672 = tpu.memref_squeeze %dma_wait3A_671 : memref<1x!tpu.dma_semaphore, #tpu.memory_space<semaphore_mem>> -> memref<!tpu.dma_semaphore, #tpu.memory_space<semaphore_mem>>
    tpu.wait_indirect_dma semaphore(%dma_wait3A_672 : memref<!tpu.dma_semaphore, #tpu.memory_space<semaphore_mem>>) src(%dma_wait3A_670 : memref<1000000x64xf32, #tpu.memory_space<hbm>>) dst(%dma_wait3A_664 : memref<512x64xf32, #tpu.memory_space<vmem>>)
    %dma_start3A_673 = arith.constant 0 : i32
    %dma_start3A_674 = arith.constant 9 : i32
    %dma_start3A_675 = arith.constant 0 : i32
    %dma_start3A_676 = arith.constant 0 : i32
    %dma_start3A_677 = arith.constant 0 : i32
    %dma_start3A_678 = tpu.memref_slice %arg6[%dma_start3A_673, %dma_start3A_676, %dma_start3A_677] : memref<3x512x64xf32, #tpu.memory_space<vmem>> -> memref<1x512x64xf32, #tpu.memory_space<vmem>>
    %dma_start3A_679 = tpu.memref_squeeze %dma_start3A_678 : memref<1x512x64xf32, #tpu.memory_space<vmem>> -> memref<512x64xf32, #tpu.memory_space<vmem>>
    %dma_start3A_680 = arith.constant 0 : i32
    %dma_start3A_681 = tpu.memref_slice %arg4[%mul3A_2, %dma_start3A_674, %dma_start3A_680] : memref<16384x20x64xf32, #tpu.memory_space<hbm>> -> memref<512x1x64xf32, #tpu.memory_space<hbm>>
    %dma_start3A_682 = tpu.memref_squeeze %dma_start3A_681 : memref<512x1x64xf32, #tpu.memory_space<hbm>> -> memref<512x64xf32, #tpu.memory_space<hbm>>
    %dma_start3A_683 = tpu.memref_slice %arg8[%dma_start3A_675] : memref<3x!tpu.dma_semaphore, #tpu.memory_space<semaphore_mem>> -> memref<1x!tpu.dma_semaphore, #tpu.memory_space<semaphore_mem>>
    %dma_start3A_684 = tpu.memref_squeeze %dma_start3A_683 : memref<1x!tpu.dma_semaphore, #tpu.memory_space<semaphore_mem>> -> memref<!tpu.dma_semaphore, #tpu.memory_space<semaphore_mem>>
    %dma_start3A_685 = arith.constant 0 : i32
    %dma_start3A_686 = tpu.memref_slice %arg4[%mul3A_2, %dma_start3A_674, %dma_start3A_685] : memref<16384x20x64xf32, #tpu.memory_space<hbm>> -> memref<512x1x64xf32, #tpu.memory_space<hbm>>
    %dma_start3A_687 = tpu.memref_squeeze %dma_start3A_686 : memref<512x1x64xf32, #tpu.memory_space<hbm>> -> memref<512x64xf32, #tpu.memory_space<hbm>>
    %dma_start3A_688 = arith.constant 0 : i32
    %dma_start3A_689 = arith.constant 0 : i32
    %dma_start3A_690 = tpu.memref_slice %arg6[%dma_start3A_673, %dma_start3A_688, %dma_start3A_689] : memref<3x512x64xf32, #tpu.memory_space<vmem>> -> memref<1x512x64xf32, #tpu.memory_space<vmem>>
    %dma_start3A_691 = tpu.memref_squeeze %dma_start3A_690 : memref<1x512x64xf32, #tpu.memory_space<vmem>> -> memref<512x64xf32, #tpu.memory_space<vmem>>
    tpu.enqueue_dma source(%dma_start3A_691 : memref<512x64xf32, #tpu.memory_space<vmem>>) target(%dma_start3A_687 : memref<512x64xf32, #tpu.memory_space<hbm>>) target_semaphore(%dma_start3A_684 : memref<!tpu.dma_semaphore, #tpu.memory_space<semaphore_mem>>)
    %dma_wait3A_692 = arith.constant 0 : i32
    %dma_wait3A_693 = arith.constant 9 : i32
    %dma_wait3A_694 = arith.constant 0 : i32
    %dma_wait3A_695 = arith.constant 0 : i32
    %dma_wait3A_696 = arith.constant 0 : i32
    %dma_wait3A_697 = tpu.memref_slice %arg6[%dma_wait3A_692, %dma_wait3A_695, %dma_wait3A_696] : memref<3x512x64xf32, #tpu.memory_space<vmem>> -> memref<1x512x64xf32, #tpu.memory_space<vmem>>
    %dma_wait3A_698 = tpu.memref_squeeze %dma_wait3A_697 : memref<1x512x64xf32, #tpu.memory_space<vmem>> -> memref<512x64xf32, #tpu.memory_space<vmem>>
    %dma_wait3A_699 = arith.constant 0 : i32
    %dma_wait3A_700 = tpu.memref_slice %arg4[%mul3A_2, %dma_wait3A_693, %dma_wait3A_699] : memref<16384x20x64xf32, #tpu.memory_space<hbm>> -> memref<512x1x64xf32, #tpu.memory_space<hbm>>
    %dma_wait3A_701 = tpu.memref_squeeze %dma_wait3A_700 : memref<512x1x64xf32, #tpu.memory_space<hbm>> -> memref<512x64xf32, #tpu.memory_space<hbm>>
    %dma_wait3A_702 = tpu.memref_slice %arg8[%dma_wait3A_694] : memref<3x!tpu.dma_semaphore, #tpu.memory_space<semaphore_mem>> -> memref<1x!tpu.dma_semaphore, #tpu.memory_space<semaphore_mem>>
    %dma_wait3A_703 = tpu.memref_squeeze %dma_wait3A_702 : memref<1x!tpu.dma_semaphore, #tpu.memory_space<semaphore_mem>> -> memref<!tpu.dma_semaphore, #tpu.memory_space<semaphore_mem>>
    %dma_wait3A_704 = arith.constant 0 : i32
    %dma_wait3A_705 = tpu.memref_slice %arg4[%mul3A_2, %dma_wait3A_693, %dma_wait3A_704] : memref<16384x20x64xf32, #tpu.memory_space<hbm>> -> memref<512x1x64xf32, #tpu.memory_space<hbm>>
    %dma_wait3A_706 = tpu.memref_squeeze %dma_wait3A_705 : memref<512x1x64xf32, #tpu.memory_space<hbm>> -> memref<512x64xf32, #tpu.memory_space<hbm>>
    %dma_wait3A_707 = arith.constant 0 : i32
    %dma_wait3A_708 = arith.constant 0 : i32
    %dma_wait3A_709 = tpu.memref_slice %arg6[%dma_wait3A_692, %dma_wait3A_707, %dma_wait3A_708] : memref<3x512x64xf32, #tpu.memory_space<vmem>> -> memref<1x512x64xf32, #tpu.memory_space<vmem>>
    %dma_wait3A_710 = tpu.memref_squeeze %dma_wait3A_709 : memref<1x512x64xf32, #tpu.memory_space<vmem>> -> memref<512x64xf32, #tpu.memory_space<vmem>>
    tpu.wait_dma2 semaphore(%dma_wait3A_703 : memref<!tpu.dma_semaphore, #tpu.memory_space<semaphore_mem>>) src(%dma_wait3A_710 : memref<512x64xf32, #tpu.memory_space<vmem>>) dst(%dma_wait3A_706 : memref<512x64xf32, #tpu.memory_space<hbm>>)
    %dma_start3A_711 = arith.constant 12 : i32
    %dma_start3A_712 = arith.constant 0 : i32
    %dma_start3A_713 = arith.constant 0 : i32
    %dma_start3A_714 = arith.constant 0 : i32
    %dma_start3A_715 = arith.constant 0 : i32
    %dma_start3A_716 = tpu.memref_slice %arg6[%dma_start3A_712, %dma_start3A_714, %dma_start3A_715] : memref<3x512x64xf32, #tpu.memory_space<vmem>> -> memref<1x512x64xf32, #tpu.memory_space<vmem>>
    %dma_start3A_717 = tpu.memref_squeeze %dma_start3A_716 : memref<1x512x64xf32, #tpu.memory_space<vmem>> -> memref<512x64xf32, #tpu.memory_space<vmem>>
    %dma_start3A_718 = arith.constant 0 : i32
    %dma_start3A_719 = tpu.memref_slice %arg5[%dma_start3A_711, %dma_start3A_718] : memref<20x512xi32, #tpu.memory_space<vmem>> -> memref<1x512xi32, #tpu.memory_space<vmem>>
    %dma_start3A_720 = tpu.memref_squeeze %dma_start3A_719 : memref<1x512xi32, #tpu.memory_space<vmem>> -> memref<512xi32, #tpu.memory_space<vmem>>
    %dma_start3A_721 = arith.constant 0 : i32
    %dma_start3A_722 = arith.constant 0 : i32
    %dma_start3A_723 = tpu.memref_slice %arg3[%dma_start3A_721, %dma_start3A_722] : memref<1000000x64xf32, #tpu.memory_space<hbm>> -> memref<1000000x64xf32, #tpu.memory_space<hbm>>
    %dma_start3A_724 = tpu.memref_slice %arg7[%dma_start3A_713] : memref<3x!tpu.dma_semaphore, #tpu.memory_space<semaphore_mem>> -> memref<1x!tpu.dma_semaphore, #tpu.memory_space<semaphore_mem>>
    %dma_start3A_725 = tpu.memref_squeeze %dma_start3A_724 : memref<1x!tpu.dma_semaphore, #tpu.memory_space<semaphore_mem>> -> memref<!tpu.dma_semaphore, #tpu.memory_space<semaphore_mem>>
    tpu.enqueue_indirect_dma source(%dma_start3A_723 : memref<1000000x64xf32, #tpu.memory_space<hbm>>) target(%dma_start3A_717 : memref<512x64xf32, #tpu.memory_space<vmem>>) offsets(%dma_start3A_720 : memref<512xi32, #tpu.memory_space<vmem>>) semaphore(%dma_start3A_725 : memref<!tpu.dma_semaphore, #tpu.memory_space<semaphore_mem>>)
    %dma_wait3A_726 = arith.constant 10 : i32
    %dma_wait3A_727 = arith.constant 1 : i32
    %dma_wait3A_728 = arith.constant 1 : i32
    %dma_wait3A_729 = arith.constant 0 : i32
    %dma_wait3A_730 = arith.constant 0 : i32
    %dma_wait3A_731 = tpu.memref_slice %arg6[%dma_wait3A_727, %dma_wait3A_729, %dma_wait3A_730] : memref<3x512x64xf32, #tpu.memory_space<vmem>> -> memref<1x512x64xf32, #tpu.memory_space<vmem>>
    %dma_wait3A_732 = tpu.memref_squeeze %dma_wait3A_731 : memref<1x512x64xf32, #tpu.memory_space<vmem>> -> memref<512x64xf32, #tpu.memory_space<vmem>>
    %dma_wait3A_733 = arith.constant 0 : i32
    %dma_wait3A_734 = tpu.memref_slice %arg5[%dma_wait3A_726, %dma_wait3A_733] : memref<20x512xi32, #tpu.memory_space<vmem>> -> memref<1x512xi32, #tpu.memory_space<vmem>>
    %dma_wait3A_735 = tpu.memref_squeeze %dma_wait3A_734 : memref<1x512xi32, #tpu.memory_space<vmem>> -> memref<512xi32, #tpu.memory_space<vmem>>
    %dma_wait3A_736 = arith.constant 0 : i32
    %dma_wait3A_737 = arith.constant 0 : i32
    %dma_wait3A_738 = tpu.memref_slice %arg3[%dma_wait3A_736, %dma_wait3A_737] : memref<1000000x64xf32, #tpu.memory_space<hbm>> -> memref<1000000x64xf32, #tpu.memory_space<hbm>>
    %dma_wait3A_739 = tpu.memref_slice %arg7[%dma_wait3A_728] : memref<3x!tpu.dma_semaphore, #tpu.memory_space<semaphore_mem>> -> memref<1x!tpu.dma_semaphore, #tpu.memory_space<semaphore_mem>>
    %dma_wait3A_740 = tpu.memref_squeeze %dma_wait3A_739 : memref<1x!tpu.dma_semaphore, #tpu.memory_space<semaphore_mem>> -> memref<!tpu.dma_semaphore, #tpu.memory_space<semaphore_mem>>
    tpu.wait_indirect_dma semaphore(%dma_wait3A_740 : memref<!tpu.dma_semaphore, #tpu.memory_space<semaphore_mem>>) src(%dma_wait3A_738 : memref<1000000x64xf32, #tpu.memory_space<hbm>>) dst(%dma_wait3A_732 : memref<512x64xf32, #tpu.memory_space<vmem>>)
    %dma_start3A_741 = arith.constant 1 : i32
    %dma_start3A_742 = arith.constant 10 : i32
    %dma_start3A_743 = arith.constant 1 : i32
    %dma_start3A_744 = arith.constant 0 : i32
    %dma_start3A_745 = arith.constant 0 : i32
    %dma_start3A_746 = tpu.memref_slice %arg6[%dma_start3A_741, %dma_start3A_744, %dma_start3A_745] : memref<3x512x64xf32, #tpu.memory_space<vmem>> -> memref<1x512x64xf32, #tpu.memory_space<vmem>>
    %dma_start3A_747 = tpu.memref_squeeze %dma_start3A_746 : memref<1x512x64xf32, #tpu.memory_space<vmem>> -> memref<512x64xf32, #tpu.memory_space<vmem>>
    %dma_start3A_748 = arith.constant 0 : i32
    %dma_start3A_749 = tpu.memref_slice %arg4[%mul3A_2, %dma_start3A_742, %dma_start3A_748] : memref<16384x20x64xf32, #tpu.memory_space<hbm>> -> memref<512x1x64xf32, #tpu.memory_space<hbm>>
    %dma_start3A_750 = tpu.memref_squeeze %dma_start3A_749 : memref<512x1x64xf32, #tpu.memory_space<hbm>> -> memref<512x64xf32, #tpu.memory_space<hbm>>
    %dma_start3A_751 = tpu.memref_slice %arg8[%dma_start3A_743] : memref<3x!tpu.dma_semaphore, #tpu.memory_space<semaphore_mem>> -> memref<1x!tpu.dma_semaphore, #tpu.memory_space<semaphore_mem>>
    %dma_start3A_752 = tpu.memref_squeeze %dma_start3A_751 : memref<1x!tpu.dma_semaphore, #tpu.memory_space<semaphore_mem>> -> memref<!tpu.dma_semaphore, #tpu.memory_space<semaphore_mem>>
    %dma_start3A_753 = arith.constant 0 : i32
    %dma_start3A_754 = tpu.memref_slice %arg4[%mul3A_2, %dma_start3A_742, %dma_start3A_753] : memref<16384x20x64xf32, #tpu.memory_space<hbm>> -> memref<512x1x64xf32, #tpu.memory_space<hbm>>
    %dma_start3A_755 = tpu.memref_squeeze %dma_start3A_754 : memref<512x1x64xf32, #tpu.memory_space<hbm>> -> memref<512x64xf32, #tpu.memory_space<hbm>>
    %dma_start3A_756 = arith.constant 0 : i32
    %dma_start3A_757 = arith.constant 0 : i32
    %dma_start3A_758 = tpu.memref_slice %arg6[%dma_start3A_741, %dma_start3A_756, %dma_start3A_757] : memref<3x512x64xf32, #tpu.memory_space<vmem>> -> memref<1x512x64xf32, #tpu.memory_space<vmem>>
    %dma_start3A_759 = tpu.memref_squeeze %dma_start3A_758 : memref<1x512x64xf32, #tpu.memory_space<vmem>> -> memref<512x64xf32, #tpu.memory_space<vmem>>
    tpu.enqueue_dma source(%dma_start3A_759 : memref<512x64xf32, #tpu.memory_space<vmem>>) target(%dma_start3A_755 : memref<512x64xf32, #tpu.memory_space<hbm>>) target_semaphore(%dma_start3A_752 : memref<!tpu.dma_semaphore, #tpu.memory_space<semaphore_mem>>)
    %dma_wait3A_760 = arith.constant 1 : i32
    %dma_wait3A_761 = arith.constant 10 : i32
    %dma_wait3A_762 = arith.constant 1 : i32
    %dma_wait3A_763 = arith.constant 0 : i32
    %dma_wait3A_764 = arith.constant 0 : i32
    %dma_wait3A_765 = tpu.memref_slice %arg6[%dma_wait3A_760, %dma_wait3A_763, %dma_wait3A_764] : memref<3x512x64xf32, #tpu.memory_space<vmem>> -> memref<1x512x64xf32, #tpu.memory_space<vmem>>
    %dma_wait3A_766 = tpu.memref_squeeze %dma_wait3A_765 : memref<1x512x64xf32, #tpu.memory_space<vmem>> -> memref<512x64xf32, #tpu.memory_space<vmem>>
    %dma_wait3A_767 = arith.constant 0 : i32
    %dma_wait3A_768 = tpu.memref_slice %arg4[%mul3A_2, %dma_wait3A_761, %dma_wait3A_767] : memref<16384x20x64xf32, #tpu.memory_space<hbm>> -> memref<512x1x64xf32, #tpu.memory_space<hbm>>
    %dma_wait3A_769 = tpu.memref_squeeze %dma_wait3A_768 : memref<512x1x64xf32, #tpu.memory_space<hbm>> -> memref<512x64xf32, #tpu.memory_space<hbm>>
    %dma_wait3A_770 = tpu.memref_slice %arg8[%dma_wait3A_762] : memref<3x!tpu.dma_semaphore, #tpu.memory_space<semaphore_mem>> -> memref<1x!tpu.dma_semaphore, #tpu.memory_space<semaphore_mem>>
    %dma_wait3A_771 = tpu.memref_squeeze %dma_wait3A_770 : memref<1x!tpu.dma_semaphore, #tpu.memory_space<semaphore_mem>> -> memref<!tpu.dma_semaphore, #tpu.memory_space<semaphore_mem>>
    %dma_wait3A_772 = arith.constant 0 : i32
    %dma_wait3A_773 = tpu.memref_slice %arg4[%mul3A_2, %dma_wait3A_761, %dma_wait3A_772] : memref<16384x20x64xf32, #tpu.memory_space<hbm>> -> memref<512x1x64xf32, #tpu.memory_space<hbm>>
    %dma_wait3A_774 = tpu.memref_squeeze %dma_wait3A_773 : memref<512x1x64xf32, #tpu.memory_space<hbm>> -> memref<512x64xf32, #tpu.memory_space<hbm>>
    %dma_wait3A_775 = arith.constant 0 : i32
    %dma_wait3A_776 = arith.constant 0 : i32
    %dma_wait3A_777 = tpu.memref_slice %arg6[%dma_wait3A_760, %dma_wait3A_775, %dma_wait3A_776] : memref<3x512x64xf32, #tpu.memory_space<vmem>> -> memref<1x512x64xf32, #tpu.memory_space<vmem>>
    %dma_wait3A_778 = tpu.memref_squeeze %dma_wait3A_777 : memref<1x512x64xf32, #tpu.memory_space<vmem>> -> memref<512x64xf32, #tpu.memory_space<vmem>>
    tpu.wait_dma2 semaphore(%dma_wait3A_771 : memref<!tpu.dma_semaphore, #tpu.memory_space<semaphore_mem>>) src(%dma_wait3A_778 : memref<512x64xf32, #tpu.memory_space<vmem>>) dst(%dma_wait3A_774 : memref<512x64xf32, #tpu.memory_space<hbm>>)
    %dma_start3A_779 = arith.constant 13 : i32
    %dma_start3A_780 = arith.constant 1 : i32
    %dma_start3A_781 = arith.constant 1 : i32
    %dma_start3A_782 = arith.constant 0 : i32
    %dma_start3A_783 = arith.constant 0 : i32
    %dma_start3A_784 = tpu.memref_slice %arg6[%dma_start3A_780, %dma_start3A_782, %dma_start3A_783] : memref<3x512x64xf32, #tpu.memory_space<vmem>> -> memref<1x512x64xf32, #tpu.memory_space<vmem>>
    %dma_start3A_785 = tpu.memref_squeeze %dma_start3A_784 : memref<1x512x64xf32, #tpu.memory_space<vmem>> -> memref<512x64xf32, #tpu.memory_space<vmem>>
    %dma_start3A_786 = arith.constant 0 : i32
    %dma_start3A_787 = tpu.memref_slice %arg5[%dma_start3A_779, %dma_start3A_786] : memref<20x512xi32, #tpu.memory_space<vmem>> -> memref<1x512xi32, #tpu.memory_space<vmem>>
    %dma_start3A_788 = tpu.memref_squeeze %dma_start3A_787 : memref<1x512xi32, #tpu.memory_space<vmem>> -> memref<512xi32, #tpu.memory_space<vmem>>
    %dma_start3A_789 = arith.constant 0 : i32
    %dma_start3A_790 = arith.constant 0 : i32
    %dma_start3A_791 = tpu.memref_slice %arg3[%dma_start3A_789, %dma_start3A_790] : memref<1000000x64xf32, #tpu.memory_space<hbm>> -> memref<1000000x64xf32, #tpu.memory_space<hbm>>
    %dma_start3A_792 = tpu.memref_slice %arg7[%dma_start3A_781] : memref<3x!tpu.dma_semaphore, #tpu.memory_space<semaphore_mem>> -> memref<1x!tpu.dma_semaphore, #tpu.memory_space<semaphore_mem>>
    %dma_start3A_793 = tpu.memref_squeeze %dma_start3A_792 : memref<1x!tpu.dma_semaphore, #tpu.memory_space<semaphore_mem>> -> memref<!tpu.dma_semaphore, #tpu.memory_space<semaphore_mem>>
    tpu.enqueue_indirect_dma source(%dma_start3A_791 : memref<1000000x64xf32, #tpu.memory_space<hbm>>) target(%dma_start3A_785 : memref<512x64xf32, #tpu.memory_space<vmem>>) offsets(%dma_start3A_788 : memref<512xi32, #tpu.memory_space<vmem>>) semaphore(%dma_start3A_793 : memref<!tpu.dma_semaphore, #tpu.memory_space<semaphore_mem>>)
    %dma_wait3A_794 = arith.constant 11 : i32
    %dma_wait3A_795 = arith.constant 2 : i32
    %dma_wait3A_796 = arith.constant 2 : i32
    %dma_wait3A_797 = arith.constant 0 : i32
    %dma_wait3A_798 = arith.constant 0 : i32
    %dma_wait3A_799 = tpu.memref_slice %arg6[%dma_wait3A_795, %dma_wait3A_797, %dma_wait3A_798] : memref<3x512x64xf32, #tpu.memory_space<vmem>> -> memref<1x512x64xf32, #tpu.memory_space<vmem>>
    %dma_wait3A_800 = tpu.memref_squeeze %dma_wait3A_799 : memref<1x512x64xf32, #tpu.memory_space<vmem>> -> memref<512x64xf32, #tpu.memory_space<vmem>>
    %dma_wait3A_801 = arith.constant 0 : i32
    %dma_wait3A_802 = tpu.memref_slice %arg5[%dma_wait3A_794, %dma_wait3A_801] : memref<20x512xi32, #tpu.memory_space<vmem>> -> memref<1x512xi32, #tpu.memory_space<vmem>>
    %dma_wait3A_803 = tpu.memref_squeeze %dma_wait3A_802 : memref<1x512xi32, #tpu.memory_space<vmem>> -> memref<512xi32, #tpu.memory_space<vmem>>
    %dma_wait3A_804 = arith.constant 0 : i32
    %dma_wait3A_805 = arith.constant 0 : i32
    %dma_wait3A_806 = tpu.memref_slice %arg3[%dma_wait3A_804, %dma_wait3A_805] : memref<1000000x64xf32, #tpu.memory_space<hbm>> -> memref<1000000x64xf32, #tpu.memory_space<hbm>>
    %dma_wait3A_807 = tpu.memref_slice %arg7[%dma_wait3A_796] : memref<3x!tpu.dma_semaphore, #tpu.memory_space<semaphore_mem>> -> memref<1x!tpu.dma_semaphore, #tpu.memory_space<semaphore_mem>>
    %dma_wait3A_808 = tpu.memref_squeeze %dma_wait3A_807 : memref<1x!tpu.dma_semaphore, #tpu.memory_space<semaphore_mem>> -> memref<!tpu.dma_semaphore, #tpu.memory_space<semaphore_mem>>
    tpu.wait_indirect_dma semaphore(%dma_wait3A_808 : memref<!tpu.dma_semaphore, #tpu.memory_space<semaphore_mem>>) src(%dma_wait3A_806 : memref<1000000x64xf32, #tpu.memory_space<hbm>>) dst(%dma_wait3A_800 : memref<512x64xf32, #tpu.memory_space<vmem>>)
    %dma_start3A_809 = arith.constant 2 : i32
    %dma_start3A_810 = arith.constant 11 : i32
    %dma_start3A_811 = arith.constant 2 : i32
    %dma_start3A_812 = arith.constant 0 : i32
    %dma_start3A_813 = arith.constant 0 : i32
    %dma_start3A_814 = tpu.memref_slice %arg6[%dma_start3A_809, %dma_start3A_812, %dma_start3A_813] : memref<3x512x64xf32, #tpu.memory_space<vmem>> -> memref<1x512x64xf32, #tpu.memory_space<vmem>>
    %dma_start3A_815 = tpu.memref_squeeze %dma_start3A_814 : memref<1x512x64xf32, #tpu.memory_space<vmem>> -> memref<512x64xf32, #tpu.memory_space<vmem>>
    %dma_start3A_816 = arith.constant 0 : i32
    %dma_start3A_817 = tpu.memref_slice %arg4[%mul3A_2, %dma_start3A_810, %dma_start3A_816] : memref<16384x20x64xf32, #tpu.memory_space<hbm>> -> memref<512x1x64xf32, #tpu.memory_space<hbm>>
    %dma_start3A_818 = tpu.memref_squeeze %dma_start3A_817 : memref<512x1x64xf32, #tpu.memory_space<hbm>> -> memref<512x64xf32, #tpu.memory_space<hbm>>
    %dma_start3A_819 = tpu.memref_slice %arg8[%dma_start3A_811] : memref<3x!tpu.dma_semaphore, #tpu.memory_space<semaphore_mem>> -> memref<1x!tpu.dma_semaphore, #tpu.memory_space<semaphore_mem>>
    %dma_start3A_820 = tpu.memref_squeeze %dma_start3A_819 : memref<1x!tpu.dma_semaphore, #tpu.memory_space<semaphore_mem>> -> memref<!tpu.dma_semaphore, #tpu.memory_space<semaphore_mem>>
    %dma_start3A_821 = arith.constant 0 : i32
    %dma_start3A_822 = tpu.memref_slice %arg4[%mul3A_2, %dma_start3A_810, %dma_start3A_821] : memref<16384x20x64xf32, #tpu.memory_space<hbm>> -> memref<512x1x64xf32, #tpu.memory_space<hbm>>
    %dma_start3A_823 = tpu.memref_squeeze %dma_start3A_822 : memref<512x1x64xf32, #tpu.memory_space<hbm>> -> memref<512x64xf32, #tpu.memory_space<hbm>>
    %dma_start3A_824 = arith.constant 0 : i32
    %dma_start3A_825 = arith.constant 0 : i32
    %dma_start3A_826 = tpu.memref_slice %arg6[%dma_start3A_809, %dma_start3A_824, %dma_start3A_825] : memref<3x512x64xf32, #tpu.memory_space<vmem>> -> memref<1x512x64xf32, #tpu.memory_space<vmem>>
    %dma_start3A_827 = tpu.memref_squeeze %dma_start3A_826 : memref<1x512x64xf32, #tpu.memory_space<vmem>> -> memref<512x64xf32, #tpu.memory_space<vmem>>
    tpu.enqueue_dma source(%dma_start3A_827 : memref<512x64xf32, #tpu.memory_space<vmem>>) target(%dma_start3A_823 : memref<512x64xf32, #tpu.memory_space<hbm>>) target_semaphore(%dma_start3A_820 : memref<!tpu.dma_semaphore, #tpu.memory_space<semaphore_mem>>)
    %dma_wait3A_828 = arith.constant 2 : i32
    %dma_wait3A_829 = arith.constant 11 : i32
    %dma_wait3A_830 = arith.constant 2 : i32
    %dma_wait3A_831 = arith.constant 0 : i32
    %dma_wait3A_832 = arith.constant 0 : i32
    %dma_wait3A_833 = tpu.memref_slice %arg6[%dma_wait3A_828, %dma_wait3A_831, %dma_wait3A_832] : memref<3x512x64xf32, #tpu.memory_space<vmem>> -> memref<1x512x64xf32, #tpu.memory_space<vmem>>
    %dma_wait3A_834 = tpu.memref_squeeze %dma_wait3A_833 : memref<1x512x64xf32, #tpu.memory_space<vmem>> -> memref<512x64xf32, #tpu.memory_space<vmem>>
    %dma_wait3A_835 = arith.constant 0 : i32
    %dma_wait3A_836 = tpu.memref_slice %arg4[%mul3A_2, %dma_wait3A_829, %dma_wait3A_835] : memref<16384x20x64xf32, #tpu.memory_space<hbm>> -> memref<512x1x64xf32, #tpu.memory_space<hbm>>
    %dma_wait3A_837 = tpu.memref_squeeze %dma_wait3A_836 : memref<512x1x64xf32, #tpu.memory_space<hbm>> -> memref<512x64xf32, #tpu.memory_space<hbm>>
    %dma_wait3A_838 = tpu.memref_slice %arg8[%dma_wait3A_830] : memref<3x!tpu.dma_semaphore, #tpu.memory_space<semaphore_mem>> -> memref<1x!tpu.dma_semaphore, #tpu.memory_space<semaphore_mem>>
    %dma_wait3A_839 = tpu.memref_squeeze %dma_wait3A_838 : memref<1x!tpu.dma_semaphore, #tpu.memory_space<semaphore_mem>> -> memref<!tpu.dma_semaphore, #tpu.memory_space<semaphore_mem>>
    %dma_wait3A_840 = arith.constant 0 : i32
    %dma_wait3A_841 = tpu.memref_slice %arg4[%mul3A_2, %dma_wait3A_829, %dma_wait3A_840] : memref<16384x20x64xf32, #tpu.memory_space<hbm>> -> memref<512x1x64xf32, #tpu.memory_space<hbm>>
    %dma_wait3A_842 = tpu.memref_squeeze %dma_wait3A_841 : memref<512x1x64xf32, #tpu.memory_space<hbm>> -> memref<512x64xf32, #tpu.memory_space<hbm>>
    %dma_wait3A_843 = arith.constant 0 : i32
    %dma_wait3A_844 = arith.constant 0 : i32
    %dma_wait3A_845 = tpu.memref_slice %arg6[%dma_wait3A_828, %dma_wait3A_843, %dma_wait3A_844] : memref<3x512x64xf32, #tpu.memory_space<vmem>> -> memref<1x512x64xf32, #tpu.memory_space<vmem>>
    %dma_wait3A_846 = tpu.memref_squeeze %dma_wait3A_845 : memref<1x512x64xf32, #tpu.memory_space<vmem>> -> memref<512x64xf32, #tpu.memory_space<vmem>>
    tpu.wait_dma2 semaphore(%dma_wait3A_839 : memref<!tpu.dma_semaphore, #tpu.memory_space<semaphore_mem>>) src(%dma_wait3A_846 : memref<512x64xf32, #tpu.memory_space<vmem>>) dst(%dma_wait3A_842 : memref<512x64xf32, #tpu.memory_space<hbm>>)
    %dma_start3A_847 = arith.constant 14 : i32
    %dma_start3A_848 = arith.constant 2 : i32
    %dma_start3A_849 = arith.constant 2 : i32
    %dma_start3A_850 = arith.constant 0 : i32
    %dma_start3A_851 = arith.constant 0 : i32
    %dma_start3A_852 = tpu.memref_slice %arg6[%dma_start3A_848, %dma_start3A_850, %dma_start3A_851] : memref<3x512x64xf32, #tpu.memory_space<vmem>> -> memref<1x512x64xf32, #tpu.memory_space<vmem>>
    %dma_start3A_853 = tpu.memref_squeeze %dma_start3A_852 : memref<1x512x64xf32, #tpu.memory_space<vmem>> -> memref<512x64xf32, #tpu.memory_space<vmem>>
    %dma_start3A_854 = arith.constant 0 : i32
    %dma_start3A_855 = tpu.memref_slice %arg5[%dma_start3A_847, %dma_start3A_854] : memref<20x512xi32, #tpu.memory_space<vmem>> -> memref<1x512xi32, #tpu.memory_space<vmem>>
    %dma_start3A_856 = tpu.memref_squeeze %dma_start3A_855 : memref<1x512xi32, #tpu.memory_space<vmem>> -> memref<512xi32, #tpu.memory_space<vmem>>
    %dma_start3A_857 = arith.constant 0 : i32
    %dma_start3A_858 = arith.constant 0 : i32
    %dma_start3A_859 = tpu.memref_slice %arg3[%dma_start3A_857, %dma_start3A_858] : memref<1000000x64xf32, #tpu.memory_space<hbm>> -> memref<1000000x64xf32, #tpu.memory_space<hbm>>
    %dma_start3A_860 = tpu.memref_slice %arg7[%dma_start3A_849] : memref<3x!tpu.dma_semaphore, #tpu.memory_space<semaphore_mem>> -> memref<1x!tpu.dma_semaphore, #tpu.memory_space<semaphore_mem>>
    %dma_start3A_861 = tpu.memref_squeeze %dma_start3A_860 : memref<1x!tpu.dma_semaphore, #tpu.memory_space<semaphore_mem>> -> memref<!tpu.dma_semaphore, #tpu.memory_space<semaphore_mem>>
    tpu.enqueue_indirect_dma source(%dma_start3A_859 : memref<1000000x64xf32, #tpu.memory_space<hbm>>) target(%dma_start3A_853 : memref<512x64xf32, #tpu.memory_space<vmem>>) offsets(%dma_start3A_856 : memref<512xi32, #tpu.memory_space<vmem>>) semaphore(%dma_start3A_861 : memref<!tpu.dma_semaphore, #tpu.memory_space<semaphore_mem>>)
    %dma_wait3A_862 = arith.constant 12 : i32
    %dma_wait3A_863 = arith.constant 0 : i32
    %dma_wait3A_864 = arith.constant 0 : i32
    %dma_wait3A_865 = arith.constant 0 : i32
    %dma_wait3A_866 = arith.constant 0 : i32
    %dma_wait3A_867 = tpu.memref_slice %arg6[%dma_wait3A_863, %dma_wait3A_865, %dma_wait3A_866] : memref<3x512x64xf32, #tpu.memory_space<vmem>> -> memref<1x512x64xf32, #tpu.memory_space<vmem>>
    %dma_wait3A_868 = tpu.memref_squeeze %dma_wait3A_867 : memref<1x512x64xf32, #tpu.memory_space<vmem>> -> memref<512x64xf32, #tpu.memory_space<vmem>>
    %dma_wait3A_869 = arith.constant 0 : i32
    %dma_wait3A_870 = tpu.memref_slice %arg5[%dma_wait3A_862, %dma_wait3A_869] : memref<20x512xi32, #tpu.memory_space<vmem>> -> memref<1x512xi32, #tpu.memory_space<vmem>>
    %dma_wait3A_871 = tpu.memref_squeeze %dma_wait3A_870 : memref<1x512xi32, #tpu.memory_space<vmem>> -> memref<512xi32, #tpu.memory_space<vmem>>
    %dma_wait3A_872 = arith.constant 0 : i32
    %dma_wait3A_873 = arith.constant 0 : i32
    %dma_wait3A_874 = tpu.memref_slice %arg3[%dma_wait3A_872, %dma_wait3A_873] : memref<1000000x64xf32, #tpu.memory_space<hbm>> -> memref<1000000x64xf32, #tpu.memory_space<hbm>>
    %dma_wait3A_875 = tpu.memref_slice %arg7[%dma_wait3A_864] : memref<3x!tpu.dma_semaphore, #tpu.memory_space<semaphore_mem>> -> memref<1x!tpu.dma_semaphore, #tpu.memory_space<semaphore_mem>>
    %dma_wait3A_876 = tpu.memref_squeeze %dma_wait3A_875 : memref<1x!tpu.dma_semaphore, #tpu.memory_space<semaphore_mem>> -> memref<!tpu.dma_semaphore, #tpu.memory_space<semaphore_mem>>
    tpu.wait_indirect_dma semaphore(%dma_wait3A_876 : memref<!tpu.dma_semaphore, #tpu.memory_space<semaphore_mem>>) src(%dma_wait3A_874 : memref<1000000x64xf32, #tpu.memory_space<hbm>>) dst(%dma_wait3A_868 : memref<512x64xf32, #tpu.memory_space<vmem>>)
    %dma_start3A_877 = arith.constant 0 : i32
    %dma_start3A_878 = arith.constant 12 : i32
    %dma_start3A_879 = arith.constant 0 : i32
    %dma_start3A_880 = arith.constant 0 : i32
    %dma_start3A_881 = arith.constant 0 : i32
    %dma_start3A_882 = tpu.memref_slice %arg6[%dma_start3A_877, %dma_start3A_880, %dma_start3A_881] : memref<3x512x64xf32, #tpu.memory_space<vmem>> -> memref<1x512x64xf32, #tpu.memory_space<vmem>>
    %dma_start3A_883 = tpu.memref_squeeze %dma_start3A_882 : memref<1x512x64xf32, #tpu.memory_space<vmem>> -> memref<512x64xf32, #tpu.memory_space<vmem>>
    %dma_start3A_884 = arith.constant 0 : i32
    %dma_start3A_885 = tpu.memref_slice %arg4[%mul3A_2, %dma_start3A_878, %dma_start3A_884] : memref<16384x20x64xf32, #tpu.memory_space<hbm>> -> memref<512x1x64xf32, #tpu.memory_space<hbm>>
    %dma_start3A_886 = tpu.memref_squeeze %dma_start3A_885 : memref<512x1x64xf32, #tpu.memory_space<hbm>> -> memref<512x64xf32, #tpu.memory_space<hbm>>
    %dma_start3A_887 = tpu.memref_slice %arg8[%dma_start3A_879] : memref<3x!tpu.dma_semaphore, #tpu.memory_space<semaphore_mem>> -> memref<1x!tpu.dma_semaphore, #tpu.memory_space<semaphore_mem>>
    %dma_start3A_888 = tpu.memref_squeeze %dma_start3A_887 : memref<1x!tpu.dma_semaphore, #tpu.memory_space<semaphore_mem>> -> memref<!tpu.dma_semaphore, #tpu.memory_space<semaphore_mem>>
    %dma_start3A_889 = arith.constant 0 : i32
    %dma_start3A_890 = tpu.memref_slice %arg4[%mul3A_2, %dma_start3A_878, %dma_start3A_889] : memref<16384x20x64xf32, #tpu.memory_space<hbm>> -> memref<512x1x64xf32, #tpu.memory_space<hbm>>
    %dma_start3A_891 = tpu.memref_squeeze %dma_start3A_890 : memref<512x1x64xf32, #tpu.memory_space<hbm>> -> memref<512x64xf32, #tpu.memory_space<hbm>>
    %dma_start3A_892 = arith.constant 0 : i32
    %dma_start3A_893 = arith.constant 0 : i32
    %dma_start3A_894 = tpu.memref_slice %arg6[%dma_start3A_877, %dma_start3A_892, %dma_start3A_893] : memref<3x512x64xf32, #tpu.memory_space<vmem>> -> memref<1x512x64xf32, #tpu.memory_space<vmem>>
    %dma_start3A_895 = tpu.memref_squeeze %dma_start3A_894 : memref<1x512x64xf32, #tpu.memory_space<vmem>> -> memref<512x64xf32, #tpu.memory_space<vmem>>
    tpu.enqueue_dma source(%dma_start3A_895 : memref<512x64xf32, #tpu.memory_space<vmem>>) target(%dma_start3A_891 : memref<512x64xf32, #tpu.memory_space<hbm>>) target_semaphore(%dma_start3A_888 : memref<!tpu.dma_semaphore, #tpu.memory_space<semaphore_mem>>)
    %dma_wait3A_896 = arith.constant 0 : i32
    %dma_wait3A_897 = arith.constant 12 : i32
    %dma_wait3A_898 = arith.constant 0 : i32
    %dma_wait3A_899 = arith.constant 0 : i32
    %dma_wait3A_900 = arith.constant 0 : i32
    %dma_wait3A_901 = tpu.memref_slice %arg6[%dma_wait3A_896, %dma_wait3A_899, %dma_wait3A_900] : memref<3x512x64xf32, #tpu.memory_space<vmem>> -> memref<1x512x64xf32, #tpu.memory_space<vmem>>
    %dma_wait3A_902 = tpu.memref_squeeze %dma_wait3A_901 : memref<1x512x64xf32, #tpu.memory_space<vmem>> -> memref<512x64xf32, #tpu.memory_space<vmem>>
    %dma_wait3A_903 = arith.constant 0 : i32
    %dma_wait3A_904 = tpu.memref_slice %arg4[%mul3A_2, %dma_wait3A_897, %dma_wait3A_903] : memref<16384x20x64xf32, #tpu.memory_space<hbm>> -> memref<512x1x64xf32, #tpu.memory_space<hbm>>
    %dma_wait3A_905 = tpu.memref_squeeze %dma_wait3A_904 : memref<512x1x64xf32, #tpu.memory_space<hbm>> -> memref<512x64xf32, #tpu.memory_space<hbm>>
    %dma_wait3A_906 = tpu.memref_slice %arg8[%dma_wait3A_898] : memref<3x!tpu.dma_semaphore, #tpu.memory_space<semaphore_mem>> -> memref<1x!tpu.dma_semaphore, #tpu.memory_space<semaphore_mem>>
    %dma_wait3A_907 = tpu.memref_squeeze %dma_wait3A_906 : memref<1x!tpu.dma_semaphore, #tpu.memory_space<semaphore_mem>> -> memref<!tpu.dma_semaphore, #tpu.memory_space<semaphore_mem>>
    %dma_wait3A_908 = arith.constant 0 : i32
    %dma_wait3A_909 = tpu.memref_slice %arg4[%mul3A_2, %dma_wait3A_897, %dma_wait3A_908] : memref<16384x20x64xf32, #tpu.memory_space<hbm>> -> memref<512x1x64xf32, #tpu.memory_space<hbm>>
    %dma_wait3A_910 = tpu.memref_squeeze %dma_wait3A_909 : memref<512x1x64xf32, #tpu.memory_space<hbm>> -> memref<512x64xf32, #tpu.memory_space<hbm>>
    %dma_wait3A_911 = arith.constant 0 : i32
    %dma_wait3A_912 = arith.constant 0 : i32
    %dma_wait3A_913 = tpu.memref_slice %arg6[%dma_wait3A_896, %dma_wait3A_911, %dma_wait3A_912] : memref<3x512x64xf32, #tpu.memory_space<vmem>> -> memref<1x512x64xf32, #tpu.memory_space<vmem>>
    %dma_wait3A_914 = tpu.memref_squeeze %dma_wait3A_913 : memref<1x512x64xf32, #tpu.memory_space<vmem>> -> memref<512x64xf32, #tpu.memory_space<vmem>>
    tpu.wait_dma2 semaphore(%dma_wait3A_907 : memref<!tpu.dma_semaphore, #tpu.memory_space<semaphore_mem>>) src(%dma_wait3A_914 : memref<512x64xf32, #tpu.memory_space<vmem>>) dst(%dma_wait3A_910 : memref<512x64xf32, #tpu.memory_space<hbm>>)
    %dma_start3A_915 = arith.constant 15 : i32
    %dma_start3A_916 = arith.constant 0 : i32
    %dma_start3A_917 = arith.constant 0 : i32
    %dma_start3A_918 = arith.constant 0 : i32
    %dma_start3A_919 = arith.constant 0 : i32
    %dma_start3A_920 = tpu.memref_slice %arg6[%dma_start3A_916, %dma_start3A_918, %dma_start3A_919] : memref<3x512x64xf32, #tpu.memory_space<vmem>> -> memref<1x512x64xf32, #tpu.memory_space<vmem>>
    %dma_start3A_921 = tpu.memref_squeeze %dma_start3A_920 : memref<1x512x64xf32, #tpu.memory_space<vmem>> -> memref<512x64xf32, #tpu.memory_space<vmem>>
    %dma_start3A_922 = arith.constant 0 : i32
    %dma_start3A_923 = tpu.memref_slice %arg5[%dma_start3A_915, %dma_start3A_922] : memref<20x512xi32, #tpu.memory_space<vmem>> -> memref<1x512xi32, #tpu.memory_space<vmem>>
    %dma_start3A_924 = tpu.memref_squeeze %dma_start3A_923 : memref<1x512xi32, #tpu.memory_space<vmem>> -> memref<512xi32, #tpu.memory_space<vmem>>
    %dma_start3A_925 = arith.constant 0 : i32
    %dma_start3A_926 = arith.constant 0 : i32
    %dma_start3A_927 = tpu.memref_slice %arg3[%dma_start3A_925, %dma_start3A_926] : memref<1000000x64xf32, #tpu.memory_space<hbm>> -> memref<1000000x64xf32, #tpu.memory_space<hbm>>
    %dma_start3A_928 = tpu.memref_slice %arg7[%dma_start3A_917] : memref<3x!tpu.dma_semaphore, #tpu.memory_space<semaphore_mem>> -> memref<1x!tpu.dma_semaphore, #tpu.memory_space<semaphore_mem>>
    %dma_start3A_929 = tpu.memref_squeeze %dma_start3A_928 : memref<1x!tpu.dma_semaphore, #tpu.memory_space<semaphore_mem>> -> memref<!tpu.dma_semaphore, #tpu.memory_space<semaphore_mem>>
    tpu.enqueue_indirect_dma source(%dma_start3A_927 : memref<1000000x64xf32, #tpu.memory_space<hbm>>) target(%dma_start3A_921 : memref<512x64xf32, #tpu.memory_space<vmem>>) offsets(%dma_start3A_924 : memref<512xi32, #tpu.memory_space<vmem>>) semaphore(%dma_start3A_929 : memref<!tpu.dma_semaphore, #tpu.memory_space<semaphore_mem>>)
    %dma_wait3A_930 = arith.constant 13 : i32
    %dma_wait3A_931 = arith.constant 1 : i32
    %dma_wait3A_932 = arith.constant 1 : i32
    %dma_wait3A_933 = arith.constant 0 : i32
    %dma_wait3A_934 = arith.constant 0 : i32
    %dma_wait3A_935 = tpu.memref_slice %arg6[%dma_wait3A_931, %dma_wait3A_933, %dma_wait3A_934] : memref<3x512x64xf32, #tpu.memory_space<vmem>> -> memref<1x512x64xf32, #tpu.memory_space<vmem>>
    %dma_wait3A_936 = tpu.memref_squeeze %dma_wait3A_935 : memref<1x512x64xf32, #tpu.memory_space<vmem>> -> memref<512x64xf32, #tpu.memory_space<vmem>>
    %dma_wait3A_937 = arith.constant 0 : i32
    %dma_wait3A_938 = tpu.memref_slice %arg5[%dma_wait3A_930, %dma_wait3A_937] : memref<20x512xi32, #tpu.memory_space<vmem>> -> memref<1x512xi32, #tpu.memory_space<vmem>>
    %dma_wait3A_939 = tpu.memref_squeeze %dma_wait3A_938 : memref<1x512xi32, #tpu.memory_space<vmem>> -> memref<512xi32, #tpu.memory_space<vmem>>
    %dma_wait3A_940 = arith.constant 0 : i32
    %dma_wait3A_941 = arith.constant 0 : i32
    %dma_wait3A_942 = tpu.memref_slice %arg3[%dma_wait3A_940, %dma_wait3A_941] : memref<1000000x64xf32, #tpu.memory_space<hbm>> -> memref<1000000x64xf32, #tpu.memory_space<hbm>>
    %dma_wait3A_943 = tpu.memref_slice %arg7[%dma_wait3A_932] : memref<3x!tpu.dma_semaphore, #tpu.memory_space<semaphore_mem>> -> memref<1x!tpu.dma_semaphore, #tpu.memory_space<semaphore_mem>>
    %dma_wait3A_944 = tpu.memref_squeeze %dma_wait3A_943 : memref<1x!tpu.dma_semaphore, #tpu.memory_space<semaphore_mem>> -> memref<!tpu.dma_semaphore, #tpu.memory_space<semaphore_mem>>
    tpu.wait_indirect_dma semaphore(%dma_wait3A_944 : memref<!tpu.dma_semaphore, #tpu.memory_space<semaphore_mem>>) src(%dma_wait3A_942 : memref<1000000x64xf32, #tpu.memory_space<hbm>>) dst(%dma_wait3A_936 : memref<512x64xf32, #tpu.memory_space<vmem>>)
    %dma_start3A_945 = arith.constant 1 : i32
    %dma_start3A_946 = arith.constant 13 : i32
    %dma_start3A_947 = arith.constant 1 : i32
    %dma_start3A_948 = arith.constant 0 : i32
    %dma_start3A_949 = arith.constant 0 : i32
    %dma_start3A_950 = tpu.memref_slice %arg6[%dma_start3A_945, %dma_start3A_948, %dma_start3A_949] : memref<3x512x64xf32, #tpu.memory_space<vmem>> -> memref<1x512x64xf32, #tpu.memory_space<vmem>>
    %dma_start3A_951 = tpu.memref_squeeze %dma_start3A_950 : memref<1x512x64xf32, #tpu.memory_space<vmem>> -> memref<512x64xf32, #tpu.memory_space<vmem>>
    %dma_start3A_952 = arith.constant 0 : i32
    %dma_start3A_953 = tpu.memref_slice %arg4[%mul3A_2, %dma_start3A_946, %dma_start3A_952] : memref<16384x20x64xf32, #tpu.memory_space<hbm>> -> memref<512x1x64xf32, #tpu.memory_space<hbm>>
    %dma_start3A_954 = tpu.memref_squeeze %dma_start3A_953 : memref<512x1x64xf32, #tpu.memory_space<hbm>> -> memref<512x64xf32, #tpu.memory_space<hbm>>
    %dma_start3A_955 = tpu.memref_slice %arg8[%dma_start3A_947] : memref<3x!tpu.dma_semaphore, #tpu.memory_space<semaphore_mem>> -> memref<1x!tpu.dma_semaphore, #tpu.memory_space<semaphore_mem>>
    %dma_start3A_956 = tpu.memref_squeeze %dma_start3A_955 : memref<1x!tpu.dma_semaphore, #tpu.memory_space<semaphore_mem>> -> memref<!tpu.dma_semaphore, #tpu.memory_space<semaphore_mem>>
    %dma_start3A_957 = arith.constant 0 : i32
    %dma_start3A_958 = tpu.memref_slice %arg4[%mul3A_2, %dma_start3A_946, %dma_start3A_957] : memref<16384x20x64xf32, #tpu.memory_space<hbm>> -> memref<512x1x64xf32, #tpu.memory_space<hbm>>
    %dma_start3A_959 = tpu.memref_squeeze %dma_start3A_958 : memref<512x1x64xf32, #tpu.memory_space<hbm>> -> memref<512x64xf32, #tpu.memory_space<hbm>>
    %dma_start3A_960 = arith.constant 0 : i32
    %dma_start3A_961 = arith.constant 0 : i32
    %dma_start3A_962 = tpu.memref_slice %arg6[%dma_start3A_945, %dma_start3A_960, %dma_start3A_961] : memref<3x512x64xf32, #tpu.memory_space<vmem>> -> memref<1x512x64xf32, #tpu.memory_space<vmem>>
    %dma_start3A_963 = tpu.memref_squeeze %dma_start3A_962 : memref<1x512x64xf32, #tpu.memory_space<vmem>> -> memref<512x64xf32, #tpu.memory_space<vmem>>
    tpu.enqueue_dma source(%dma_start3A_963 : memref<512x64xf32, #tpu.memory_space<vmem>>) target(%dma_start3A_959 : memref<512x64xf32, #tpu.memory_space<hbm>>) target_semaphore(%dma_start3A_956 : memref<!tpu.dma_semaphore, #tpu.memory_space<semaphore_mem>>)
    %dma_wait3A_964 = arith.constant 1 : i32
    %dma_wait3A_965 = arith.constant 13 : i32
    %dma_wait3A_966 = arith.constant 1 : i32
    %dma_wait3A_967 = arith.constant 0 : i32
    %dma_wait3A_968 = arith.constant 0 : i32
    %dma_wait3A_969 = tpu.memref_slice %arg6[%dma_wait3A_964, %dma_wait3A_967, %dma_wait3A_968] : memref<3x512x64xf32, #tpu.memory_space<vmem>> -> memref<1x512x64xf32, #tpu.memory_space<vmem>>
    %dma_wait3A_970 = tpu.memref_squeeze %dma_wait3A_969 : memref<1x512x64xf32, #tpu.memory_space<vmem>> -> memref<512x64xf32, #tpu.memory_space<vmem>>
    %dma_wait3A_971 = arith.constant 0 : i32
    %dma_wait3A_972 = tpu.memref_slice %arg4[%mul3A_2, %dma_wait3A_965, %dma_wait3A_971] : memref<16384x20x64xf32, #tpu.memory_space<hbm>> -> memref<512x1x64xf32, #tpu.memory_space<hbm>>
    %dma_wait3A_973 = tpu.memref_squeeze %dma_wait3A_972 : memref<512x1x64xf32, #tpu.memory_space<hbm>> -> memref<512x64xf32, #tpu.memory_space<hbm>>
    %dma_wait3A_974 = tpu.memref_slice %arg8[%dma_wait3A_966] : memref<3x!tpu.dma_semaphore, #tpu.memory_space<semaphore_mem>> -> memref<1x!tpu.dma_semaphore, #tpu.memory_space<semaphore_mem>>
    %dma_wait3A_975 = tpu.memref_squeeze %dma_wait3A_974 : memref<1x!tpu.dma_semaphore, #tpu.memory_space<semaphore_mem>> -> memref<!tpu.dma_semaphore, #tpu.memory_space<semaphore_mem>>
    %dma_wait3A_976 = arith.constant 0 : i32
    %dma_wait3A_977 = tpu.memref_slice %arg4[%mul3A_2, %dma_wait3A_965, %dma_wait3A_976] : memref<16384x20x64xf32, #tpu.memory_space<hbm>> -> memref<512x1x64xf32, #tpu.memory_space<hbm>>
    %dma_wait3A_978 = tpu.memref_squeeze %dma_wait3A_977 : memref<512x1x64xf32, #tpu.memory_space<hbm>> -> memref<512x64xf32, #tpu.memory_space<hbm>>
    %dma_wait3A_979 = arith.constant 0 : i32
    %dma_wait3A_980 = arith.constant 0 : i32
    %dma_wait3A_981 = tpu.memref_slice %arg6[%dma_wait3A_964, %dma_wait3A_979, %dma_wait3A_980] : memref<3x512x64xf32, #tpu.memory_space<vmem>> -> memref<1x512x64xf32, #tpu.memory_space<vmem>>
    %dma_wait3A_982 = tpu.memref_squeeze %dma_wait3A_981 : memref<1x512x64xf32, #tpu.memory_space<vmem>> -> memref<512x64xf32, #tpu.memory_space<vmem>>
    tpu.wait_dma2 semaphore(%dma_wait3A_975 : memref<!tpu.dma_semaphore, #tpu.memory_space<semaphore_mem>>) src(%dma_wait3A_982 : memref<512x64xf32, #tpu.memory_space<vmem>>) dst(%dma_wait3A_978 : memref<512x64xf32, #tpu.memory_space<hbm>>)
    %dma_start3A_983 = arith.constant 16 : i32
    %dma_start3A_984 = arith.constant 1 : i32
    %dma_start3A_985 = arith.constant 1 : i32
    %dma_start3A_986 = arith.constant 0 : i32
    %dma_start3A_987 = arith.constant 0 : i32
    %dma_start3A_988 = tpu.memref_slice %arg6[%dma_start3A_984, %dma_start3A_986, %dma_start3A_987] : memref<3x512x64xf32, #tpu.memory_space<vmem>> -> memref<1x512x64xf32, #tpu.memory_space<vmem>>
    %dma_start3A_989 = tpu.memref_squeeze %dma_start3A_988 : memref<1x512x64xf32, #tpu.memory_space<vmem>> -> memref<512x64xf32, #tpu.memory_space<vmem>>
    %dma_start3A_990 = arith.constant 0 : i32
    %dma_start3A_991 = tpu.memref_slice %arg5[%dma_start3A_983, %dma_start3A_990] : memref<20x512xi32, #tpu.memory_space<vmem>> -> memref<1x512xi32, #tpu.memory_space<vmem>>
    %dma_start3A_992 = tpu.memref_squeeze %dma_start3A_991 : memref<1x512xi32, #tpu.memory_space<vmem>> -> memref<512xi32, #tpu.memory_space<vmem>>
    %dma_start3A_993 = arith.constant 0 : i32
    %dma_start3A_994 = arith.constant 0 : i32
    %dma_start3A_995 = tpu.memref_slice %arg3[%dma_start3A_993, %dma_start3A_994] : memref<1000000x64xf32, #tpu.memory_space<hbm>> -> memref<1000000x64xf32, #tpu.memory_space<hbm>>
    %dma_start3A_996 = tpu.memref_slice %arg7[%dma_start3A_985] : memref<3x!tpu.dma_semaphore, #tpu.memory_space<semaphore_mem>> -> memref<1x!tpu.dma_semaphore, #tpu.memory_space<semaphore_mem>>
    %dma_start3A_997 = tpu.memref_squeeze %dma_start3A_996 : memref<1x!tpu.dma_semaphore, #tpu.memory_space<semaphore_mem>> -> memref<!tpu.dma_semaphore, #tpu.memory_space<semaphore_mem>>
    tpu.enqueue_indirect_dma source(%dma_start3A_995 : memref<1000000x64xf32, #tpu.memory_space<hbm>>) target(%dma_start3A_989 : memref<512x64xf32, #tpu.memory_space<vmem>>) offsets(%dma_start3A_992 : memref<512xi32, #tpu.memory_space<vmem>>) semaphore(%dma_start3A_997 : memref<!tpu.dma_semaphore, #tpu.memory_space<semaphore_mem>>)
    %dma_wait3A_998 = arith.constant 14 : i32
    %dma_wait3A_999 = arith.constant 2 : i32
    %dma_wait3A_1000 = arith.constant 2 : i32
    %dma_wait3A_1001 = arith.constant 0 : i32
    %dma_wait3A_1002 = arith.constant 0 : i32
    %dma_wait3A_1003 = tpu.memref_slice %arg6[%dma_wait3A_999, %dma_wait3A_1001, %dma_wait3A_1002] : memref<3x512x64xf32, #tpu.memory_space<vmem>> -> memref<1x512x64xf32, #tpu.memory_space<vmem>>
    %dma_wait3A_1004 = tpu.memref_squeeze %dma_wait3A_1003 : memref<1x512x64xf32, #tpu.memory_space<vmem>> -> memref<512x64xf32, #tpu.memory_space<vmem>>
    %dma_wait3A_1005 = arith.constant 0 : i32
    %dma_wait3A_1006 = tpu.memref_slice %arg5[%dma_wait3A_998, %dma_wait3A_1005] : memref<20x512xi32, #tpu.memory_space<vmem>> -> memref<1x512xi32, #tpu.memory_space<vmem>>
    %dma_wait3A_1007 = tpu.memref_squeeze %dma_wait3A_1006 : memref<1x512xi32, #tpu.memory_space<vmem>> -> memref<512xi32, #tpu.memory_space<vmem>>
    %dma_wait3A_1008 = arith.constant 0 : i32
    %dma_wait3A_1009 = arith.constant 0 : i32
    %dma_wait3A_1010 = tpu.memref_slice %arg3[%dma_wait3A_1008, %dma_wait3A_1009] : memref<1000000x64xf32, #tpu.memory_space<hbm>> -> memref<1000000x64xf32, #tpu.memory_space<hbm>>
    %dma_wait3A_1011 = tpu.memref_slice %arg7[%dma_wait3A_1000] : memref<3x!tpu.dma_semaphore, #tpu.memory_space<semaphore_mem>> -> memref<1x!tpu.dma_semaphore, #tpu.memory_space<semaphore_mem>>
    %dma_wait3A_1012 = tpu.memref_squeeze %dma_wait3A_1011 : memref<1x!tpu.dma_semaphore, #tpu.memory_space<semaphore_mem>> -> memref<!tpu.dma_semaphore, #tpu.memory_space<semaphore_mem>>
    tpu.wait_indirect_dma semaphore(%dma_wait3A_1012 : memref<!tpu.dma_semaphore, #tpu.memory_space<semaphore_mem>>) src(%dma_wait3A_1010 : memref<1000000x64xf32, #tpu.memory_space<hbm>>) dst(%dma_wait3A_1004 : memref<512x64xf32, #tpu.memory_space<vmem>>)
    %dma_start3A_1013 = arith.constant 2 : i32
    %dma_start3A_1014 = arith.constant 14 : i32
    %dma_start3A_1015 = arith.constant 2 : i32
    %dma_start3A_1016 = arith.constant 0 : i32
    %dma_start3A_1017 = arith.constant 0 : i32
    %dma_start3A_1018 = tpu.memref_slice %arg6[%dma_start3A_1013, %dma_start3A_1016, %dma_start3A_1017] : memref<3x512x64xf32, #tpu.memory_space<vmem>> -> memref<1x512x64xf32, #tpu.memory_space<vmem>>
    %dma_start3A_1019 = tpu.memref_squeeze %dma_start3A_1018 : memref<1x512x64xf32, #tpu.memory_space<vmem>> -> memref<512x64xf32, #tpu.memory_space<vmem>>
    %dma_start3A_1020 = arith.constant 0 : i32
    %dma_start3A_1021 = tpu.memref_slice %arg4[%mul3A_2, %dma_start3A_1014, %dma_start3A_1020] : memref<16384x20x64xf32, #tpu.memory_space<hbm>> -> memref<512x1x64xf32, #tpu.memory_space<hbm>>
    %dma_start3A_1022 = tpu.memref_squeeze %dma_start3A_1021 : memref<512x1x64xf32, #tpu.memory_space<hbm>> -> memref<512x64xf32, #tpu.memory_space<hbm>>
    %dma_start3A_1023 = tpu.memref_slice %arg8[%dma_start3A_1015] : memref<3x!tpu.dma_semaphore, #tpu.memory_space<semaphore_mem>> -> memref<1x!tpu.dma_semaphore, #tpu.memory_space<semaphore_mem>>
    %dma_start3A_1024 = tpu.memref_squeeze %dma_start3A_1023 : memref<1x!tpu.dma_semaphore, #tpu.memory_space<semaphore_mem>> -> memref<!tpu.dma_semaphore, #tpu.memory_space<semaphore_mem>>
    %dma_start3A_1025 = arith.constant 0 : i32
    %dma_start3A_1026 = tpu.memref_slice %arg4[%mul3A_2, %dma_start3A_1014, %dma_start3A_1025] : memref<16384x20x64xf32, #tpu.memory_space<hbm>> -> memref<512x1x64xf32, #tpu.memory_space<hbm>>
    %dma_start3A_1027 = tpu.memref_squeeze %dma_start3A_1026 : memref<512x1x64xf32, #tpu.memory_space<hbm>> -> memref<512x64xf32, #tpu.memory_space<hbm>>
    %dma_start3A_1028 = arith.constant 0 : i32
    %dma_start3A_1029 = arith.constant 0 : i32
    %dma_start3A_1030 = tpu.memref_slice %arg6[%dma_start3A_1013, %dma_start3A_1028, %dma_start3A_1029] : memref<3x512x64xf32, #tpu.memory_space<vmem>> -> memref<1x512x64xf32, #tpu.memory_space<vmem>>
    %dma_start3A_1031 = tpu.memref_squeeze %dma_start3A_1030 : memref<1x512x64xf32, #tpu.memory_space<vmem>> -> memref<512x64xf32, #tpu.memory_space<vmem>>
    tpu.enqueue_dma source(%dma_start3A_1031 : memref<512x64xf32, #tpu.memory_space<vmem>>) target(%dma_start3A_1027 : memref<512x64xf32, #tpu.memory_space<hbm>>) target_semaphore(%dma_start3A_1024 : memref<!tpu.dma_semaphore, #tpu.memory_space<semaphore_mem>>)
    %dma_wait3A_1032 = arith.constant 2 : i32
    %dma_wait3A_1033 = arith.constant 14 : i32
    %dma_wait3A_1034 = arith.constant 2 : i32
    %dma_wait3A_1035 = arith.constant 0 : i32
    %dma_wait3A_1036 = arith.constant 0 : i32
    %dma_wait3A_1037 = tpu.memref_slice %arg6[%dma_wait3A_1032, %dma_wait3A_1035, %dma_wait3A_1036] : memref<3x512x64xf32, #tpu.memory_space<vmem>> -> memref<1x512x64xf32, #tpu.memory_space<vmem>>
    %dma_wait3A_1038 = tpu.memref_squeeze %dma_wait3A_1037 : memref<1x512x64xf32, #tpu.memory_space<vmem>> -> memref<512x64xf32, #tpu.memory_space<vmem>>
    %dma_wait3A_1039 = arith.constant 0 : i32
    %dma_wait3A_1040 = tpu.memref_slice %arg4[%mul3A_2, %dma_wait3A_1033, %dma_wait3A_1039] : memref<16384x20x64xf32, #tpu.memory_space<hbm>> -> memref<512x1x64xf32, #tpu.memory_space<hbm>>
    %dma_wait3A_1041 = tpu.memref_squeeze %dma_wait3A_1040 : memref<512x1x64xf32, #tpu.memory_space<hbm>> -> memref<512x64xf32, #tpu.memory_space<hbm>>
    %dma_wait3A_1042 = tpu.memref_slice %arg8[%dma_wait3A_1034] : memref<3x!tpu.dma_semaphore, #tpu.memory_space<semaphore_mem>> -> memref<1x!tpu.dma_semaphore, #tpu.memory_space<semaphore_mem>>
    %dma_wait3A_1043 = tpu.memref_squeeze %dma_wait3A_1042 : memref<1x!tpu.dma_semaphore, #tpu.memory_space<semaphore_mem>> -> memref<!tpu.dma_semaphore, #tpu.memory_space<semaphore_mem>>
    %dma_wait3A_1044 = arith.constant 0 : i32
    %dma_wait3A_1045 = tpu.memref_slice %arg4[%mul3A_2, %dma_wait3A_1033, %dma_wait3A_1044] : memref<16384x20x64xf32, #tpu.memory_space<hbm>> -> memref<512x1x64xf32, #tpu.memory_space<hbm>>
    %dma_wait3A_1046 = tpu.memref_squeeze %dma_wait3A_1045 : memref<512x1x64xf32, #tpu.memory_space<hbm>> -> memref<512x64xf32, #tpu.memory_space<hbm>>
    %dma_wait3A_1047 = arith.constant 0 : i32
    %dma_wait3A_1048 = arith.constant 0 : i32
    %dma_wait3A_1049 = tpu.memref_slice %arg6[%dma_wait3A_1032, %dma_wait3A_1047, %dma_wait3A_1048] : memref<3x512x64xf32, #tpu.memory_space<vmem>> -> memref<1x512x64xf32, #tpu.memory_space<vmem>>
    %dma_wait3A_1050 = tpu.memref_squeeze %dma_wait3A_1049 : memref<1x512x64xf32, #tpu.memory_space<vmem>> -> memref<512x64xf32, #tpu.memory_space<vmem>>
    tpu.wait_dma2 semaphore(%dma_wait3A_1043 : memref<!tpu.dma_semaphore, #tpu.memory_space<semaphore_mem>>) src(%dma_wait3A_1050 : memref<512x64xf32, #tpu.memory_space<vmem>>) dst(%dma_wait3A_1046 : memref<512x64xf32, #tpu.memory_space<hbm>>)
    %dma_start3A_1051 = arith.constant 17 : i32
    %dma_start3A_1052 = arith.constant 2 : i32
    %dma_start3A_1053 = arith.constant 2 : i32
    %dma_start3A_1054 = arith.constant 0 : i32
    %dma_start3A_1055 = arith.constant 0 : i32
    %dma_start3A_1056 = tpu.memref_slice %arg6[%dma_start3A_1052, %dma_start3A_1054, %dma_start3A_1055] : memref<3x512x64xf32, #tpu.memory_space<vmem>> -> memref<1x512x64xf32, #tpu.memory_space<vmem>>
    %dma_start3A_1057 = tpu.memref_squeeze %dma_start3A_1056 : memref<1x512x64xf32, #tpu.memory_space<vmem>> -> memref<512x64xf32, #tpu.memory_space<vmem>>
    %dma_start3A_1058 = arith.constant 0 : i32
    %dma_start3A_1059 = tpu.memref_slice %arg5[%dma_start3A_1051, %dma_start3A_1058] : memref<20x512xi32, #tpu.memory_space<vmem>> -> memref<1x512xi32, #tpu.memory_space<vmem>>
    %dma_start3A_1060 = tpu.memref_squeeze %dma_start3A_1059 : memref<1x512xi32, #tpu.memory_space<vmem>> -> memref<512xi32, #tpu.memory_space<vmem>>
    %dma_start3A_1061 = arith.constant 0 : i32
    %dma_start3A_1062 = arith.constant 0 : i32
    %dma_start3A_1063 = tpu.memref_slice %arg3[%dma_start3A_1061, %dma_start3A_1062] : memref<1000000x64xf32, #tpu.memory_space<hbm>> -> memref<1000000x64xf32, #tpu.memory_space<hbm>>
    %dma_start3A_1064 = tpu.memref_slice %arg7[%dma_start3A_1053] : memref<3x!tpu.dma_semaphore, #tpu.memory_space<semaphore_mem>> -> memref<1x!tpu.dma_semaphore, #tpu.memory_space<semaphore_mem>>
    %dma_start3A_1065 = tpu.memref_squeeze %dma_start3A_1064 : memref<1x!tpu.dma_semaphore, #tpu.memory_space<semaphore_mem>> -> memref<!tpu.dma_semaphore, #tpu.memory_space<semaphore_mem>>
    tpu.enqueue_indirect_dma source(%dma_start3A_1063 : memref<1000000x64xf32, #tpu.memory_space<hbm>>) target(%dma_start3A_1057 : memref<512x64xf32, #tpu.memory_space<vmem>>) offsets(%dma_start3A_1060 : memref<512xi32, #tpu.memory_space<vmem>>) semaphore(%dma_start3A_1065 : memref<!tpu.dma_semaphore, #tpu.memory_space<semaphore_mem>>)
    %dma_wait3A_1066 = arith.constant 15 : i32
    %dma_wait3A_1067 = arith.constant 0 : i32
    %dma_wait3A_1068 = arith.constant 0 : i32
    %dma_wait3A_1069 = arith.constant 0 : i32
    %dma_wait3A_1070 = arith.constant 0 : i32
    %dma_wait3A_1071 = tpu.memref_slice %arg6[%dma_wait3A_1067, %dma_wait3A_1069, %dma_wait3A_1070] : memref<3x512x64xf32, #tpu.memory_space<vmem>> -> memref<1x512x64xf32, #tpu.memory_space<vmem>>
    %dma_wait3A_1072 = tpu.memref_squeeze %dma_wait3A_1071 : memref<1x512x64xf32, #tpu.memory_space<vmem>> -> memref<512x64xf32, #tpu.memory_space<vmem>>
    %dma_wait3A_1073 = arith.constant 0 : i32
    %dma_wait3A_1074 = tpu.memref_slice %arg5[%dma_wait3A_1066, %dma_wait3A_1073] : memref<20x512xi32, #tpu.memory_space<vmem>> -> memref<1x512xi32, #tpu.memory_space<vmem>>
    %dma_wait3A_1075 = tpu.memref_squeeze %dma_wait3A_1074 : memref<1x512xi32, #tpu.memory_space<vmem>> -> memref<512xi32, #tpu.memory_space<vmem>>
    %dma_wait3A_1076 = arith.constant 0 : i32
    %dma_wait3A_1077 = arith.constant 0 : i32
    %dma_wait3A_1078 = tpu.memref_slice %arg3[%dma_wait3A_1076, %dma_wait3A_1077] : memref<1000000x64xf32, #tpu.memory_space<hbm>> -> memref<1000000x64xf32, #tpu.memory_space<hbm>>
    %dma_wait3A_1079 = tpu.memref_slice %arg7[%dma_wait3A_1068] : memref<3x!tpu.dma_semaphore, #tpu.memory_space<semaphore_mem>> -> memref<1x!tpu.dma_semaphore, #tpu.memory_space<semaphore_mem>>
    %dma_wait3A_1080 = tpu.memref_squeeze %dma_wait3A_1079 : memref<1x!tpu.dma_semaphore, #tpu.memory_space<semaphore_mem>> -> memref<!tpu.dma_semaphore, #tpu.memory_space<semaphore_mem>>
    tpu.wait_indirect_dma semaphore(%dma_wait3A_1080 : memref<!tpu.dma_semaphore, #tpu.memory_space<semaphore_mem>>) src(%dma_wait3A_1078 : memref<1000000x64xf32, #tpu.memory_space<hbm>>) dst(%dma_wait3A_1072 : memref<512x64xf32, #tpu.memory_space<vmem>>)
    %dma_start3A_1081 = arith.constant 0 : i32
    %dma_start3A_1082 = arith.constant 15 : i32
    %dma_start3A_1083 = arith.constant 0 : i32
    %dma_start3A_1084 = arith.constant 0 : i32
    %dma_start3A_1085 = arith.constant 0 : i32
    %dma_start3A_1086 = tpu.memref_slice %arg6[%dma_start3A_1081, %dma_start3A_1084, %dma_start3A_1085] : memref<3x512x64xf32, #tpu.memory_space<vmem>> -> memref<1x512x64xf32, #tpu.memory_space<vmem>>
    %dma_start3A_1087 = tpu.memref_squeeze %dma_start3A_1086 : memref<1x512x64xf32, #tpu.memory_space<vmem>> -> memref<512x64xf32, #tpu.memory_space<vmem>>
    %dma_start3A_1088 = arith.constant 0 : i32
    %dma_start3A_1089 = tpu.memref_slice %arg4[%mul3A_2, %dma_start3A_1082, %dma_start3A_1088] : memref<16384x20x64xf32, #tpu.memory_space<hbm>> -> memref<512x1x64xf32, #tpu.memory_space<hbm>>
    %dma_start3A_1090 = tpu.memref_squeeze %dma_start3A_1089 : memref<512x1x64xf32, #tpu.memory_space<hbm>> -> memref<512x64xf32, #tpu.memory_space<hbm>>
    %dma_start3A_1091 = tpu.memref_slice %arg8[%dma_start3A_1083] : memref<3x!tpu.dma_semaphore, #tpu.memory_space<semaphore_mem>> -> memref<1x!tpu.dma_semaphore, #tpu.memory_space<semaphore_mem>>
    %dma_start3A_1092 = tpu.memref_squeeze %dma_start3A_1091 : memref<1x!tpu.dma_semaphore, #tpu.memory_space<semaphore_mem>> -> memref<!tpu.dma_semaphore, #tpu.memory_space<semaphore_mem>>
    %dma_start3A_1093 = arith.constant 0 : i32
    %dma_start3A_1094 = tpu.memref_slice %arg4[%mul3A_2, %dma_start3A_1082, %dma_start3A_1093] : memref<16384x20x64xf32, #tpu.memory_space<hbm>> -> memref<512x1x64xf32, #tpu.memory_space<hbm>>
    %dma_start3A_1095 = tpu.memref_squeeze %dma_start3A_1094 : memref<512x1x64xf32, #tpu.memory_space<hbm>> -> memref<512x64xf32, #tpu.memory_space<hbm>>
    %dma_start3A_1096 = arith.constant 0 : i32
    %dma_start3A_1097 = arith.constant 0 : i32
    %dma_start3A_1098 = tpu.memref_slice %arg6[%dma_start3A_1081, %dma_start3A_1096, %dma_start3A_1097] : memref<3x512x64xf32, #tpu.memory_space<vmem>> -> memref<1x512x64xf32, #tpu.memory_space<vmem>>
    %dma_start3A_1099 = tpu.memref_squeeze %dma_start3A_1098 : memref<1x512x64xf32, #tpu.memory_space<vmem>> -> memref<512x64xf32, #tpu.memory_space<vmem>>
    tpu.enqueue_dma source(%dma_start3A_1099 : memref<512x64xf32, #tpu.memory_space<vmem>>) target(%dma_start3A_1095 : memref<512x64xf32, #tpu.memory_space<hbm>>) target_semaphore(%dma_start3A_1092 : memref<!tpu.dma_semaphore, #tpu.memory_space<semaphore_mem>>)
    %dma_wait3A_1100 = arith.constant 0 : i32
    %dma_wait3A_1101 = arith.constant 15 : i32
    %dma_wait3A_1102 = arith.constant 0 : i32
    %dma_wait3A_1103 = arith.constant 0 : i32
    %dma_wait3A_1104 = arith.constant 0 : i32
    %dma_wait3A_1105 = tpu.memref_slice %arg6[%dma_wait3A_1100, %dma_wait3A_1103, %dma_wait3A_1104] : memref<3x512x64xf32, #tpu.memory_space<vmem>> -> memref<1x512x64xf32, #tpu.memory_space<vmem>>
    %dma_wait3A_1106 = tpu.memref_squeeze %dma_wait3A_1105 : memref<1x512x64xf32, #tpu.memory_space<vmem>> -> memref<512x64xf32, #tpu.memory_space<vmem>>
    %dma_wait3A_1107 = arith.constant 0 : i32
    %dma_wait3A_1108 = tpu.memref_slice %arg4[%mul3A_2, %dma_wait3A_1101, %dma_wait3A_1107] : memref<16384x20x64xf32, #tpu.memory_space<hbm>> -> memref<512x1x64xf32, #tpu.memory_space<hbm>>
    %dma_wait3A_1109 = tpu.memref_squeeze %dma_wait3A_1108 : memref<512x1x64xf32, #tpu.memory_space<hbm>> -> memref<512x64xf32, #tpu.memory_space<hbm>>
    %dma_wait3A_1110 = tpu.memref_slice %arg8[%dma_wait3A_1102] : memref<3x!tpu.dma_semaphore, #tpu.memory_space<semaphore_mem>> -> memref<1x!tpu.dma_semaphore, #tpu.memory_space<semaphore_mem>>
    %dma_wait3A_1111 = tpu.memref_squeeze %dma_wait3A_1110 : memref<1x!tpu.dma_semaphore, #tpu.memory_space<semaphore_mem>> -> memref<!tpu.dma_semaphore, #tpu.memory_space<semaphore_mem>>
    %dma_wait3A_1112 = arith.constant 0 : i32
    %dma_wait3A_1113 = tpu.memref_slice %arg4[%mul3A_2, %dma_wait3A_1101, %dma_wait3A_1112] : memref<16384x20x64xf32, #tpu.memory_space<hbm>> -> memref<512x1x64xf32, #tpu.memory_space<hbm>>
    %dma_wait3A_1114 = tpu.memref_squeeze %dma_wait3A_1113 : memref<512x1x64xf32, #tpu.memory_space<hbm>> -> memref<512x64xf32, #tpu.memory_space<hbm>>
    %dma_wait3A_1115 = arith.constant 0 : i32
    %dma_wait3A_1116 = arith.constant 0 : i32
    %dma_wait3A_1117 = tpu.memref_slice %arg6[%dma_wait3A_1100, %dma_wait3A_1115, %dma_wait3A_1116] : memref<3x512x64xf32, #tpu.memory_space<vmem>> -> memref<1x512x64xf32, #tpu.memory_space<vmem>>
    %dma_wait3A_1118 = tpu.memref_squeeze %dma_wait3A_1117 : memref<1x512x64xf32, #tpu.memory_space<vmem>> -> memref<512x64xf32, #tpu.memory_space<vmem>>
    tpu.wait_dma2 semaphore(%dma_wait3A_1111 : memref<!tpu.dma_semaphore, #tpu.memory_space<semaphore_mem>>) src(%dma_wait3A_1118 : memref<512x64xf32, #tpu.memory_space<vmem>>) dst(%dma_wait3A_1114 : memref<512x64xf32, #tpu.memory_space<hbm>>)
    %dma_start3A_1119 = arith.constant 18 : i32
    %dma_start3A_1120 = arith.constant 0 : i32
    %dma_start3A_1121 = arith.constant 0 : i32
    %dma_start3A_1122 = arith.constant 0 : i32
    %dma_start3A_1123 = arith.constant 0 : i32
    %dma_start3A_1124 = tpu.memref_slice %arg6[%dma_start3A_1120, %dma_start3A_1122, %dma_start3A_1123] : memref<3x512x64xf32, #tpu.memory_space<vmem>> -> memref<1x512x64xf32, #tpu.memory_space<vmem>>
    %dma_start3A_1125 = tpu.memref_squeeze %dma_start3A_1124 : memref<1x512x64xf32, #tpu.memory_space<vmem>> -> memref<512x64xf32, #tpu.memory_space<vmem>>
    %dma_start3A_1126 = arith.constant 0 : i32
    %dma_start3A_1127 = tpu.memref_slice %arg5[%dma_start3A_1119, %dma_start3A_1126] : memref<20x512xi32, #tpu.memory_space<vmem>> -> memref<1x512xi32, #tpu.memory_space<vmem>>
    %dma_start3A_1128 = tpu.memref_squeeze %dma_start3A_1127 : memref<1x512xi32, #tpu.memory_space<vmem>> -> memref<512xi32, #tpu.memory_space<vmem>>
    %dma_start3A_1129 = arith.constant 0 : i32
    %dma_start3A_1130 = arith.constant 0 : i32
    %dma_start3A_1131 = tpu.memref_slice %arg3[%dma_start3A_1129, %dma_start3A_1130] : memref<1000000x64xf32, #tpu.memory_space<hbm>> -> memref<1000000x64xf32, #tpu.memory_space<hbm>>
    %dma_start3A_1132 = tpu.memref_slice %arg7[%dma_start3A_1121] : memref<3x!tpu.dma_semaphore, #tpu.memory_space<semaphore_mem>> -> memref<1x!tpu.dma_semaphore, #tpu.memory_space<semaphore_mem>>
    %dma_start3A_1133 = tpu.memref_squeeze %dma_start3A_1132 : memref<1x!tpu.dma_semaphore, #tpu.memory_space<semaphore_mem>> -> memref<!tpu.dma_semaphore, #tpu.memory_space<semaphore_mem>>
    tpu.enqueue_indirect_dma source(%dma_start3A_1131 : memref<1000000x64xf32, #tpu.memory_space<hbm>>) target(%dma_start3A_1125 : memref<512x64xf32, #tpu.memory_space<vmem>>) offsets(%dma_start3A_1128 : memref<512xi32, #tpu.memory_space<vmem>>) semaphore(%dma_start3A_1133 : memref<!tpu.dma_semaphore, #tpu.memory_space<semaphore_mem>>)
    %dma_wait3A_1134 = arith.constant 16 : i32
    %dma_wait3A_1135 = arith.constant 1 : i32
    %dma_wait3A_1136 = arith.constant 1 : i32
    %dma_wait3A_1137 = arith.constant 0 : i32
    %dma_wait3A_1138 = arith.constant 0 : i32
    %dma_wait3A_1139 = tpu.memref_slice %arg6[%dma_wait3A_1135, %dma_wait3A_1137, %dma_wait3A_1138] : memref<3x512x64xf32, #tpu.memory_space<vmem>> -> memref<1x512x64xf32, #tpu.memory_space<vmem>>
    %dma_wait3A_1140 = tpu.memref_squeeze %dma_wait3A_1139 : memref<1x512x64xf32, #tpu.memory_space<vmem>> -> memref<512x64xf32, #tpu.memory_space<vmem>>
    %dma_wait3A_1141 = arith.constant 0 : i32
    %dma_wait3A_1142 = tpu.memref_slice %arg5[%dma_wait3A_1134, %dma_wait3A_1141] : memref<20x512xi32, #tpu.memory_space<vmem>> -> memref<1x512xi32, #tpu.memory_space<vmem>>
    %dma_wait3A_1143 = tpu.memref_squeeze %dma_wait3A_1142 : memref<1x512xi32, #tpu.memory_space<vmem>> -> memref<512xi32, #tpu.memory_space<vmem>>
    %dma_wait3A_1144 = arith.constant 0 : i32
    %dma_wait3A_1145 = arith.constant 0 : i32
    %dma_wait3A_1146 = tpu.memref_slice %arg3[%dma_wait3A_1144, %dma_wait3A_1145] : memref<1000000x64xf32, #tpu.memory_space<hbm>> -> memref<1000000x64xf32, #tpu.memory_space<hbm>>
    %dma_wait3A_1147 = tpu.memref_slice %arg7[%dma_wait3A_1136] : memref<3x!tpu.dma_semaphore, #tpu.memory_space<semaphore_mem>> -> memref<1x!tpu.dma_semaphore, #tpu.memory_space<semaphore_mem>>
    %dma_wait3A_1148 = tpu.memref_squeeze %dma_wait3A_1147 : memref<1x!tpu.dma_semaphore, #tpu.memory_space<semaphore_mem>> -> memref<!tpu.dma_semaphore, #tpu.memory_space<semaphore_mem>>
    tpu.wait_indirect_dma semaphore(%dma_wait3A_1148 : memref<!tpu.dma_semaphore, #tpu.memory_space<semaphore_mem>>) src(%dma_wait3A_1146 : memref<1000000x64xf32, #tpu.memory_space<hbm>>) dst(%dma_wait3A_1140 : memref<512x64xf32, #tpu.memory_space<vmem>>)
    %dma_start3A_1149 = arith.constant 1 : i32
    %dma_start3A_1150 = arith.constant 16 : i32
    %dma_start3A_1151 = arith.constant 1 : i32
    %dma_start3A_1152 = arith.constant 0 : i32
    %dma_start3A_1153 = arith.constant 0 : i32
    %dma_start3A_1154 = tpu.memref_slice %arg6[%dma_start3A_1149, %dma_start3A_1152, %dma_start3A_1153] : memref<3x512x64xf32, #tpu.memory_space<vmem>> -> memref<1x512x64xf32, #tpu.memory_space<vmem>>
    %dma_start3A_1155 = tpu.memref_squeeze %dma_start3A_1154 : memref<1x512x64xf32, #tpu.memory_space<vmem>> -> memref<512x64xf32, #tpu.memory_space<vmem>>
    %dma_start3A_1156 = arith.constant 0 : i32
    %dma_start3A_1157 = tpu.memref_slice %arg4[%mul3A_2, %dma_start3A_1150, %dma_start3A_1156] : memref<16384x20x64xf32, #tpu.memory_space<hbm>> -> memref<512x1x64xf32, #tpu.memory_space<hbm>>
    %dma_start3A_1158 = tpu.memref_squeeze %dma_start3A_1157 : memref<512x1x64xf32, #tpu.memory_space<hbm>> -> memref<512x64xf32, #tpu.memory_space<hbm>>
    %dma_start3A_1159 = tpu.memref_slice %arg8[%dma_start3A_1151] : memref<3x!tpu.dma_semaphore, #tpu.memory_space<semaphore_mem>> -> memref<1x!tpu.dma_semaphore, #tpu.memory_space<semaphore_mem>>
    %dma_start3A_1160 = tpu.memref_squeeze %dma_start3A_1159 : memref<1x!tpu.dma_semaphore, #tpu.memory_space<semaphore_mem>> -> memref<!tpu.dma_semaphore, #tpu.memory_space<semaphore_mem>>
    %dma_start3A_1161 = arith.constant 0 : i32
    %dma_start3A_1162 = tpu.memref_slice %arg4[%mul3A_2, %dma_start3A_1150, %dma_start3A_1161] : memref<16384x20x64xf32, #tpu.memory_space<hbm>> -> memref<512x1x64xf32, #tpu.memory_space<hbm>>
    %dma_start3A_1163 = tpu.memref_squeeze %dma_start3A_1162 : memref<512x1x64xf32, #tpu.memory_space<hbm>> -> memref<512x64xf32, #tpu.memory_space<hbm>>
    %dma_start3A_1164 = arith.constant 0 : i32
    %dma_start3A_1165 = arith.constant 0 : i32
    %dma_start3A_1166 = tpu.memref_slice %arg6[%dma_start3A_1149, %dma_start3A_1164, %dma_start3A_1165] : memref<3x512x64xf32, #tpu.memory_space<vmem>> -> memref<1x512x64xf32, #tpu.memory_space<vmem>>
    %dma_start3A_1167 = tpu.memref_squeeze %dma_start3A_1166 : memref<1x512x64xf32, #tpu.memory_space<vmem>> -> memref<512x64xf32, #tpu.memory_space<vmem>>
    tpu.enqueue_dma source(%dma_start3A_1167 : memref<512x64xf32, #tpu.memory_space<vmem>>) target(%dma_start3A_1163 : memref<512x64xf32, #tpu.memory_space<hbm>>) target_semaphore(%dma_start3A_1160 : memref<!tpu.dma_semaphore, #tpu.memory_space<semaphore_mem>>)
    %dma_wait3A_1168 = arith.constant 1 : i32
    %dma_wait3A_1169 = arith.constant 16 : i32
    %dma_wait3A_1170 = arith.constant 1 : i32
    %dma_wait3A_1171 = arith.constant 0 : i32
    %dma_wait3A_1172 = arith.constant 0 : i32
    %dma_wait3A_1173 = tpu.memref_slice %arg6[%dma_wait3A_1168, %dma_wait3A_1171, %dma_wait3A_1172] : memref<3x512x64xf32, #tpu.memory_space<vmem>> -> memref<1x512x64xf32, #tpu.memory_space<vmem>>
    %dma_wait3A_1174 = tpu.memref_squeeze %dma_wait3A_1173 : memref<1x512x64xf32, #tpu.memory_space<vmem>> -> memref<512x64xf32, #tpu.memory_space<vmem>>
    %dma_wait3A_1175 = arith.constant 0 : i32
    %dma_wait3A_1176 = tpu.memref_slice %arg4[%mul3A_2, %dma_wait3A_1169, %dma_wait3A_1175] : memref<16384x20x64xf32, #tpu.memory_space<hbm>> -> memref<512x1x64xf32, #tpu.memory_space<hbm>>
    %dma_wait3A_1177 = tpu.memref_squeeze %dma_wait3A_1176 : memref<512x1x64xf32, #tpu.memory_space<hbm>> -> memref<512x64xf32, #tpu.memory_space<hbm>>
    %dma_wait3A_1178 = tpu.memref_slice %arg8[%dma_wait3A_1170] : memref<3x!tpu.dma_semaphore, #tpu.memory_space<semaphore_mem>> -> memref<1x!tpu.dma_semaphore, #tpu.memory_space<semaphore_mem>>
    %dma_wait3A_1179 = tpu.memref_squeeze %dma_wait3A_1178 : memref<1x!tpu.dma_semaphore, #tpu.memory_space<semaphore_mem>> -> memref<!tpu.dma_semaphore, #tpu.memory_space<semaphore_mem>>
    %dma_wait3A_1180 = arith.constant 0 : i32
    %dma_wait3A_1181 = tpu.memref_slice %arg4[%mul3A_2, %dma_wait3A_1169, %dma_wait3A_1180] : memref<16384x20x64xf32, #tpu.memory_space<hbm>> -> memref<512x1x64xf32, #tpu.memory_space<hbm>>
    %dma_wait3A_1182 = tpu.memref_squeeze %dma_wait3A_1181 : memref<512x1x64xf32, #tpu.memory_space<hbm>> -> memref<512x64xf32, #tpu.memory_space<hbm>>
    %dma_wait3A_1183 = arith.constant 0 : i32
    %dma_wait3A_1184 = arith.constant 0 : i32
    %dma_wait3A_1185 = tpu.memref_slice %arg6[%dma_wait3A_1168, %dma_wait3A_1183, %dma_wait3A_1184] : memref<3x512x64xf32, #tpu.memory_space<vmem>> -> memref<1x512x64xf32, #tpu.memory_space<vmem>>
    %dma_wait3A_1186 = tpu.memref_squeeze %dma_wait3A_1185 : memref<1x512x64xf32, #tpu.memory_space<vmem>> -> memref<512x64xf32, #tpu.memory_space<vmem>>
    tpu.wait_dma2 semaphore(%dma_wait3A_1179 : memref<!tpu.dma_semaphore, #tpu.memory_space<semaphore_mem>>) src(%dma_wait3A_1186 : memref<512x64xf32, #tpu.memory_space<vmem>>) dst(%dma_wait3A_1182 : memref<512x64xf32, #tpu.memory_space<hbm>>)
    %dma_start3A_1187 = arith.constant 19 : i32
    %dma_start3A_1188 = arith.constant 1 : i32
    %dma_start3A_1189 = arith.constant 1 : i32
    %dma_start3A_1190 = arith.constant 0 : i32
    %dma_start3A_1191 = arith.constant 0 : i32
    %dma_start3A_1192 = tpu.memref_slice %arg6[%dma_start3A_1188, %dma_start3A_1190, %dma_start3A_1191] : memref<3x512x64xf32, #tpu.memory_space<vmem>> -> memref<1x512x64xf32, #tpu.memory_space<vmem>>
    %dma_start3A_1193 = tpu.memref_squeeze %dma_start3A_1192 : memref<1x512x64xf32, #tpu.memory_space<vmem>> -> memref<512x64xf32, #tpu.memory_space<vmem>>
    %dma_start3A_1194 = arith.constant 0 : i32
    %dma_start3A_1195 = tpu.memref_slice %arg5[%dma_start3A_1187, %dma_start3A_1194] : memref<20x512xi32, #tpu.memory_space<vmem>> -> memref<1x512xi32, #tpu.memory_space<vmem>>
    %dma_start3A_1196 = tpu.memref_squeeze %dma_start3A_1195 : memref<1x512xi32, #tpu.memory_space<vmem>> -> memref<512xi32, #tpu.memory_space<vmem>>
    %dma_start3A_1197 = arith.constant 0 : i32
    %dma_start3A_1198 = arith.constant 0 : i32
    %dma_start3A_1199 = tpu.memref_slice %arg3[%dma_start3A_1197, %dma_start3A_1198] : memref<1000000x64xf32, #tpu.memory_space<hbm>> -> memref<1000000x64xf32, #tpu.memory_space<hbm>>
    %dma_start3A_1200 = tpu.memref_slice %arg7[%dma_start3A_1189] : memref<3x!tpu.dma_semaphore, #tpu.memory_space<semaphore_mem>> -> memref<1x!tpu.dma_semaphore, #tpu.memory_space<semaphore_mem>>
    %dma_start3A_1201 = tpu.memref_squeeze %dma_start3A_1200 : memref<1x!tpu.dma_semaphore, #tpu.memory_space<semaphore_mem>> -> memref<!tpu.dma_semaphore, #tpu.memory_space<semaphore_mem>>
    tpu.enqueue_indirect_dma source(%dma_start3A_1199 : memref<1000000x64xf32, #tpu.memory_space<hbm>>) target(%dma_start3A_1193 : memref<512x64xf32, #tpu.memory_space<vmem>>) offsets(%dma_start3A_1196 : memref<512xi32, #tpu.memory_space<vmem>>) semaphore(%dma_start3A_1201 : memref<!tpu.dma_semaphore, #tpu.memory_space<semaphore_mem>>)
    %dma_wait3A_1202 = arith.constant 17 : i32
    %dma_wait3A_1203 = arith.constant 2 : i32
    %dma_wait3A_1204 = arith.constant 2 : i32
    %dma_wait3A_1205 = arith.constant 0 : i32
    %dma_wait3A_1206 = arith.constant 0 : i32
    %dma_wait3A_1207 = tpu.memref_slice %arg6[%dma_wait3A_1203, %dma_wait3A_1205, %dma_wait3A_1206] : memref<3x512x64xf32, #tpu.memory_space<vmem>> -> memref<1x512x64xf32, #tpu.memory_space<vmem>>
    %dma_wait3A_1208 = tpu.memref_squeeze %dma_wait3A_1207 : memref<1x512x64xf32, #tpu.memory_space<vmem>> -> memref<512x64xf32, #tpu.memory_space<vmem>>
    %dma_wait3A_1209 = arith.constant 0 : i32
    %dma_wait3A_1210 = tpu.memref_slice %arg5[%dma_wait3A_1202, %dma_wait3A_1209] : memref<20x512xi32, #tpu.memory_space<vmem>> -> memref<1x512xi32, #tpu.memory_space<vmem>>
    %dma_wait3A_1211 = tpu.memref_squeeze %dma_wait3A_1210 : memref<1x512xi32, #tpu.memory_space<vmem>> -> memref<512xi32, #tpu.memory_space<vmem>>
    %dma_wait3A_1212 = arith.constant 0 : i32
    %dma_wait3A_1213 = arith.constant 0 : i32
    %dma_wait3A_1214 = tpu.memref_slice %arg3[%dma_wait3A_1212, %dma_wait3A_1213] : memref<1000000x64xf32, #tpu.memory_space<hbm>> -> memref<1000000x64xf32, #tpu.memory_space<hbm>>
    %dma_wait3A_1215 = tpu.memref_slice %arg7[%dma_wait3A_1204] : memref<3x!tpu.dma_semaphore, #tpu.memory_space<semaphore_mem>> -> memref<1x!tpu.dma_semaphore, #tpu.memory_space<semaphore_mem>>
    %dma_wait3A_1216 = tpu.memref_squeeze %dma_wait3A_1215 : memref<1x!tpu.dma_semaphore, #tpu.memory_space<semaphore_mem>> -> memref<!tpu.dma_semaphore, #tpu.memory_space<semaphore_mem>>
    tpu.wait_indirect_dma semaphore(%dma_wait3A_1216 : memref<!tpu.dma_semaphore, #tpu.memory_space<semaphore_mem>>) src(%dma_wait3A_1214 : memref<1000000x64xf32, #tpu.memory_space<hbm>>) dst(%dma_wait3A_1208 : memref<512x64xf32, #tpu.memory_space<vmem>>)
    %dma_start3A_1217 = arith.constant 2 : i32
    %dma_start3A_1218 = arith.constant 17 : i32
    %dma_start3A_1219 = arith.constant 2 : i32
    %dma_start3A_1220 = arith.constant 0 : i32
    %dma_start3A_1221 = arith.constant 0 : i32
    %dma_start3A_1222 = tpu.memref_slice %arg6[%dma_start3A_1217, %dma_start3A_1220, %dma_start3A_1221] : memref<3x512x64xf32, #tpu.memory_space<vmem>> -> memref<1x512x64xf32, #tpu.memory_space<vmem>>
    %dma_start3A_1223 = tpu.memref_squeeze %dma_start3A_1222 : memref<1x512x64xf32, #tpu.memory_space<vmem>> -> memref<512x64xf32, #tpu.memory_space<vmem>>
    %dma_start3A_1224 = arith.constant 0 : i32
    %dma_start3A_1225 = tpu.memref_slice %arg4[%mul3A_2, %dma_start3A_1218, %dma_start3A_1224] : memref<16384x20x64xf32, #tpu.memory_space<hbm>> -> memref<512x1x64xf32, #tpu.memory_space<hbm>>
    %dma_start3A_1226 = tpu.memref_squeeze %dma_start3A_1225 : memref<512x1x64xf32, #tpu.memory_space<hbm>> -> memref<512x64xf32, #tpu.memory_space<hbm>>
    %dma_start3A_1227 = tpu.memref_slice %arg8[%dma_start3A_1219] : memref<3x!tpu.dma_semaphore, #tpu.memory_space<semaphore_mem>> -> memref<1x!tpu.dma_semaphore, #tpu.memory_space<semaphore_mem>>
    %dma_start3A_1228 = tpu.memref_squeeze %dma_start3A_1227 : memref<1x!tpu.dma_semaphore, #tpu.memory_space<semaphore_mem>> -> memref<!tpu.dma_semaphore, #tpu.memory_space<semaphore_mem>>
    %dma_start3A_1229 = arith.constant 0 : i32
    %dma_start3A_1230 = tpu.memref_slice %arg4[%mul3A_2, %dma_start3A_1218, %dma_start3A_1229] : memref<16384x20x64xf32, #tpu.memory_space<hbm>> -> memref<512x1x64xf32, #tpu.memory_space<hbm>>
    %dma_start3A_1231 = tpu.memref_squeeze %dma_start3A_1230 : memref<512x1x64xf32, #tpu.memory_space<hbm>> -> memref<512x64xf32, #tpu.memory_space<hbm>>
    %dma_start3A_1232 = arith.constant 0 : i32
    %dma_start3A_1233 = arith.constant 0 : i32
    %dma_start3A_1234 = tpu.memref_slice %arg6[%dma_start3A_1217, %dma_start3A_1232, %dma_start3A_1233] : memref<3x512x64xf32, #tpu.memory_space<vmem>> -> memref<1x512x64xf32, #tpu.memory_space<vmem>>
    %dma_start3A_1235 = tpu.memref_squeeze %dma_start3A_1234 : memref<1x512x64xf32, #tpu.memory_space<vmem>> -> memref<512x64xf32, #tpu.memory_space<vmem>>
    tpu.enqueue_dma source(%dma_start3A_1235 : memref<512x64xf32, #tpu.memory_space<vmem>>) target(%dma_start3A_1231 : memref<512x64xf32, #tpu.memory_space<hbm>>) target_semaphore(%dma_start3A_1228 : memref<!tpu.dma_semaphore, #tpu.memory_space<semaphore_mem>>)
    %dma_wait3A_1236 = arith.constant 2 : i32
    %dma_wait3A_1237 = arith.constant 17 : i32
    %dma_wait3A_1238 = arith.constant 2 : i32
    %dma_wait3A_1239 = arith.constant 0 : i32
    %dma_wait3A_1240 = arith.constant 0 : i32
    %dma_wait3A_1241 = tpu.memref_slice %arg6[%dma_wait3A_1236, %dma_wait3A_1239, %dma_wait3A_1240] : memref<3x512x64xf32, #tpu.memory_space<vmem>> -> memref<1x512x64xf32, #tpu.memory_space<vmem>>
    %dma_wait3A_1242 = tpu.memref_squeeze %dma_wait3A_1241 : memref<1x512x64xf32, #tpu.memory_space<vmem>> -> memref<512x64xf32, #tpu.memory_space<vmem>>
    %dma_wait3A_1243 = arith.constant 0 : i32
    %dma_wait3A_1244 = tpu.memref_slice %arg4[%mul3A_2, %dma_wait3A_1237, %dma_wait3A_1243] : memref<16384x20x64xf32, #tpu.memory_space<hbm>> -> memref<512x1x64xf32, #tpu.memory_space<hbm>>
    %dma_wait3A_1245 = tpu.memref_squeeze %dma_wait3A_1244 : memref<512x1x64xf32, #tpu.memory_space<hbm>> -> memref<512x64xf32, #tpu.memory_space<hbm>>
    %dma_wait3A_1246 = tpu.memref_slice %arg8[%dma_wait3A_1238] : memref<3x!tpu.dma_semaphore, #tpu.memory_space<semaphore_mem>> -> memref<1x!tpu.dma_semaphore, #tpu.memory_space<semaphore_mem>>
    %dma_wait3A_1247 = tpu.memref_squeeze %dma_wait3A_1246 : memref<1x!tpu.dma_semaphore, #tpu.memory_space<semaphore_mem>> -> memref<!tpu.dma_semaphore, #tpu.memory_space<semaphore_mem>>
    %dma_wait3A_1248 = arith.constant 0 : i32
    %dma_wait3A_1249 = tpu.memref_slice %arg4[%mul3A_2, %dma_wait3A_1237, %dma_wait3A_1248] : memref<16384x20x64xf32, #tpu.memory_space<hbm>> -> memref<512x1x64xf32, #tpu.memory_space<hbm>>
    %dma_wait3A_1250 = tpu.memref_squeeze %dma_wait3A_1249 : memref<512x1x64xf32, #tpu.memory_space<hbm>> -> memref<512x64xf32, #tpu.memory_space<hbm>>
    %dma_wait3A_1251 = arith.constant 0 : i32
    %dma_wait3A_1252 = arith.constant 0 : i32
    %dma_wait3A_1253 = tpu.memref_slice %arg6[%dma_wait3A_1236, %dma_wait3A_1251, %dma_wait3A_1252] : memref<3x512x64xf32, #tpu.memory_space<vmem>> -> memref<1x512x64xf32, #tpu.memory_space<vmem>>
    %dma_wait3A_1254 = tpu.memref_squeeze %dma_wait3A_1253 : memref<1x512x64xf32, #tpu.memory_space<vmem>> -> memref<512x64xf32, #tpu.memory_space<vmem>>
    tpu.wait_dma2 semaphore(%dma_wait3A_1247 : memref<!tpu.dma_semaphore, #tpu.memory_space<semaphore_mem>>) src(%dma_wait3A_1254 : memref<512x64xf32, #tpu.memory_space<vmem>>) dst(%dma_wait3A_1250 : memref<512x64xf32, #tpu.memory_space<hbm>>)
    %dma_wait3A_1255 = arith.constant 18 : i32
    %dma_wait3A_1256 = arith.constant 0 : i32
    %dma_wait3A_1257 = arith.constant 0 : i32
    %dma_wait3A_1258 = arith.constant 0 : i32
    %dma_wait3A_1259 = arith.constant 0 : i32
    %dma_wait3A_1260 = tpu.memref_slice %arg6[%dma_wait3A_1256, %dma_wait3A_1258, %dma_wait3A_1259] : memref<3x512x64xf32, #tpu.memory_space<vmem>> -> memref<1x512x64xf32, #tpu.memory_space<vmem>>
    %dma_wait3A_1261 = tpu.memref_squeeze %dma_wait3A_1260 : memref<1x512x64xf32, #tpu.memory_space<vmem>> -> memref<512x64xf32, #tpu.memory_space<vmem>>
    %dma_wait3A_1262 = arith.constant 0 : i32
    %dma_wait3A_1263 = tpu.memref_slice %arg5[%dma_wait3A_1255, %dma_wait3A_1262] : memref<20x512xi32, #tpu.memory_space<vmem>> -> memref<1x512xi32, #tpu.memory_space<vmem>>
    %dma_wait3A_1264 = tpu.memref_squeeze %dma_wait3A_1263 : memref<1x512xi32, #tpu.memory_space<vmem>> -> memref<512xi32, #tpu.memory_space<vmem>>
    %dma_wait3A_1265 = arith.constant 0 : i32
    %dma_wait3A_1266 = arith.constant 0 : i32
    %dma_wait3A_1267 = tpu.memref_slice %arg3[%dma_wait3A_1265, %dma_wait3A_1266] : memref<1000000x64xf32, #tpu.memory_space<hbm>> -> memref<1000000x64xf32, #tpu.memory_space<hbm>>
    %dma_wait3A_1268 = tpu.memref_slice %arg7[%dma_wait3A_1257] : memref<3x!tpu.dma_semaphore, #tpu.memory_space<semaphore_mem>> -> memref<1x!tpu.dma_semaphore, #tpu.memory_space<semaphore_mem>>
    %dma_wait3A_1269 = tpu.memref_squeeze %dma_wait3A_1268 : memref<1x!tpu.dma_semaphore, #tpu.memory_space<semaphore_mem>> -> memref<!tpu.dma_semaphore, #tpu.memory_space<semaphore_mem>>
    tpu.wait_indirect_dma semaphore(%dma_wait3A_1269 : memref<!tpu.dma_semaphore, #tpu.memory_space<semaphore_mem>>) src(%dma_wait3A_1267 : memref<1000000x64xf32, #tpu.memory_space<hbm>>) dst(%dma_wait3A_1261 : memref<512x64xf32, #tpu.memory_space<vmem>>)
    %dma_start3A_1270 = arith.constant 0 : i32
    %dma_start3A_1271 = arith.constant 18 : i32
    %dma_start3A_1272 = arith.constant 0 : i32
    %dma_start3A_1273 = arith.constant 0 : i32
    %dma_start3A_1274 = arith.constant 0 : i32
    %dma_start3A_1275 = tpu.memref_slice %arg6[%dma_start3A_1270, %dma_start3A_1273, %dma_start3A_1274] : memref<3x512x64xf32, #tpu.memory_space<vmem>> -> memref<1x512x64xf32, #tpu.memory_space<vmem>>
    %dma_start3A_1276 = tpu.memref_squeeze %dma_start3A_1275 : memref<1x512x64xf32, #tpu.memory_space<vmem>> -> memref<512x64xf32, #tpu.memory_space<vmem>>
    %dma_start3A_1277 = arith.constant 0 : i32
    %dma_start3A_1278 = tpu.memref_slice %arg4[%mul3A_2, %dma_start3A_1271, %dma_start3A_1277] : memref<16384x20x64xf32, #tpu.memory_space<hbm>> -> memref<512x1x64xf32, #tpu.memory_space<hbm>>
    %dma_start3A_1279 = tpu.memref_squeeze %dma_start3A_1278 : memref<512x1x64xf32, #tpu.memory_space<hbm>> -> memref<512x64xf32, #tpu.memory_space<hbm>>
    %dma_start3A_1280 = tpu.memref_slice %arg8[%dma_start3A_1272] : memref<3x!tpu.dma_semaphore, #tpu.memory_space<semaphore_mem>> -> memref<1x!tpu.dma_semaphore, #tpu.memory_space<semaphore_mem>>
    %dma_start3A_1281 = tpu.memref_squeeze %dma_start3A_1280 : memref<1x!tpu.dma_semaphore, #tpu.memory_space<semaphore_mem>> -> memref<!tpu.dma_semaphore, #tpu.memory_space<semaphore_mem>>
    %dma_start3A_1282 = arith.constant 0 : i32
    %dma_start3A_1283 = tpu.memref_slice %arg4[%mul3A_2, %dma_start3A_1271, %dma_start3A_1282] : memref<16384x20x64xf32, #tpu.memory_space<hbm>> -> memref<512x1x64xf32, #tpu.memory_space<hbm>>
    %dma_start3A_1284 = tpu.memref_squeeze %dma_start3A_1283 : memref<512x1x64xf32, #tpu.memory_space<hbm>> -> memref<512x64xf32, #tpu.memory_space<hbm>>
    %dma_start3A_1285 = arith.constant 0 : i32
    %dma_start3A_1286 = arith.constant 0 : i32
    %dma_start3A_1287 = tpu.memref_slice %arg6[%dma_start3A_1270, %dma_start3A_1285, %dma_start3A_1286] : memref<3x512x64xf32, #tpu.memory_space<vmem>> -> memref<1x512x64xf32, #tpu.memory_space<vmem>>
    %dma_start3A_1288 = tpu.memref_squeeze %dma_start3A_1287 : memref<1x512x64xf32, #tpu.memory_space<vmem>> -> memref<512x64xf32, #tpu.memory_space<vmem>>
    tpu.enqueue_dma source(%dma_start3A_1288 : memref<512x64xf32, #tpu.memory_space<vmem>>) target(%dma_start3A_1284 : memref<512x64xf32, #tpu.memory_space<hbm>>) target_semaphore(%dma_start3A_1281 : memref<!tpu.dma_semaphore, #tpu.memory_space<semaphore_mem>>)
    %dma_wait3A_1289 = arith.constant 0 : i32
    %dma_wait3A_1290 = arith.constant 18 : i32
    %dma_wait3A_1291 = arith.constant 0 : i32
    %dma_wait3A_1292 = arith.constant 0 : i32
    %dma_wait3A_1293 = arith.constant 0 : i32
    %dma_wait3A_1294 = tpu.memref_slice %arg6[%dma_wait3A_1289, %dma_wait3A_1292, %dma_wait3A_1293] : memref<3x512x64xf32, #tpu.memory_space<vmem>> -> memref<1x512x64xf32, #tpu.memory_space<vmem>>
    %dma_wait3A_1295 = tpu.memref_squeeze %dma_wait3A_1294 : memref<1x512x64xf32, #tpu.memory_space<vmem>> -> memref<512x64xf32, #tpu.memory_space<vmem>>
    %dma_wait3A_1296 = arith.constant 0 : i32
    %dma_wait3A_1297 = tpu.memref_slice %arg4[%mul3A_2, %dma_wait3A_1290, %dma_wait3A_1296] : memref<16384x20x64xf32, #tpu.memory_space<hbm>> -> memref<512x1x64xf32, #tpu.memory_space<hbm>>
    %dma_wait3A_1298 = tpu.memref_squeeze %dma_wait3A_1297 : memref<512x1x64xf32, #tpu.memory_space<hbm>> -> memref<512x64xf32, #tpu.memory_space<hbm>>
    %dma_wait3A_1299 = tpu.memref_slice %arg8[%dma_wait3A_1291] : memref<3x!tpu.dma_semaphore, #tpu.memory_space<semaphore_mem>> -> memref<1x!tpu.dma_semaphore, #tpu.memory_space<semaphore_mem>>
    %dma_wait3A_1300 = tpu.memref_squeeze %dma_wait3A_1299 : memref<1x!tpu.dma_semaphore, #tpu.memory_space<semaphore_mem>> -> memref<!tpu.dma_semaphore, #tpu.memory_space<semaphore_mem>>
    %dma_wait3A_1301 = arith.constant 0 : i32
    %dma_wait3A_1302 = tpu.memref_slice %arg4[%mul3A_2, %dma_wait3A_1290, %dma_wait3A_1301] : memref<16384x20x64xf32, #tpu.memory_space<hbm>> -> memref<512x1x64xf32, #tpu.memory_space<hbm>>
    %dma_wait3A_1303 = tpu.memref_squeeze %dma_wait3A_1302 : memref<512x1x64xf32, #tpu.memory_space<hbm>> -> memref<512x64xf32, #tpu.memory_space<hbm>>
    %dma_wait3A_1304 = arith.constant 0 : i32
    %dma_wait3A_1305 = arith.constant 0 : i32
    %dma_wait3A_1306 = tpu.memref_slice %arg6[%dma_wait3A_1289, %dma_wait3A_1304, %dma_wait3A_1305] : memref<3x512x64xf32, #tpu.memory_space<vmem>> -> memref<1x512x64xf32, #tpu.memory_space<vmem>>
    %dma_wait3A_1307 = tpu.memref_squeeze %dma_wait3A_1306 : memref<1x512x64xf32, #tpu.memory_space<vmem>> -> memref<512x64xf32, #tpu.memory_space<vmem>>
    tpu.wait_dma2 semaphore(%dma_wait3A_1300 : memref<!tpu.dma_semaphore, #tpu.memory_space<semaphore_mem>>) src(%dma_wait3A_1307 : memref<512x64xf32, #tpu.memory_space<vmem>>) dst(%dma_wait3A_1303 : memref<512x64xf32, #tpu.memory_space<hbm>>)
    %dma_wait3A_1308 = arith.constant 19 : i32
    %dma_wait3A_1309 = arith.constant 1 : i32
    %dma_wait3A_1310 = arith.constant 1 : i32
    %dma_wait3A_1311 = arith.constant 0 : i32
    %dma_wait3A_1312 = arith.constant 0 : i32
    %dma_wait3A_1313 = tpu.memref_slice %arg6[%dma_wait3A_1309, %dma_wait3A_1311, %dma_wait3A_1312] : memref<3x512x64xf32, #tpu.memory_space<vmem>> -> memref<1x512x64xf32, #tpu.memory_space<vmem>>
    %dma_wait3A_1314 = tpu.memref_squeeze %dma_wait3A_1313 : memref<1x512x64xf32, #tpu.memory_space<vmem>> -> memref<512x64xf32, #tpu.memory_space<vmem>>
    %dma_wait3A_1315 = arith.constant 0 : i32
    %dma_wait3A_1316 = tpu.memref_slice %arg5[%dma_wait3A_1308, %dma_wait3A_1315] : memref<20x512xi32, #tpu.memory_space<vmem>> -> memref<1x512xi32, #tpu.memory_space<vmem>>
    %dma_wait3A_1317 = tpu.memref_squeeze %dma_wait3A_1316 : memref<1x512xi32, #tpu.memory_space<vmem>> -> memref<512xi32, #tpu.memory_space<vmem>>
    %dma_wait3A_1318 = arith.constant 0 : i32
    %dma_wait3A_1319 = arith.constant 0 : i32
    %dma_wait3A_1320 = tpu.memref_slice %arg3[%dma_wait3A_1318, %dma_wait3A_1319] : memref<1000000x64xf32, #tpu.memory_space<hbm>> -> memref<1000000x64xf32, #tpu.memory_space<hbm>>
    %dma_wait3A_1321 = tpu.memref_slice %arg7[%dma_wait3A_1310] : memref<3x!tpu.dma_semaphore, #tpu.memory_space<semaphore_mem>> -> memref<1x!tpu.dma_semaphore, #tpu.memory_space<semaphore_mem>>
    %dma_wait3A_1322 = tpu.memref_squeeze %dma_wait3A_1321 : memref<1x!tpu.dma_semaphore, #tpu.memory_space<semaphore_mem>> -> memref<!tpu.dma_semaphore, #tpu.memory_space<semaphore_mem>>
    tpu.wait_indirect_dma semaphore(%dma_wait3A_1322 : memref<!tpu.dma_semaphore, #tpu.memory_space<semaphore_mem>>) src(%dma_wait3A_1320 : memref<1000000x64xf32, #tpu.memory_space<hbm>>) dst(%dma_wait3A_1314 : memref<512x64xf32, #tpu.memory_space<vmem>>)
    %dma_start3A_1323 = arith.constant 1 : i32
    %dma_start3A_1324 = arith.constant 19 : i32
    %dma_start3A_1325 = arith.constant 1 : i32
    %dma_start3A_1326 = arith.constant 0 : i32
    %dma_start3A_1327 = arith.constant 0 : i32
    %dma_start3A_1328 = tpu.memref_slice %arg6[%dma_start3A_1323, %dma_start3A_1326, %dma_start3A_1327] : memref<3x512x64xf32, #tpu.memory_space<vmem>> -> memref<1x512x64xf32, #tpu.memory_space<vmem>>
    %dma_start3A_1329 = tpu.memref_squeeze %dma_start3A_1328 : memref<1x512x64xf32, #tpu.memory_space<vmem>> -> memref<512x64xf32, #tpu.memory_space<vmem>>
    %dma_start3A_1330 = arith.constant 0 : i32
    %dma_start3A_1331 = tpu.memref_slice %arg4[%mul3A_2, %dma_start3A_1324, %dma_start3A_1330] : memref<16384x20x64xf32, #tpu.memory_space<hbm>> -> memref<512x1x64xf32, #tpu.memory_space<hbm>>
    %dma_start3A_1332 = tpu.memref_squeeze %dma_start3A_1331 : memref<512x1x64xf32, #tpu.memory_space<hbm>> -> memref<512x64xf32, #tpu.memory_space<hbm>>
    %dma_start3A_1333 = tpu.memref_slice %arg8[%dma_start3A_1325] : memref<3x!tpu.dma_semaphore, #tpu.memory_space<semaphore_mem>> -> memref<1x!tpu.dma_semaphore, #tpu.memory_space<semaphore_mem>>
    %dma_start3A_1334 = tpu.memref_squeeze %dma_start3A_1333 : memref<1x!tpu.dma_semaphore, #tpu.memory_space<semaphore_mem>> -> memref<!tpu.dma_semaphore, #tpu.memory_space<semaphore_mem>>
    %dma_start3A_1335 = arith.constant 0 : i32
    %dma_start3A_1336 = tpu.memref_slice %arg4[%mul3A_2, %dma_start3A_1324, %dma_start3A_1335] : memref<16384x20x64xf32, #tpu.memory_space<hbm>> -> memref<512x1x64xf32, #tpu.memory_space<hbm>>
    %dma_start3A_1337 = tpu.memref_squeeze %dma_start3A_1336 : memref<512x1x64xf32, #tpu.memory_space<hbm>> -> memref<512x64xf32, #tpu.memory_space<hbm>>
    %dma_start3A_1338 = arith.constant 0 : i32
    %dma_start3A_1339 = arith.constant 0 : i32
    %dma_start3A_1340 = tpu.memref_slice %arg6[%dma_start3A_1323, %dma_start3A_1338, %dma_start3A_1339] : memref<3x512x64xf32, #tpu.memory_space<vmem>> -> memref<1x512x64xf32, #tpu.memory_space<vmem>>
    %dma_start3A_1341 = tpu.memref_squeeze %dma_start3A_1340 : memref<1x512x64xf32, #tpu.memory_space<vmem>> -> memref<512x64xf32, #tpu.memory_space<vmem>>
    tpu.enqueue_dma source(%dma_start3A_1341 : memref<512x64xf32, #tpu.memory_space<vmem>>) target(%dma_start3A_1337 : memref<512x64xf32, #tpu.memory_space<hbm>>) target_semaphore(%dma_start3A_1334 : memref<!tpu.dma_semaphore, #tpu.memory_space<semaphore_mem>>)
    %dma_wait3A_1342 = arith.constant 1 : i32
    %dma_wait3A_1343 = arith.constant 19 : i32
    %dma_wait3A_1344 = arith.constant 1 : i32
    %dma_wait3A_1345 = arith.constant 0 : i32
    %dma_wait3A_1346 = arith.constant 0 : i32
    %dma_wait3A_1347 = tpu.memref_slice %arg6[%dma_wait3A_1342, %dma_wait3A_1345, %dma_wait3A_1346] : memref<3x512x64xf32, #tpu.memory_space<vmem>> -> memref<1x512x64xf32, #tpu.memory_space<vmem>>
    %dma_wait3A_1348 = tpu.memref_squeeze %dma_wait3A_1347 : memref<1x512x64xf32, #tpu.memory_space<vmem>> -> memref<512x64xf32, #tpu.memory_space<vmem>>
    %dma_wait3A_1349 = arith.constant 0 : i32
    %dma_wait3A_1350 = tpu.memref_slice %arg4[%mul3A_2, %dma_wait3A_1343, %dma_wait3A_1349] : memref<16384x20x64xf32, #tpu.memory_space<hbm>> -> memref<512x1x64xf32, #tpu.memory_space<hbm>>
    %dma_wait3A_1351 = tpu.memref_squeeze %dma_wait3A_1350 : memref<512x1x64xf32, #tpu.memory_space<hbm>> -> memref<512x64xf32, #tpu.memory_space<hbm>>
    %dma_wait3A_1352 = tpu.memref_slice %arg8[%dma_wait3A_1344] : memref<3x!tpu.dma_semaphore, #tpu.memory_space<semaphore_mem>> -> memref<1x!tpu.dma_semaphore, #tpu.memory_space<semaphore_mem>>
    %dma_wait3A_1353 = tpu.memref_squeeze %dma_wait3A_1352 : memref<1x!tpu.dma_semaphore, #tpu.memory_space<semaphore_mem>> -> memref<!tpu.dma_semaphore, #tpu.memory_space<semaphore_mem>>
    %dma_wait3A_1354 = arith.constant 0 : i32
    %dma_wait3A_1355 = tpu.memref_slice %arg4[%mul3A_2, %dma_wait3A_1343, %dma_wait3A_1354] : memref<16384x20x64xf32, #tpu.memory_space<hbm>> -> memref<512x1x64xf32, #tpu.memory_space<hbm>>
    %dma_wait3A_1356 = tpu.memref_squeeze %dma_wait3A_1355 : memref<512x1x64xf32, #tpu.memory_space<hbm>> -> memref<512x64xf32, #tpu.memory_space<hbm>>
    %dma_wait3A_1357 = arith.constant 0 : i32
    %dma_wait3A_1358 = arith.constant 0 : i32
    %dma_wait3A_1359 = tpu.memref_slice %arg6[%dma_wait3A_1342, %dma_wait3A_1357, %dma_wait3A_1358] : memref<3x512x64xf32, #tpu.memory_space<vmem>> -> memref<1x512x64xf32, #tpu.memory_space<vmem>>
    %dma_wait3A_1360 = tpu.memref_squeeze %dma_wait3A_1359 : memref<1x512x64xf32, #tpu.memory_space<vmem>> -> memref<512x64xf32, #tpu.memory_space<vmem>>
    tpu.wait_dma2 semaphore(%dma_wait3A_1353 : memref<!tpu.dma_semaphore, #tpu.memory_space<semaphore_mem>>) src(%dma_wait3A_1360 : memref<512x64xf32, #tpu.memory_space<vmem>>) dst(%dma_wait3A_1356 : memref<512x64xf32, #tpu.memory_space<hbm>>)
    return
  }
}

</mosaic_0001>

<sc_bundles>
// kernel: kernel.3.cloned.1.call-start
scs
__scs_entry_jumppad:
0x0: {  	(pc) =	sbr.rel $0x88, $3  }
0x1: {  	(tag) =	ssettag $0x0;
	lr =	simm.s32 $0x1  }
0x2: {  	[smem:$0x3F9F] =	sst lr;
	_ =	strace $0xD0000000  }
0x3: {  	_ = 	snop  }
0x4: {  	_ = 	snop  }
0x5: {  	_ = 	snop  }
0x6: {  	_ = 	snop  }
0x7: {  	_ = 	snop  }
__scs_overlays_trampoline_lowered:
0x8: {  	[smem:$0x3FAE] =	sst s0  }
0x9: {  	[smem:$0x3FAF] =	sst s1  }
0xa: {  	[smem:$0x3FB0] =	sst s2  }
0xb: {  	[smem:$0x3FB1] =	sst s3  }
0xc: {  	[smem:$0x3FB2] =	sst s4  }
0xd: {  	[smem:$0x3FB3] =	sst s5  }
0xe: {  	[smem:$0x3FB4] =	sst s6  }
0xf: {  	[smem:$0x3FB5] =	sst s7  }
0x10: {  	[smem:$0x3FB6] =	sst s8  }
0x11: {  	[smem:$0x3FB7] =	sst s9;
	s0 =	simm.s32 @!p0 $0x0  }
0x12: {  	s1 =	sld [smem:$0x3F9D];
	s0 =	simm.s32 @p0 $0x1  }
0x13: {  	[smem:$0x3FB8] =	sst s0;
	s0 =	simm.s32 @!p1 $0x0  }
0x14: {  	s2 =	sld [smem:$0x3F9C];
	s0 =	simm.s32 @p1 $0x1  }
0x15: {  	[smem:$0x3FB9] =	sst s0;
	s0 =	simm.s32 @!p2 $0x0  }
0x16: {  	s3 =	sld [smem:$0x3FDB];
	s0 =	simm.s32 @p2 $0x1  }
0x17: {  	s4 =	simm.s32 $0x1BF5;
	[smem:$0x3FBB] =	sst s0  }
0x18: {  	s0 =	sld [smem:$0x3F9E];
	_ =	swait.ge [sflag:s4], $0x0  }
0x19: {  	s7 =	sld [smem:$0x3F9F]  }
0x1a: {  	s8 =	sadd.s32 $0xFFFFE003, lr  }
0x1b: {  	s9 =	sadd.s32 $0xFFFFFEF7, lr;
	s5 =	simm.s32 $0xFFFFFFFF;
	p2 =	slt.u32 s8, $0xFFFFF086  }
0x1c: {  	p1 =	slt.u32 s9, $0xF7A;
	s5 =	simm.s32 @!p2 $0x0  }
0x1d: {  	s5 =	simm.s32 @p1 $0x1;
	p0 =	seq.s32 s7, s2  }
0x1e: {  	s7 =	smul.u32 @!p0 $0xF7A, s2;
	p2 =	seq.s32 @!p0 s5, $0x0  }
0x1f: {  	s9 =	smul.u32 $0xF7A, s1;
	s8 =	simm.s32 @!p0 $0x1BF5;
	p2 =	por !p2, p0  }
0x20: {  	[sflag:s8] =	ssyncset.s32 @!p0 $0xFFFFF086;
	s6 =	sadd.s32 @!p0 s3, s7;
	s7 =	simm.s32 @!p0 $0x108  }
0x21: {  	s3 =	sadd.s32 s3, s9;
	s6 =	sadd.s32 @!p0 $0x88, s6;
	s7 =	simm.s32 @p2 $0x1082  }
0x22: {  	[simem:s7], [sflag:s8] =	dma.local @!p0 [hbm:s6], $0xF7A  }
0x23: {  	s9 =	sor.u32 $0xD0000000, s2;
	s6 =	simm.s32 $0x108;
	_ =	swait.ge @!p0 [sflag:s8], $0x0  }
0x24: {  	s3 =	sadd.s32 $0x88, s3;
	s6 =	simm.s32 @!p1 $0x1082;
	[sflag:s4] =	ssyncset.s32 $0xFFFFF086  }
0x25: {  	[simem:s6], [sflag:s4] =	dma.local [hbm:s3], $0xF7A  }
0x26: {  	[smem:$0x3F9F] =	sst s1;
	(tag) =	ssettag s2;
	_ =	strace s9  }
0x27: {  	s1 =	sld [smem:$0x3FAF]  }
0x28: {  	s2 =	sld [smem:$0x3FB0]  }
0x29: {  	s4 =	sld [smem:$0x3FB2]  }
0x2a: {  	p0 =	seq.s32 s5, $0x0;
	s5 =	sld [smem:$0x3FB3]  }
0x2b: {  	s6 =	sld [smem:$0x3FB4]  }
0x2c: {  	s7 =	sld [smem:$0x3FB5]  }
0x2d: {  	s3 =	simm.s32 $0x108;
	s8 =	sld [smem:$0x3FB6]  }
0x2e: {  	s3 =	simm.s32 @!p0 $0x1082;
	s9 =	sld [smem:$0x3FB7]  }
0x2f: {  	lr =	sadd.s32 s0, s3;
	s0 =	sld [smem:$0x3FAE]  }
0x30: {  	s3 =	sld [smem:$0x3FB1]  }
0x31: {  	[smem:$0x3FBA] =	sst s10  }
0x32: {  	s10 =	sld [smem:$0x3FB8];
	_ =	sdelay $0x3  }
0x33: {  	p0 =	seq.s32 s10, $0x1;
	s10 =	sld [smem:$0x3FBA];
	_ =	sdelay $0x3  }
0x34: {  	[smem:$0x3FBA] =	sst s10  }
0x35: {  	s10 =	sld [smem:$0x3FB9];
	_ =	sdelay $0x3  }
0x36: {  	p1 =	seq.s32 s10, $0x1;
	s10 =	sld [smem:$0x3FBA];
	_ =	sdelay $0x3  }
0x37: {  	[smem:$0x3FBA] =	sst s10  }
0x38: {  	s10 =	sld [smem:$0x3FBB]  }
0x39: {  	_ = 	snop;
	(pc) =	sbr.ind lr, $3  }
0x3a: {  	_ = 	snop  }
0x3b: {  	_ = 	snop  }
0x3c: {  	p2 =	seq.s32 s10, $0x1;
	s10 =	sld [smem:$0x3FBA]  }
0x3d: {  	_ =	shalt  }
0x3e: {  	_ =	shalt  }
0x3f: {  	_ =	shalt  }
0x40: {  	_ =	shalt  }
0x41: {  	_ =	shalt  }
0x42: {  	_ =	shalt  }
0x43: {  	_ =	shalt  }
0x44: {  	_ =	shalt  }
0x45: {  	_ =	shalt  }
0x46: {  	_ =	shalt  }
0x47: {  	_ =	shalt  }
0x48: {  	_ =	shalt  }
0x49: {  	_ =	shalt  }
0x4a: {  	_ =	shalt  }
0x4b: {  	_ =	shalt  }
0x4c: {  	_ =	shalt  }
0x4d: {  	_ =	shalt  }
0x4e: {  	_ =	shalt  }
0x4f: {  	_ =	shalt  }
0x50: {  	_ =	shalt  }
0x51: {  	_ =	shalt  }
0x52: {  	_ =	shalt  }
0x53: {  	_ =	shalt  }
0x54: {  	_ =	shalt  }
0x55: {  	_ =	shalt  }
0x56: {  	_ =	shalt  }
0x57: {  	_ =	shalt  }
0x58: {  	_ =	shalt  }
0x59: {  	_ =	shalt  }
0x5a: {  	_ =	shalt  }
0x5b: {  	_ =	shalt  }
0x5c: {  	_ =	shalt  }
0x5d: {  	_ =	shalt  }
0x5e: {  	_ =	shalt  }
0x5f: {  	_ =	shalt  }
0x60: {  	_ =	shalt  }
0x61: {  	_ =	shalt  }
0x62: {  	_ =	shalt  }
0x63: {  	_ =	shalt  }
0x64: {  	_ =	shalt  }
0x65: {  	_ =	shalt  }
0x66: {  	_ =	shalt  }
0x67: {  	_ =	shalt  }
0x68: {  	_ =	shalt  }
0x69: {  	_ =	shalt  }
0x6a: {  	_ =	shalt  }
0x6b: {  	_ =	shalt  }
0x6c: {  	_ =	shalt  }
0x6d: {  	_ =	shalt  }
0x6e: {  	_ =	shalt  }
0x6f: {  	_ =	shalt  }
0x70: {  	_ =	shalt  }
0x71: {  	_ =	shalt  }
0x72: {  	_ =	shalt  }
0x73: {  	_ =	shalt  }
0x74: {  	_ =	shalt  }
0x75: {  	_ =	shalt  }
0x76: {  	_ =	shalt  }
0x77: {  	_ =	shalt  }
0x78: {  	_ =	shalt  }
0x79: {  	_ =	shalt  }
0x7a: {  	_ =	shalt  }
0x7b: {  	_ =	shalt  }
0x7c: {  	_ =	shalt  }
0x7d: {  	_ =	shalt  }
0x7e: {  	_ =	shalt  }
0x7f: {  	_ =	shalt  }
0x80: {  	_ =	shalt  }
0x81: {  	_ =	shalt  }
0x82: {  	_ =	shalt  }
0x83: {  	_ =	shalt  }
0x84: {  	_ =	shalt  }
0x85: {  	_ =	shalt  }
0x86: {  	_ =	shalt  }
0x87: {  	_ =	shalt  }
.Lfunc_end0:
.L_simem_size_0:
called_computation.1_lowered:
.L_overlay_start_0:
0x88: {  	s2 =	sld [smem:$0x3FD9]  }
0x89: {  	s3 =	sld [smem:$0x3FFE];
	_ =	sdelay $0x1  }
0x8a: {  	s1 =	srdreg.scid  }
0x8b: {  	s0 =	sand.u32 $0x1, s1  }
0x8c: {  	s17 =	sshll.u32 s0, $0xA;
	s2 =	sadd.s32 s3, s2  }
0x8d: {  	s2 =	sadd.s32 s2, s17  }
0x8e: {  	[smem:$0x3FC6] =	sst s2  }
0x8f: {  	_ = 	snop  }
0x90: {  	s2 =	sld [smem:$0x3FD0];
	(tm) =	ssettm $0x1  }
0x91: {  	s18 =	sld [smem:$0x3FFB];
	_ =	sdelay $0x3  }
0x92: {  	_ =	strace s18  }
0x93: {  	s3 =	sld [smem:$0x3FFC];
	_ =	sdelay $0x3  }
0x94: {  	_ =	strace s3  }
0x95: {  	s3 =	sld [smem:$0x3FFD];
	_ =	sdelay $0x3  }
0x96: {  	_ =	strace s3  }
0x97: {  	_ =	strace $0x8FFFFFFF  }
0x98: {  	s19 =	sld [smem:$0x3FDB];
	_ =	sdelay $0x1  }
0x99: {  	s4 =	simm.s32 $_scs_section_size  }
0x9a: {  	s5 =	simm.s32 $_size__tile_overlayer_lowered;
	s6 =	simm.s32 $_tile_overlayer_lowered  }
0x9b: {  	s22 =	simm.s32 $0x1BFF;
	s21 =	sshll.u32 s6, $0x1;
	s3 =	sadd.s32 s4, s19  }
0x9c: {  	s7 =	simm.s32 $0x0;
	s20 =	sshll.u32 s5, $0x1;
	s5 =	sadd.s32 s21, s3  }
0x9d: {  	[timem:s7], [sflag:s22] =	dma.local [hbm:s5], s20  }
0x9e: {  	_ =	swait.ge [sflag:s22], s20  }
0x9f: {  	s4 =	ssub.s32 $0x0, s20;
	[sflag:s22] =	ssyncset.done $0x0  }
0xa0: {  	[sflag:s22] =	ssyncadd.s32 s4;
	_ =	sdelay $0x1  }
0xa1: {  	s23 =	simm.s32 $0x1B8B  }
0xa2: {  	_ =	swait.ge [sflag:s23], $0x1  }
0xa3: {  	[sflag:s23] =	ssyncset.done $0x0  }
0xa4: {  	s25 =	simm.s32 $0x1B8E;
	s24 =	sld [smem:$0x3FFE];
	[sflag:s23] =	ssyncadd.s32 $0xFFFFFFFF  }
0xa5: {  	s26 =	simm.s32 $execute0_lowered;
	[smem:$0x3FD2] =	sst s25  }
0xa6: {  	s5 =	sshll.u32 s26, $0x1;
	_ =	strace $0x80000046;
	[dreg:$0x1] =	wrdreg $0xFFFFFFFF  }
0xa7: {  	s28 =	simm.s32 $_size_execute0_lowered;
	s3 =	sadd.s32 s3, s5;
	[dreg:$0x0] =	wrdreg $0x0  }
0xa8: {  	s5 =	sshll.u32 s28, $0x1;
	[dreg:$0x2] =	wrdreg s3  }
0xa9: {  	[dreg:$0x3] =	wrdreg s5  }
0xaa: {  	[dreg:$0x4] =	wrdreg $0xC0  }
0xab: {  	_ =	task [dreg:s7], $0x5FFFF  }
0xac: {  	[dreg:$0x1] =	wrdreg $0xFFFFFFFF  }
0xad: {  	[dreg:$0x0] =	wrdreg $0x60  }
0xae: {  	[dreg:$0x2] =	wrdreg s24  }
0xaf: {  	[dreg:$0x3] =	wrdreg s2  }
0xb0: {  	[dreg:$0x4] =	wrdreg $0x9  }
0xb1: {  	_ =	task.clear_ibuf [dreg:s7], $0x5FFFF;
	_ =	strace $0x90000046  }
0xb2: {  	s29 =	simm.s32 $0x9;
	_ =	strace $0x80000048  }
0xb3: {  	_ =	swait.ge [sflag:s29], $0x1  }
0xb4: {  	[sflag:s29] =	ssyncadd.s32 $0xFFFFFFFF  }
0xb5: {  	_ =	strace $0x90000048  }
0xb6: {  	_ =	sfence  }
0xb7: {  	s30 =	sld [smem:$0x0];
	_ =	sdelay $0x2  }
0xb8: {  	s31 =	sshll.u32 s1, $0xD;
	s1 =	sshrl.u32 s1, $0x2  }
0xb9: {  	s3 =	sand.u32 $0x4000, s31;
	s1 =	sadd.s32 s1, s30  }
0xba: {  	s0 =	sor.u32 s3, s0;
	s1 =	sshll.u32 s1, $0x11  }
0xbb: {  	s0 =	sor.u32 s1, s0  }
0xbc: {  	s0 =	sadd.s32 $0x8F2B, s0  }
0xbd: {  	[sflag:s0] =	ssyncadd.remote.s32 $0x1  }
0xbe: {  	_ =	sfence.sel $0xFFFF  }
0xbf: {  	[dreg:$0x0] =	wrdreg $0xFFFFFFFF;
	(pc) =	sbr.abs _section_cstart, $3  }
0xc0: {  	[dreg:$0x1] =	wrdreg $0xFFFFFFFF  }
0xc1: {  	_ =	task.clear_ibuf [dreg:s7], $0x2FFFF;
	_ =	strace $0x9FFFFFFF  }
0xc2: {  	(tm) =	ssettm $0x7FFFFFFF  }
0xc3: {  	_ =	shalt  }
tec
execute0_lowered:
.L_overlay_start_1:
0x0: {  	(tag) =	ssettag $0x1  }
0x1: {  	s0 =	srdreg.scid;
	s1 =	rddreg [dreg:$0x0]  }
0x2: {  	s15 =	stileid.u32;
	s2 =	rddreg [dreg:$0x1];
	s0 =	sand.u32 $0x1, s0  }
0x3: {  	s25 =	simm.s32 $0x0;
	s3 =	sshll.u32 s15, $0xA;
	s4 =	sshll.u32 s0, $0x9  }
0x4: {  	s19 =	simm.s32 $0x4000;
	s20 =	simm.s32 $0x400;
	s3 =	sor.u32 s4, s3  }
0x5: {  	[smem:$0x7FF] =	sst s25;
	s4 =	sshrl.u32 s3, $0x3;
	s3 =	smul.u32 $0xA0, s3  }
0x6: {  	_ =	strace $0x80000047;
	[dreg:$0x17] =	wrdreg s19;
	s4 =	sadd.s32 s4, s1  }
0x7: {  	[dreg:$0x18] =	wrdreg s20;
	s4 =	sadd.s32 $0xA00, s4;
	s24 =	sadd.s32 s2, s3  }
0x8: {  	[dreg:$0x3] =	wrdreg s4;
	s2 =	sadd.s32 $0x8, s24  }
0x9: {  	s21 =	sadd.s32 $0x10, s24;
	[dreg:$0x4] =	wrdreg s2  }
0xa: {  	s22 =	sadd.s32 $0x18, s24;
	[dreg:$0x5] =	wrdreg s21  }
0xb: {  	s23 =	sadd.s32 $0x20, s24;
	[dreg:$0x6] =	wrdreg s22  }
0xc: {  	s26 =	sadd.s32 $0x28, s24;
	[dreg:$0x7] =	wrdreg s23  }
0xd: {  	s31 =	simm.s32 $0x7;
	s3 =	sadd.s32 $0x30, s24;
	[dreg:$0x8] =	wrdreg s26  }
0xe: {  	s30 =	simm.s32 $0x1000;
	s4 =	sadd.s32 $0x38, s24;
	[dreg:$0x9] =	wrdreg s3  }
0xf: {  	s29 =	simm.s32 $0x1200;
	s5 =	sadd.s32 $0x40, s24;
	[dreg:$0xa] =	wrdreg s4  }
0x10: {  	s28 =	simm.s32 $0x1400;
	s6 =	sadd.s32 $0x48, s24;
	[dreg:$0xb] =	wrdreg s5  }
0x11: {  	p0 =	por $0x0, $0x0;
	s7 =	sadd.s32 $0x50, s24;
	[dreg:$0xc] =	wrdreg s6  }
0x12: {  	s0 =	ssub.s32 $0x2, s0;
	s8 =	sadd.s32 $0x58, s24;
	[dreg:$0xd] =	wrdreg s7  }
0x13: {  	s20 =	simm.s32 $0x1E00;
	s9 =	sadd.s32 $0x60, s24;
	[dreg:$0xe] =	wrdreg s8  }
0x14: {  	s19 =	simm.s32 $0x2000;
	s10 =	sadd.s32 $0x68, s24;
	[dreg:$0xf] =	wrdreg s9  }
0x15: {  	s17 =	sshrl.u32 s0, $0x1;
	s11 =	sadd.s32 $0x70, s24;
	[dreg:$0x10] =	wrdreg s10  }
0x16: {  	s0 =	ssub.s32 s0, s17;
	s12 =	sadd.s32 $0x78, s24;
	[dreg:$0x11] =	wrdreg s11  }
0x17: {  	s17 =	simm.s32 $0x2400;
	s13 =	sadd.s32 $0x80, s24;
	[dreg:$0x12] =	wrdreg s12  }
0x18: {  	s0 =	smax.u32 s0, $0x1;
	s14 =	sadd.s32 $0x88, s24;
	[dreg:$0x13] =	wrdreg s13  }
0x19: {  	p1 =	sne.s32 s0, $0x1;
	s16 =	sadd.s32 $0x90, s24;
	[dreg:$0x14] =	wrdreg s14  }
0x1a: {  	s18 =	sadd.s32 $0x98, s24;
	s3 =	sadd.s32 $0xF42E00, s1;
	[dreg:$0x15] =	wrdreg s16  }
0x1b: {  	[dreg:$0x16] =	wrdreg s18;
	s11 =	simm.s32 $0x200;
	s5 =	simm.s32 $0x2800  }
0x1c: {  	s2 =	simm.s32 $0xA800;
	s12 =	simm.s32 $0x12800;
	s9 =	simm.s32 $0x1  }
0x1d: {  	s4 =	simm.s32 $0x40;
	s21 =	simm.s32 $0x600;
	s6 =	simm.s32 $0x500  }
0x1e: {  	s10 =	simm.s32 $0x4;
	s8 =	simm.s32 $0x2;
	s7 =	simm.s32 $0x5  }
0x1f: {  	s22 =	simm.s32 $0x800;
	s1 =	sadd.s32 $0xFFFFFFFF, s0;
	s0 =	rddreg [dreg:$0x3]  }
.Ltmp0:
0x20: {  	s14 =	simm.s32 $0x3;
	[dreg:$0x19] =	wrdreg s21;
	(pc) =	sbr.rel @!p1 .LBB2_1-.Ltmp0, $4  }
0x21: {  	s23 =	simm.s32 $0xA00;
	s13 =	simm.s32 $0x6;
	[dreg:$0x1a] =	wrdreg s22  }
0x22: {  	s26 =	simm.s32 $0xC00;
	s18 =	simm.s32 $0x2200;
	[dreg:$0x1b] =	wrdreg s23  }
0x23: {  	s16 =	simm.s32 $0x2600;
	[dreg:$0x1c] =	wrdreg s26;
	s26 =	simm.s32 $0x1600  }
0x24: {  	s23 =	simm.s32 $0x1800;
	s22 =	simm.s32 $0x1A00;
	s21 =	simm.s32 $0x1C00  }
0x25: {  	s15 =	smov.u32 s1;
	s1 =	rddreg [dreg:$0x17]  }
0x26: {  	[tilespmem:s25], [sflag:$0x7] =	stream.strided.gather [hbm4b:s0+s11], $0x2800, s1, s11, $0x38;
	[tilespmem:$0x1A800] =	vst v63  }
0x27: {  	_ =	swait.ge [sflag:s31], $0x2800  }
0x28: {  	[sflag:s31] =	ssyncset.done $0x0  }
0x29: {  	[sflag:s31] =	ssyncadd.s32 $0xFFFFD800  }
0x2a: {  	[tilespmem:s5], [sflag:$0x1] =	stream.indirect.gather [hbm4b:s3+s11], $0x40, s25, s11, $0xb8;
	[tilespmem:$0x1A800] =	vst v63  }
0x2b: {  	_ = 	snop  }
0x2c: {  	[tilespmem:s2], [sflag:$0x2] =	stream.indirect.gather [hbm4b:s3+s11], $0x40, s11, s11, $0xb8;
	[tilespmem:$0x1A800] =	vst v63  }
0x2d: {  	s1 =	rddreg [dreg:$0x18]  }
0x2e: {  	[tilespmem:s12], [sflag:$0x3] =	stream.indirect.gather [hbm4b:s3+s11], $0x40, s1, s11, $0xb8;
	[tilespmem:$0x1A800] =	vst v63  }
0x2f: {  	_ =	swait.ge [sflag:s9], $0x8000  }
0x30: {  	[sflag:s9] =	ssyncset.done $0x0  }
0x31: {  	[sflag:s9] =	ssyncadd.s32 $0xFFFF8000  }
0x32: {  	[hbm4b:s24+s4] =	stream.strided.scatter [tilespmem:s5], [sflag:$0x4], $0x8000, s6, s4, $0x38;
	[tilespmem:$0x1A800] =	vst v63  }
0x33: {  	_ =	swait.ge [sflag:s10], $0x8000  }
0x34: {  	[sflag:s10] =	ssyncset.done $0x0  }
0x35: {  	s1 =	rddreg [dreg:$0x19];
	[sflag:s10] =	ssyncadd.s32 $0xFFFF8000  }
0x36: {  	[tilespmem:s5], [sflag:$0x1] =	stream.indirect.gather [hbm4b:s3+s11], $0x40, s1, s11, $0xb8;
	[tilespmem:$0x1A800] =	vst v63  }
0x37: {  	_ =	swait.ge [sflag:s8], $0x8000  }
0x38: {  	[sflag:s8] =	ssyncset.done $0x0  }
0x39: {  	s1 =	rddreg [dreg:$0x4];
	[sflag:s8] =	ssyncadd.s32 $0xFFFF8000  }
0x3a: {  	[hbm4b:s1+s4] =	stream.strided.scatter [tilespmem:s2], [sflag:$0x5], $0x8000, s6, s4, $0x38;
	[tilespmem:$0x1A800] =	vst v63  }
0x3b: {  	_ =	swait.ge [sflag:s7], $0x8000  }
0x3c: {  	[sflag:s7] =	ssyncset.done $0x0  }
0x3d: {  	s1 =	rddreg [dreg:$0x1a];
	[sflag:s7] =	ssyncadd.s32 $0xFFFF8000  }
0x3e: {  	[tilespmem:s2], [sflag:$0x2] =	stream.indirect.gather [hbm4b:s3+s11], $0x40, s1, s11, $0xb8;
	[tilespmem:$0x1A800] =	vst v63  }
0x3f: {  	_ =	swait.ge [sflag:s14], $0x8000  }
0x40: {  	[sflag:s14] =	ssyncset.done $0x0  }
0x41: {  	s1 =	rddreg [dreg:$0x5];
	[sflag:s14] =	ssyncadd.s32 $0xFFFF8000  }
0x42: {  	[hbm4b:s1+s4] =	stream.strided.scatter [tilespmem:s12], [sflag:$0x6], $0x8000, s6, s4, $0x38;
	[tilespmem:$0x1A800] =	vst v63  }
0x43: {  	_ =	swait.ge [sflag:s13], $0x8000  }
0x44: {  	[sflag:s13] =	ssyncset.done $0x0  }
0x45: {  	s1 =	rddreg [dreg:$0x1b];
	[sflag:s13] =	ssyncadd.s32 $0xFFFF8000  }
0x46: {  	[tilespmem:s12], [sflag:$0x3] =	stream.indirect.gather [hbm4b:s3+s11], $0x40, s1, s11, $0xb8;
	[tilespmem:$0x1A800] =	vst v63  }
0x47: {  	_ =	swait.ge [sflag:s9], $0x8000  }
0x48: {  	[sflag:s9] =	ssyncset.done $0x0  }
0x49: {  	s1 =	rddreg [dreg:$0x6];
	[sflag:s9] =	ssyncadd.s32 $0xFFFF8000  }
0x4a: {  	[hbm4b:s1+s4] =	stream.strided.scatter [tilespmem:s5], [sflag:$0x4], $0x8000, s6, s4, $0x38;
	[tilespmem:$0x1A800] =	vst v63  }
0x4b: {  	_ =	swait.ge [sflag:s10], $0x8000  }
0x4c: {  	[sflag:s10] =	ssyncset.done $0x0  }
0x4d: {  	s1 =	rddreg [dreg:$0x1c];
	[sflag:s10] =	ssyncadd.s32 $0xFFFF8000  }
0x4e: {  	[tilespmem:s5], [sflag:$0x1] =	stream.indirect.gather [hbm4b:s3+s11], $0x40, s1, s11, $0xb8;
	[tilespmem:$0x1A800] =	vst v63  }
0x4f: {  	_ =	swait.ge [sflag:s8], $0x8000  }
0x50: {  	[sflag:s8] =	ssyncset.done $0x0  }
0x51: {  	s1 =	rddreg [dreg:$0x7];
	[sflag:s8] =	ssyncadd.s32 $0xFFFF8000  }
0x52: {  	[hbm4b:s1+s4] =	stream.strided.scatter [tilespmem:s2], [sflag:$0x5], $0x8000, s6, s4, $0x38;
	[tilespmem:$0x1A800] =	vst v63  }
0x53: {  	_ =	swait.ge [sflag:s7], $0x8000  }
0x54: {  	[sflag:s7] =	ssyncset.done $0x0  }
0x55: {  	s1 =	simm.s32 $0xE00;
	[sflag:s7] =	ssyncadd.s32 $0xFFFF8000  }
0x56: {  	[tilespmem:s2], [sflag:$0x2] =	stream.indirect.gather [hbm4b:s3+s11], $0x40, s1, s11, $0xb8;
	[tilespmem:$0x1A800] =	vst v63  }
0x57: {  	_ =	swait.ge [sflag:s14], $0x8000  }
0x58: {  	[sflag:s14] =	ssyncset.done $0x0  }
0x59: {  	s1 =	rddreg [dreg:$0x8];
	[sflag:s14] =	ssyncadd.s32 $0xFFFF8000  }
0x5a: {  	[hbm4b:s1+s4] =	stream.strided.scatter [tilespmem:s12], [sflag:$0x6], $0x8000, s6, s4, $0x38;
	[tilespmem:$0x1A800] =	vst v63  }
0x5b: {  	_ =	swait.ge [sflag:s13], $0x8000  }
0x5c: {  	[sflag:s13] =	ssyncset.done $0x0  }
0x5d: {  	[sflag:s13] =	ssyncadd.s32 $0xFFFF8000  }
0x5e: {  	[tilespmem:s12], [sflag:$0x3] =	stream.indirect.gather [hbm4b:s3+s11], $0x40, s30, s11, $0xb8;
	[tilespmem:$0x1A800] =	vst v63  }
0x5f: {  	_ =	swait.ge [sflag:s9], $0x8000  }
0x60: {  	[sflag:s9] =	ssyncset.done $0x0  }
0x61: {  	s1 =	rddreg [dreg:$0x9];
	[sflag:s9] =	ssyncadd.s32 $0xFFFF8000  }
0x62: {  	[hbm4b:s1+s4] =	stream.strided.scatter [tilespmem:s5], [sflag:$0x4], $0x8000, s6, s4, $0x38;
	[tilespmem:$0x1A800] =	vst v63  }
0x63: {  	_ =	swait.ge [sflag:s10], $0x8000  }
0x64: {  	[sflag:s10] =	ssyncset.done $0x0  }
0x65: {  	[sflag:s10] =	ssyncadd.s32 $0xFFFF8000  }
0x66: {  	[tilespmem:s5], [sflag:$0x1] =	stream.indirect.gather [hbm4b:s3+s11], $0x40, s29, s11, $0xb8;
	[tilespmem:$0x1A800] =	vst v63  }
0x67: {  	_ =	swait.ge [sflag:s8], $0x8000  }
0x68: {  	[sflag:s8] =	ssyncset.done $0x0  }
0x69: {  	s1 =	rddreg [dreg:$0xa];
	[sflag:s8] =	ssyncadd.s32 $0xFFFF8000  }
0x6a: {  	[hbm4b:s1+s4] =	stream.strided.scatter [tilespmem:s2], [sflag:$0x5], $0x8000, s6, s4, $0x38;
	[tilespmem:$0x1A800] =	vst v63  }
0x6b: {  	_ =	swait.ge [sflag:s7], $0x8000  }
0x6c: {  	[sflag:s7] =	ssyncset.done $0x0  }
0x6d: {  	[sflag:s7] =	ssyncadd.s32 $0xFFFF8000  }
0x6e: {  	[tilespmem:s2], [sflag:$0x2] =	stream.indirect.gather [hbm4b:s3+s11], $0x40, s28, s11, $0xb8;
	[tilespmem:$0x1A800] =	vst v63  }
0x6f: {  	_ =	swait.ge [sflag:s14], $0x8000  }
0x70: {  	[sflag:s14] =	ssyncset.done $0x0  }
0x71: {  	s1 =	rddreg [dreg:$0xb];
	[sflag:s14] =	ssyncadd.s32 $0xFFFF8000  }
0x72: {  	[hbm4b:s1+s4] =	stream.strided.scatter [tilespmem:s12], [sflag:$0x6], $0x8000, s6, s4, $0x38;
	[tilespmem:$0x1A800] =	vst v63  }
0x73: {  	_ =	swait.ge [sflag:s13], $0x8000  }
0x74: {  	[sflag:s13] =	ssyncset.done $0x0  }
0x75: {  	[sflag:s13] =	ssyncadd.s32 $0xFFFF8000  }
0x76: {  	[tilespmem:s12], [sflag:$0x3] =	stream.indirect.gather [hbm4b:s3+s11], $0x40, s26, s11, $0xb8;
	[tilespmem:$0x1A800] =	vst v63  }
0x77: {  	_ =	swait.ge [sflag:s9], $0x8000  }
0x78: {  	[sflag:s9] =	ssyncset.done $0x0  }
0x79: {  	s1 =	rddreg [dreg:$0xc];
	[sflag:s9] =	ssyncadd.s32 $0xFFFF8000  }
0x7a: {  	[hbm4b:s1+s4] =	stream.strided.scatter [tilespmem:s5], [sflag:$0x4], $0x8000, s6, s4, $0x38;
	[tilespmem:$0x1A800] =	vst v63  }
0x7b: {  	_ =	swait.ge [sflag:s10], $0x8000  }
0x7c: {  	[sflag:s10] =	ssyncset.done $0x0  }
0x7d: {  	[sflag:s10] =	ssyncadd.s32 $0xFFFF8000  }
0x7e: {  	[tilespmem:s5], [sflag:$0x1] =	stream.indirect.gather [hbm4b:s3+s11], $0x40, s23, s11, $0xb8;
	[tilespmem:$0x1A800] =	vst v63  }
0x7f: {  	_ =	swait.ge [sflag:s8], $0x8000  }
0x80: {  	[sflag:s8] =	ssyncset.done $0x0  }
0x81: {  	s1 =	rddreg [dreg:$0xd];
	[sflag:s8] =	ssyncadd.s32 $0xFFFF8000  }
0x82: {  	[hbm4b:s1+s4] =	stream.strided.scatter [tilespmem:s2], [sflag:$0x5], $0x8000, s6, s4, $0x38;
	[tilespmem:$0x1A800] =	vst v63  }
0x83: {  	_ =	swait.ge [sflag:s7], $0x8000  }
0x84: {  	[sflag:s7] =	ssyncset.done $0x0  }
0x85: {  	[sflag:s7] =	ssyncadd.s32 $0xFFFF8000  }
0x86: {  	[tilespmem:s2], [sflag:$0x2] =	stream.indirect.gather [hbm4b:s3+s11], $0x40, s22, s11, $0xb8;
	[tilespmem:$0x1A800] =	vst v63  }
0x87: {  	_ =	swait.ge [sflag:s14], $0x8000  }
0x88: {  	[sflag:s14] =	ssyncset.done $0x0  }
0x89: {  	s1 =	rddreg [dreg:$0xe];
	[sflag:s14] =	ssyncadd.s32 $0xFFFF8000  }
0x8a: {  	[hbm4b:s1+s4] =	stream.strided.scatter [tilespmem:s12], [sflag:$0x6], $0x8000, s6, s4, $0x38;
	[tilespmem:$0x1A800] =	vst v63  }
0x8b: {  	_ =	swait.ge [sflag:s13], $0x8000  }
0x8c: {  	[sflag:s13] =	ssyncset.done $0x0  }
0x8d: {  	[sflag:s13] =	ssyncadd.s32 $0xFFFF8000  }
0x8e: {  	[tilespmem:s12], [sflag:$0x3] =	stream.indirect.gather [hbm4b:s3+s11], $0x40, s21, s11, $0xb8;
	[tilespmem:$0x1A800] =	vst v63  }
0x8f: {  	_ =	swait.ge [sflag:s9], $0x8000  }
0x90: {  	[sflag:s9] =	ssyncset.done $0x0  }
0x91: {  	s1 =	rddreg [dreg:$0xf];
	[sflag:s9] =	ssyncadd.s32 $0xFFFF8000  }
0x92: {  	[hbm4b:s1+s4] =	stream.strided.scatter [tilespmem:s5], [sflag:$0x4], $0x8000, s6, s4, $0x38;
	[tilespmem:$0x1A800] =	vst v63  }
0x93: {  	_ =	swait.ge [sflag:s10], $0x8000  }
0x94: {  	[sflag:s10] =	ssyncset.done $0x0  }
0x95: {  	[sflag:s10] =	ssyncadd.s32 $0xFFFF8000  }
0x96: {  	[tilespmem:s5], [sflag:$0x1] =	stream.indirect.gather [hbm4b:s3+s11], $0x40, s20, s11, $0xb8;
	[tilespmem:$0x1A800] =	vst v63  }
0x97: {  	_ =	swait.ge [sflag:s8], $0x8000  }
0x98: {  	[sflag:s8] =	ssyncset.done $0x0  }
0x99: {  	s1 =	rddreg [dreg:$0x10];
	[sflag:s8] =	ssyncadd.s32 $0xFFFF8000  }
0x9a: {  	[hbm4b:s1+s4] =	stream.strided.scatter [tilespmem:s2], [sflag:$0x5], $0x8000, s6, s4, $0x38;
	[tilespmem:$0x1A800] =	vst v63  }
0x9b: {  	_ =	swait.ge [sflag:s7], $0x8000  }
0x9c: {  	[sflag:s7] =	ssyncset.done $0x0  }
0x9d: {  	[sflag:s7] =	ssyncadd.s32 $0xFFFF8000  }
0x9e: {  	[tilespmem:s2], [sflag:$0x2] =	stream.indirect.gather [hbm4b:s3+s11], $0x40, s19, s11, $0xb8;
	[tilespmem:$0x1A800] =	vst v63  }
0x9f: {  	_ =	swait.ge [sflag:s14], $0x8000  }
0xa0: {  	[sflag:s14] =	ssyncset.done $0x0  }
0xa1: {  	s1 =	rddreg [dreg:$0x11];
	[sflag:s14] =	ssyncadd.s32 $0xFFFF8000  }
0xa2: {  	[hbm4b:s1+s4] =	stream.strided.scatter [tilespmem:s12], [sflag:$0x6], $0x8000, s6, s4, $0x38;
	[tilespmem:$0x1A800] =	vst v63  }
0xa3: {  	_ =	swait.ge [sflag:s13], $0x8000  }
0xa4: {  	[sflag:s13] =	ssyncset.done $0x0  }
0xa5: {  	[sflag:s13] =	ssyncadd.s32 $0xFFFF8000  }
0xa6: {  	[tilespmem:s12], [sflag:$0x3] =	stream.indirect.gather [hbm4b:s3+s11], $0x40, s18, s11, $0xb8;
	[tilespmem:$0x1A800] =	vst v63  }
0xa7: {  	_ =	swait.ge [sflag:s9], $0x8000  }
0xa8: {  	[sflag:s9] =	ssyncset.done $0x0  }
0xa9: {  	s1 =	rddreg [dreg:$0x12];
	[sflag:s9] =	ssyncadd.s32 $0xFFFF8000  }
0xaa: {  	[hbm4b:s1+s4] =	stream.strided.scatter [tilespmem:s5], [sflag:$0x4], $0x8000, s6, s4, $0x38;
	[tilespmem:$0x1A800] =	vst v63  }
0xab: {  	_ =	swait.ge [sflag:s10], $0x8000  }
0xac: {  	[sflag:s10] =	ssyncset.done $0x0  }
0xad: {  	[sflag:s10] =	ssyncadd.s32 $0xFFFF8000  }
0xae: {  	[tilespmem:s5], [sflag:$0x1] =	stream.indirect.gather [hbm4b:s3+s11], $0x40, s17, s11, $0xb8;
	[tilespmem:$0x1A800] =	vst v63  }
0xaf: {  	_ =	swait.ge [sflag:s8], $0x8000  }
0xb0: {  	[sflag:s8] =	ssyncset.done $0x0  }
0xb1: {  	s1 =	rddreg [dreg:$0x13];
	[sflag:s8] =	ssyncadd.s32 $0xFFFF8000  }
0xb2: {  	[hbm4b:s1+s4] =	stream.strided.scatter [tilespmem:s2], [sflag:$0x5], $0x8000, s6, s4, $0x38;
	[tilespmem:$0x1A800] =	vst v63  }
0xb3: {  	_ =	swait.ge [sflag:s7], $0x8000  }
0xb4: {  	[sflag:s7] =	ssyncset.done $0x0  }
0xb5: {  	[sflag:s7] =	ssyncadd.s32 $0xFFFF8000  }
0xb6: {  	[tilespmem:s2], [sflag:$0x2] =	stream.indirect.gather [hbm4b:s3+s11], $0x40, s16, s11, $0xb8;
	[tilespmem:$0x1A800] =	vst v63  }
0xb7: {  	_ =	swait.ge [sflag:s14], $0x8000  }
0xb8: {  	[sflag:s14] =	ssyncset.done $0x0  }
0xb9: {  	s1 =	rddreg [dreg:$0x14];
	[sflag:s14] =	ssyncadd.s32 $0xFFFF8000  }
0xba: {  	[hbm4b:s1+s4] =	stream.strided.scatter [tilespmem:s12], [sflag:$0x6], $0x8000, s6, s4, $0x38;
	[tilespmem:$0x1A800] =	vst v63  }
0xbb: {  	_ =	swait.ge [sflag:s13], $0x8000  }
0xbc: {  	[sflag:s13] =	ssyncset.done $0x0  }
0xbd: {  	[sflag:s13] =	ssyncadd.s32 $0xFFFF8000  }
0xbe: {  	_ =	swait.ge [sflag:s9], $0x8000  }
0xbf: {  	[sflag:s9] =	ssyncset.done $0x0  }
0xc0: {  	s1 =	rddreg [dreg:$0x15];
	[sflag:s9] =	ssyncadd.s32 $0xFFFF8000  }
0xc1: {  	[hbm4b:s1+s4] =	stream.strided.scatter [tilespmem:s5], [sflag:$0x4], $0x8000, s6, s4, $0x38;
	[tilespmem:$0x1A800] =	vst v63  }
0xc2: {  	_ =	swait.ge [sflag:s10], $0x8000  }
0xc3: {  	[sflag:s10] =	ssyncset.done $0x0  }
0xc4: {  	[sflag:s10] =	ssyncadd.s32 $0xFFFF8000  }
0xc5: {  	p1 =	sne.s32 s15, $0x1;
	_ =	swait.ge [sflag:s8], $0x8000  }
.Ltmp1:
0xc6: {  	[sflag:s8] =	ssyncset.done $0x0;
	(pc) =	sbr.rel @!p1 .LBB2_3-.Ltmp1, $4  }
0xc7: {  	s1 =	rddreg [dreg:$0x16];
	[sflag:s8] =	ssyncadd.s32 $0xFFFF8000  }
0xc8: {  	[hbm4b:s1+s4] =	stream.strided.scatter [tilespmem:s2], [sflag:$0x5], $0x8000, s6, s4, $0x38;
	[tilespmem:$0x1A800] =	vst v63  }
0xc9: {  	p0 =	por $0x1, $0x1;
	_ =	swait.ge [sflag:s7], $0x8000  }
0xca: {  	s1 =	sadd.s32 $0xFFFFFFFF, s15;
	s0 =	rddreg [dreg:$0x3];
	[sflag:s7] =	ssyncset.done $0x0  }
.LBB2_4:
0xcb: {  	s15 =	rddreg [dreg:$0x17];
	[sflag:s7] =	ssyncadd.s32 $0xFFFF8000  }
0xcc: {  	[tilespmem:s25], [sflag:$0x7] =	stream.strided.gather [hbm4b:s0+s11], $0x2800, s15, s11, $0x38;
	[tilespmem:$0x1A800] =	vst v63  }
0xcd: {  	_ =	swait.ge [sflag:s31], $0x2800  }
0xce: {  	[sflag:s31] =	ssyncset.done $0x0  }
0xcf: {  	[sflag:s31] =	ssyncadd.s32 $0xFFFFD800  }
0xd0: {  	[tilespmem:s5], [sflag:$0x1] =	stream.indirect.gather [hbm4b:s3+s11], $0x40, s25, s11, $0xb8;
	[tilespmem:$0x1A800] =	vst v63  }
0xd1: {  	_ = 	snop  }
0xd2: {  	[tilespmem:s2], [sflag:$0x2] =	stream.indirect.gather [hbm4b:s3+s11], $0x40, s11, s11, $0xb8;
	[tilespmem:$0x1A800] =	vst v63  }
0xd3: {  	s15 =	rddreg [dreg:$0x18]  }
0xd4: {  	[tilespmem:s12], [sflag:$0x3] =	stream.indirect.gather [hbm4b:s3+s11], $0x40, s15, s11, $0xb8;
	[tilespmem:$0x1A800] =	vst v63  }
0xd5: {  	_ =	swait.ge [sflag:s9], $0x8000  }
0xd6: {  	[sflag:s9] =	ssyncset.done $0x0  }
0xd7: {  	[sflag:s9] =	ssyncadd.s32 $0xFFFF8000  }
0xd8: {  	[hbm4b:s24+s4] =	stream.strided.scatter [tilespmem:s5], [sflag:$0x4], $0x8000, s6, s4, $0x38;
	[tilespmem:$0x1A800] =	vst v63  }
0xd9: {  	_ =	swait.ge [sflag:s10], $0x8000  }
0xda: {  	[sflag:s10] =	ssyncset.done $0x0  }
0xdb: {  	s15 =	rddreg [dreg:$0x19];
	[sflag:s10] =	ssyncadd.s32 $0xFFFF8000  }
0xdc: {  	[tilespmem:s5], [sflag:$0x1] =	stream.indirect.gather [hbm4b:s3+s11], $0x40, s15, s11, $0xb8;
	[tilespmem:$0x1A800] =	vst v63  }
0xdd: {  	_ =	swait.ge [sflag:s8], $0x8000  }
0xde: {  	[sflag:s8] =	ssyncset.done $0x0  }
0xdf: {  	s15 =	rddreg [dreg:$0x4];
	[sflag:s8] =	ssyncadd.s32 $0xFFFF8000  }
0xe0: {  	[hbm4b:s15+s4] =	stream.strided.scatter [tilespmem:s2], [sflag:$0x5], $0x8000, s6, s4, $0x38;
	[tilespmem:$0x1A800] =	vst v63  }
0xe1: {  	_ =	swait.ge [sflag:s7], $0x8000  }
0xe2: {  	[sflag:s7] =	ssyncset.done $0x0  }
0xe3: {  	s15 =	rddreg [dreg:$0x1a];
	[sflag:s7] =	ssyncadd.s32 $0xFFFF8000  }
0xe4: {  	[tilespmem:s2], [sflag:$0x2] =	stream.indirect.gather [hbm4b:s3+s11], $0x40, s15, s11, $0xb8;
	[tilespmem:$0x1A800] =	vst v63  }
0xe5: {  	_ =	swait.ge [sflag:s14], $0x8000  }
0xe6: {  	[sflag:s14] =	ssyncset.done $0x0  }
0xe7: {  	s15 =	rddreg [dreg:$0x5];
	[sflag:s14] =	ssyncadd.s32 $0xFFFF8000  }
0xe8: {  	[hbm4b:s15+s4] =	stream.strided.scatter [tilespmem:s12], [sflag:$0x6], $0x8000, s6, s4, $0x38;
	[tilespmem:$0x1A800] =	vst v63  }
0xe9: {  	_ =	swait.ge [sflag:s13], $0x8000  }
0xea: {  	[sflag:s13] =	ssyncset.done $0x0  }
0xeb: {  	s15 =	rddreg [dreg:$0x1b];
	[sflag:s13] =	ssyncadd.s32 $0xFFFF8000  }
0xec: {  	[tilespmem:s12], [sflag:$0x3] =	stream.indirect.gather [hbm4b:s3+s11], $0x40, s15, s11, $0xb8;
	[tilespmem:$0x1A800] =	vst v63  }
0xed: {  	_ =	swait.ge [sflag:s9], $0x8000  }
0xee: {  	[sflag:s9] =	ssyncset.done $0x0  }
0xef: {  	s15 =	rddreg [dreg:$0x6];
	[sflag:s9] =	ssyncadd.s32 $0xFFFF8000  }
0xf0: {  	[hbm4b:s15+s4] =	stream.strided.scatter [tilespmem:s5], [sflag:$0x4], $0x8000, s6, s4, $0x38;
	[tilespmem:$0x1A800] =	vst v63  }
0xf1: {  	_ =	swait.ge [sflag:s10], $0x8000  }
0xf2: {  	[sflag:s10] =	ssyncset.done $0x0  }
0xf3: {  	s15 =	rddreg [dreg:$0x1c];
	[sflag:s10] =	ssyncadd.s32 $0xFFFF8000  }
0xf4: {  	[tilespmem:s5], [sflag:$0x1] =	stream.indirect.gather [hbm4b:s3+s11], $0x40, s15, s11, $0xb8;
	[tilespmem:$0x1A800] =	vst v63  }
0xf5: {  	_ =	swait.ge [sflag:s8], $0x8000  }
0xf6: {  	[sflag:s8] =	ssyncset.done $0x0  }
0xf7: {  	s15 =	rddreg [dreg:$0x7];
	[sflag:s8] =	ssyncadd.s32 $0xFFFF8000  }
0xf8: {  	[hbm4b:s15+s4] =	stream.strided.scatter [tilespmem:s2], [sflag:$0x5], $0x8000, s6, s4, $0x38;
	[tilespmem:$0x1A800] =	vst v63  }
0xf9: {  	_ =	swait.ge [sflag:s7], $0x8000  }
0xfa: {  	[sflag:s7] =	ssyncset.done $0x0  }
0xfb: {  	s15 =	simm.s32 $0xE00;
	[sflag:s7] =	ssyncadd.s32 $0xFFFF8000  }
0xfc: {  	[tilespmem:s2], [sflag:$0x2] =	stream.indirect.gather [hbm4b:s3+s11], $0x40, s15, s11, $0xb8;
	[tilespmem:$0x1A800] =	vst v63  }
0xfd: {  	_ =	swait.ge [sflag:s14], $0x8000  }
0xfe: {  	[sflag:s14] =	ssyncset.done $0x0  }
0xff: {  	s15 =	rddreg [dreg:$0x8];
	[sflag:s14] =	ssyncadd.s32 $0xFFFF8000  }
0x100: {  	[hbm4b:s15+s4] =	stream.strided.scatter [tilespmem:s12], [sflag:$0x6], $0x8000, s6, s4, $0x38;
	[tilespmem:$0x1A800] =	vst v63  }
0x101: {  	_ =	swait.ge [sflag:s13], $0x8000  }
0x102: {  	[sflag:s13] =	ssyncset.done $0x0  }
0x103: {  	[sflag:s13] =	ssyncadd.s32 $0xFFFF8000  }
0x104: {  	[tilespmem:s12], [sflag:$0x3] =	stream.indirect.gather [hbm4b:s3+s11], $0x40, s30, s11, $0xb8;
	[tilespmem:$0x1A800] =	vst v63  }
0x105: {  	_ =	swait.ge [sflag:s9], $0x8000  }
0x106: {  	[sflag:s9] =	ssyncset.done $0x0  }
0x107: {  	s15 =	rddreg [dreg:$0x9];
	[sflag:s9] =	ssyncadd.s32 $0xFFFF8000  }
0x108: {  	[hbm4b:s15+s4] =	stream.strided.scatter [tilespmem:s5], [sflag:$0x4], $0x8000, s6, s4, $0x38;
	[tilespmem:$0x1A800] =	vst v63  }
0x109: {  	_ =	swait.ge [sflag:s10], $0x8000  }
0x10a: {  	[sflag:s10] =	ssyncset.done $0x0  }
0x10b: {  	[sflag:s10] =	ssyncadd.s32 $0xFFFF8000  }
0x10c: {  	[tilespmem:s5], [sflag:$0x1] =	stream.indirect.gather [hbm4b:s3+s11], $0x40, s29, s11, $0xb8;
	[tilespmem:$0x1A800] =	vst v63  }
0x10d: {  	_ =	swait.ge [sflag:s8], $0x8000  }
0x10e: {  	[sflag:s8] =	ssyncset.done $0x0  }
0x10f: {  	s15 =	rddreg [dreg:$0xa];
	[sflag:s8] =	ssyncadd.s32 $0xFFFF8000  }
0x110: {  	[hbm4b:s15+s4] =	stream.strided.scatter [tilespmem:s2], [sflag:$0x5], $0x8000, s6, s4, $0x38;
	[tilespmem:$0x1A800] =	vst v63  }
0x111: {  	_ =	swait.ge [sflag:s7], $0x8000  }
0x112: {  	[sflag:s7] =	ssyncset.done $0x0  }
0x113: {  	[sflag:s7] =	ssyncadd.s32 $0xFFFF8000  }
0x114: {  	[tilespmem:s2], [sflag:$0x2] =	stream.indirect.gather [hbm4b:s3+s11], $0x40, s28, s11, $0xb8;
	[tilespmem:$0x1A800] =	vst v63  }
0x115: {  	_ =	swait.ge [sflag:s14], $0x8000  }
0x116: {  	[sflag:s14] =	ssyncset.done $0x0  }
0x117: {  	s15 =	rddreg [dreg:$0xb];
	[sflag:s14] =	ssyncadd.s32 $0xFFFF8000  }
0x118: {  	[hbm4b:s15+s4] =	stream.strided.scatter [tilespmem:s12], [sflag:$0x6], $0x8000, s6, s4, $0x38;
	[tilespmem:$0x1A800] =	vst v63  }
0x119: {  	_ =	swait.ge [sflag:s13], $0x8000  }
0x11a: {  	[sflag:s13] =	ssyncset.done $0x0  }
0x11b: {  	[sflag:s13] =	ssyncadd.s32 $0xFFFF8000  }
0x11c: {  	[tilespmem:s12], [sflag:$0x3] =	stream.indirect.gather [hbm4b:s3+s11], $0x40, s26, s11, $0xb8;
	[tilespmem:$0x1A800] =	vst v63  }
0x11d: {  	_ =	swait.ge [sflag:s9], $0x8000  }
0x11e: {  	[sflag:s9] =	ssyncset.done $0x0  }
0x11f: {  	s15 =	rddreg [dreg:$0xc];
	[sflag:s9] =	ssyncadd.s32 $0xFFFF8000  }
0x120: {  	[hbm4b:s15+s4] =	stream.strided.scatter [tilespmem:s5], [sflag:$0x4], $0x8000, s6, s4, $0x38;
	[tilespmem:$0x1A800] =	vst v63  }
0x121: {  	_ =	swait.ge [sflag:s10], $0x8000  }
0x122: {  	[sflag:s10] =	ssyncset.done $0x0  }
0x123: {  	[sflag:s10] =	ssyncadd.s32 $0xFFFF8000  }
0x124: {  	[tilespmem:s5], [sflag:$0x1] =	stream.indirect.gather [hbm4b:s3+s11], $0x40, s23, s11, $0xb8;
	[tilespmem:$0x1A800] =	vst v63  }
0x125: {  	_ =	swait.ge [sflag:s8], $0x8000  }
0x126: {  	[sflag:s8] =	ssyncset.done $0x0  }
0x127: {  	s15 =	rddreg [dreg:$0xd];
	[sflag:s8] =	ssyncadd.s32 $0xFFFF8000  }
0x128: {  	[hbm4b:s15+s4] =	stream.strided.scatter [tilespmem:s2], [sflag:$0x5], $0x8000, s6, s4, $0x38;
	[tilespmem:$0x1A800] =	vst v63  }
0x129: {  	_ =	swait.ge [sflag:s7], $0x8000  }
0x12a: {  	[sflag:s7] =	ssyncset.done $0x0  }
0x12b: {  	[sflag:s7] =	ssyncadd.s32 $0xFFFF8000  }
0x12c: {  	[tilespmem:s2], [sflag:$0x2] =	stream.indirect.gather [hbm4b:s3+s11], $0x40, s22, s11, $0xb8;
	[tilespmem:$0x1A800] =	vst v63  }
0x12d: {  	_ =	swait.ge [sflag:s14], $0x8000  }
0x12e: {  	[sflag:s14] =	ssyncset.done $0x0  }
0x12f: {  	s15 =	rddreg [dreg:$0xe];
	[sflag:s14] =	ssyncadd.s32 $0xFFFF8000  }
0x130: {  	[hbm4b:s15+s4] =	stream.strided.scatter [tilespmem:s12], [sflag:$0x6], $0x8000, s6, s4, $0x38;
	[tilespmem:$0x1A800] =	vst v63  }
0x131: {  	_ =	swait.ge [sflag:s13], $0x8000  }
0x132: {  	[sflag:s13] =	ssyncset.done $0x0  }
0x133: {  	[sflag:s13] =	ssyncadd.s32 $0xFFFF8000  }
0x134: {  	[tilespmem:s12], [sflag:$0x3] =	stream.indirect.gather [hbm4b:s3+s11], $0x40, s21, s11, $0xb8;
	[tilespmem:$0x1A800] =	vst v63  }
0x135: {  	_ =	swait.ge [sflag:s9], $0x8000  }
0x136: {  	[sflag:s9] =	ssyncset.done $0x0  }
0x137: {  	s15 =	rddreg [dreg:$0xf];
	[sflag:s9] =	ssyncadd.s32 $0xFFFF8000  }
0x138: {  	[hbm4b:s15+s4] =	stream.strided.scatter [tilespmem:s5], [sflag:$0x4], $0x8000, s6, s4, $0x38;
	[tilespmem:$0x1A800] =	vst v63  }
0x139: {  	_ =	swait.ge [sflag:s10], $0x8000  }
0x13a: {  	[sflag:s10] =	ssyncset.done $0x0  }
0x13b: {  	[sflag:s10] =	ssyncadd.s32 $0xFFFF8000  }
0x13c: {  	[tilespmem:s5], [sflag:$0x1] =	stream.indirect.gather [hbm4b:s3+s11], $0x40, s20, s11, $0xb8;
	[tilespmem:$0x1A800] =	vst v63  }
0x13d: {  	_ =	swait.ge [sflag:s8], $0x8000  }
0x13e: {  	[sflag:s8] =	ssyncset.done $0x0  }
0x13f: {  	s15 =	rddreg [dreg:$0x10];
	[sflag:s8] =	ssyncadd.s32 $0xFFFF8000  }
0x140: {  	[hbm4b:s15+s4] =	stream.strided.scatter [tilespmem:s2], [sflag:$0x5], $0x8000, s6, s4, $0x38;
	[tilespmem:$0x1A800] =	vst v63  }
0x141: {  	_ =	swait.ge [sflag:s7], $0x8000  }
0x142: {  	[sflag:s7] =	ssyncset.done $0x0  }
0x143: {  	[sflag:s7] =	ssyncadd.s32 $0xFFFF8000  }
0x144: {  	[tilespmem:s2], [sflag:$0x2] =	stream.indirect.gather [hbm4b:s3+s11], $0x40, s19, s11, $0xb8;
	[tilespmem:$0x1A800] =	vst v63  }
0x145: {  	_ =	swait.ge [sflag:s14], $0x8000  }
0x146: {  	[sflag:s14] =	ssyncset.done $0x0  }
0x147: {  	s15 =	rddreg [dreg:$0x11];
	[sflag:s14] =	ssyncadd.s32 $0xFFFF8000  }
0x148: {  	[hbm4b:s15+s4] =	stream.strided.scatter [tilespmem:s12], [sflag:$0x6], $0x8000, s6, s4, $0x38;
	[tilespmem:$0x1A800] =	vst v63  }
0x149: {  	_ =	swait.ge [sflag:s13], $0x8000  }
0x14a: {  	[sflag:s13] =	ssyncset.done $0x0  }
0x14b: {  	[sflag:s13] =	ssyncadd.s32 $0xFFFF8000  }
0x14c: {  	[tilespmem:s12], [sflag:$0x3] =	stream.indirect.gather [hbm4b:s3+s11], $0x40, s18, s11, $0xb8;
	[tilespmem:$0x1A800] =	vst v63  }
0x14d: {  	_ =	swait.ge [sflag:s9], $0x8000  }
0x14e: {  	[sflag:s9] =	ssyncset.done $0x0  }
0x14f: {  	s15 =	rddreg [dreg:$0x12];
	[sflag:s9] =	ssyncadd.s32 $0xFFFF8000  }
0x150: {  	[hbm4b:s15+s4] =	stream.strided.scatter [tilespmem:s5], [sflag:$0x4], $0x8000, s6, s4, $0x38;
	[tilespmem:$0x1A800] =	vst v63  }
0x151: {  	_ =	swait.ge [sflag:s10], $0x8000  }
0x152: {  	[sflag:s10] =	ssyncset.done $0x0  }
0x153: {  	[sflag:s10] =	ssyncadd.s32 $0xFFFF8000  }
0x154: {  	[tilespmem:s5], [sflag:$0x1] =	stream.indirect.gather [hbm4b:s3+s11], $0x40, s17, s11, $0xb8;
	[tilespmem:$0x1A800] =	vst v63  }
0x155: {  	_ =	swait.ge [sflag:s8], $0x8000  }
0x156: {  	[sflag:s8] =	ssyncset.done $0x0  }
0x157: {  	s15 =	rddreg [dreg:$0x13];
	[sflag:s8] =	ssyncadd.s32 $0xFFFF8000  }
0x158: {  	[hbm4b:s15+s4] =	stream.strided.scatter [tilespmem:s2], [sflag:$0x5], $0x8000, s6, s4, $0x38;
	[tilespmem:$0x1A800] =	vst v63  }
0x159: {  	_ =	swait.ge [sflag:s7], $0x8000  }
0x15a: {  	[sflag:s7] =	ssyncset.done $0x0  }
0x15b: {  	[sflag:s7] =	ssyncadd.s32 $0xFFFF8000  }
0x15c: {  	[tilespmem:s2], [sflag:$0x2] =	stream.indirect.gather [hbm4b:s3+s11], $0x40, s16, s11, $0xb8;
	[tilespmem:$0x1A800] =	vst v63  }
0x15d: {  	_ =	swait.ge [sflag:s14], $0x8000  }
0x15e: {  	[sflag:s14] =	ssyncset.done $0x0  }
0x15f: {  	s15 =	rddreg [dreg:$0x14];
	[sflag:s14] =	ssyncadd.s32 $0xFFFF8000  }
0x160: {  	[hbm4b:s15+s4] =	stream.strided.scatter [tilespmem:s12], [sflag:$0x6], $0x8000, s6, s4, $0x38;
	[tilespmem:$0x1A800] =	vst v63  }
0x161: {  	_ =	swait.ge [sflag:s13], $0x8000  }
0x162: {  	[sflag:s13] =	ssyncset.done $0x0  }
0x163: {  	[sflag:s13] =	ssyncadd.s32 $0xFFFF8000  }
0x164: {  	_ =	swait.ge [sflag:s9], $0x8000  }
0x165: {  	[sflag:s9] =	ssyncset.done $0x0  }
0x166: {  	s15 =	rddreg [dreg:$0x15];
	[sflag:s9] =	ssyncadd.s32 $0xFFFF8000  }
0x167: {  	[hbm4b:s15+s4] =	stream.strided.scatter [tilespmem:s5], [sflag:$0x4], $0x8000, s6, s4, $0x38;
	[tilespmem:$0x1A800] =	vst v63  }
0x168: {  	_ =	swait.ge [sflag:s10], $0x8000  }
0x169: {  	[sflag:s10] =	ssyncset.done $0x0  }
0x16a: {  	[sflag:s10] =	ssyncadd.s32 $0xFFFF8000  }
0x16b: {  	p1 =	sne.s32 s1, $0x1;
	_ =	swait.ge [sflag:s8], $0x8000  }
.Ltmp2:
0x16c: {  	[sflag:s8] =	ssyncset.done $0x0;
	(pc) =	sbr.rel @p1 .LBB2_4-.Ltmp2, $4  }
0x16d: {  	s15 =	rddreg [dreg:$0x16];
	[sflag:s8] =	ssyncadd.s32 $0xFFFF8000  }
0x16e: {  	[hbm4b:s15+s4] =	stream.strided.scatter [tilespmem:s2], [sflag:$0x5], $0x8000, s6, s4, $0x38;
	[tilespmem:$0x1A800] =	vst v63  }
0x16f: {  	_ =	swait.ge [sflag:s7], $0x8000  }
0x170: {  	s1 =	sadd.s32 $0xFFFFFFFF, s1;
	s0 =	rddreg [dreg:$0x3];
	[sflag:s7] =	ssyncset.done $0x0  }
0x171: {  	s16 =	simm.s32 $0xE00  }
0x172: {  	s30 =	simm.s32 $0x1000;
	s29 =	simm.s32 $0x1200;
	s28 =	simm.s32 $0x1400  }
0x173: {  	s26 =	simm.s32 $0x1600;
	s23 =	simm.s32 $0x1800;
	s22 =	simm.s32 $0x1A00  }
0x174: {  	s21 =	simm.s32 $0x1C00;
	s20 =	simm.s32 $0x1E00;
	s19 =	simm.s32 $0x2000  }
0x175: {  	s18 =	simm.s32 $0x2200;
	s17 =	simm.s32 $0x2400;
	s15 =	stileid.u32  }
.LBB2_6:
0x176: {  	s1 =	rddreg [dreg:$0x17];
	[sflag:s7] =	ssyncadd.s32 @p0 $0xFFFF8000  }
0x177: {  	[tilespmem:s25], [sflag:$0x7] =	stream.strided.gather [hbm4b:s0+s11], $0x2800, s1, s11, $0x38;
	[tilespmem:$0x1A800] =	vst v63  }
0x178: {  	_ =	swait.ge [sflag:s31], $0x2800  }
0x179: {  	[sflag:s31] =	ssyncset.done $0x0  }
0x17a: {  	[sflag:s31] =	ssyncadd.s32 $0xFFFFD800  }
0x17b: {  	[tilespmem:s5], [sflag:$0x1] =	stream.indirect.gather [hbm4b:s3+s11], $0x40, s25, s11, $0xb8;
	[tilespmem:$0x1A800] =	vst v63  }
0x17c: {  	_ = 	snop  }
0x17d: {  	[tilespmem:s2], [sflag:$0x2] =	stream.indirect.gather [hbm4b:s3+s11], $0x40, s11, s11, $0xb8;
	[tilespmem:$0x1A800] =	vst v63  }
0x17e: {  	s1 =	rddreg [dreg:$0x18]  }
0x17f: {  	[tilespmem:s12], [sflag:$0x3] =	stream.indirect.gather [hbm4b:s3+s11], $0x40, s1, s11, $0xb8;
	[tilespmem:$0x1A800] =	vst v63  }
0x180: {  	_ =	swait.ge [sflag:s9], $0x8000  }
0x181: {  	[sflag:s9] =	ssyncset.done $0x0  }
0x182: {  	[sflag:s9] =	ssyncadd.s32 $0xFFFF8000  }
0x183: {  	[hbm4b:s24+s4] =	stream.strided.scatter [tilespmem:s5], [sflag:$0x4], $0x8000, s6, s4, $0x38;
	[tilespmem:$0x1A800] =	vst v63  }
0x184: {  	_ =	swait.ge [sflag:s10], $0x8000  }
0x185: {  	[sflag:s10] =	ssyncset.done $0x0  }
0x186: {  	s24 =	rddreg [dreg:$0x19];
	[sflag:s10] =	ssyncadd.s32 $0xFFFF8000  }
0x187: {  	[tilespmem:s5], [sflag:$0x1] =	stream.indirect.gather [hbm4b:s3+s11], $0x40, s24, s11, $0xb8;
	[tilespmem:$0x1A800] =	vst v63  }
0x188: {  	_ =	swait.ge [sflag:s8], $0x8000  }
0x189: {  	[sflag:s8] =	ssyncset.done $0x0  }
0x18a: {  	s25 =	rddreg [dreg:$0x4];
	[sflag:s8] =	ssyncadd.s32 $0xFFFF8000  }
0x18b: {  	[hbm4b:s25+s4] =	stream.strided.scatter [tilespmem:s2], [sflag:$0x5], $0x8000, s6, s4, $0x38;
	[tilespmem:$0x1A800] =	vst v63  }
0x18c: {  	_ =	swait.ge [sflag:s7], $0x8000  }
0x18d: {  	[sflag:s7] =	ssyncset.done $0x0  }
0x18e: {  	s31 =	rddreg [dreg:$0x1a];
	[sflag:s7] =	ssyncadd.s32 $0xFFFF8000  }
0x18f: {  	[tilespmem:s2], [sflag:$0x2] =	stream.indirect.gather [hbm4b:s3+s11], $0x40, s31, s11, $0xb8;
	[tilespmem:$0x1A800] =	vst v63  }
0x190: {  	_ =	swait.ge [sflag:s14], $0x8000  }
0x191: {  	[sflag:s14] =	ssyncset.done $0x0  }
0x192: {  	s1 =	rddreg [dreg:$0x5];
	[sflag:s14] =	ssyncadd.s32 $0xFFFF8000  }
0x193: {  	[hbm4b:s1+s4] =	stream.strided.scatter [tilespmem:s12], [sflag:$0x6], $0x8000, s6, s4, $0x38;
	[tilespmem:$0x1A800] =	vst v63  }
0x194: {  	_ =	swait.ge [sflag:s13], $0x8000  }
0x195: {  	[sflag:s13] =	ssyncset.done $0x0  }
0x196: {  	s24 =	rddreg [dreg:$0x1b];
	[sflag:s13] =	ssyncadd.s32 $0xFFFF8000  }
0x197: {  	[tilespmem:s12], [sflag:$0x3] =	stream.indirect.gather [hbm4b:s3+s11], $0x40, s24, s11, $0xb8;
	[tilespmem:$0x1A800] =	vst v63  }
0x198: {  	_ =	swait.ge [sflag:s9], $0x8000  }
0x199: {  	[sflag:s9] =	ssyncset.done $0x0  }
0x19a: {  	s25 =	rddreg [dreg:$0x6];
	[sflag:s9] =	ssyncadd.s32 $0xFFFF8000  }
0x19b: {  	[hbm4b:s25+s4] =	stream.strided.scatter [tilespmem:s5], [sflag:$0x4], $0x8000, s6, s4, $0x38;
	[tilespmem:$0x1A800] =	vst v63  }
0x19c: {  	_ =	swait.ge [sflag:s10], $0x8000  }
0x19d: {  	[sflag:s10] =	ssyncset.done $0x0  }
0x19e: {  	s31 =	rddreg [dreg:$0x1c];
	[sflag:s10] =	ssyncadd.s32 $0xFFFF8000  }
0x19f: {  	[tilespmem:s5], [sflag:$0x1] =	stream.indirect.gather [hbm4b:s3+s11], $0x40, s31, s11, $0xb8;
	[tilespmem:$0x1A800] =	vst v63  }
0x1a0: {  	_ =	swait.ge [sflag:s8], $0x8000  }
0x1a1: {  	[sflag:s8] =	ssyncset.done $0x0  }
0x1a2: {  	s1 =	rddreg [dreg:$0x7];
	[sflag:s8] =	ssyncadd.s32 $0xFFFF8000  }
0x1a3: {  	[hbm4b:s1+s4] =	stream.strided.scatter [tilespmem:s2], [sflag:$0x5], $0x8000, s6, s4, $0x38;
	[tilespmem:$0x1A800] =	vst v63  }
0x1a4: {  	_ =	swait.ge [sflag:s7], $0x8000  }
0x1a5: {  	[sflag:s7] =	ssyncset.done $0x0  }
0x1a6: {  	[sflag:s7] =	ssyncadd.s32 $0xFFFF8000  }
0x1a7: {  	[tilespmem:s2], [sflag:$0x2] =	stream.indirect.gather [hbm4b:s3+s11], $0x40, s16, s11, $0xb8;
	[tilespmem:$0x1A800] =	vst v63  }
0x1a8: {  	_ =	swait.ge [sflag:s14], $0x8000  }
0x1a9: {  	[sflag:s14] =	ssyncset.done $0x0  }
0x1aa: {  	s24 =	rddreg [dreg:$0x8];
	[sflag:s14] =	ssyncadd.s32 $0xFFFF8000  }
0x1ab: {  	[hbm4b:s24+s4] =	stream.strided.scatter [tilespmem:s12], [sflag:$0x6], $0x8000, s6, s4, $0x38;
	[tilespmem:$0x1A800] =	vst v63  }
0x1ac: {  	_ =	swait.ge [sflag:s13], $0x8000  }
0x1ad: {  	[sflag:s13] =	ssyncset.done $0x0  }
0x1ae: {  	[sflag:s13] =	ssyncadd.s32 $0xFFFF8000  }
0x1af: {  	[tilespmem:s12], [sflag:$0x3] =	stream.indirect.gather [hbm4b:s3+s11], $0x40, s30, s11, $0xb8;
	[tilespmem:$0x1A800] =	vst v63  }
0x1b0: {  	_ =	swait.ge [sflag:s9], $0x8000  }
0x1b1: {  	[sflag:s9] =	ssyncset.done $0x0  }
0x1b2: {  	s25 =	rddreg [dreg:$0x9];
	[sflag:s9] =	ssyncadd.s32 $0xFFFF8000  }
0x1b3: {  	[hbm4b:s25+s4] =	stream.strided.scatter [tilespmem:s5], [sflag:$0x4], $0x8000, s6, s4, $0x38;
	[tilespmem:$0x1A800] =	vst v63  }
0x1b4: {  	_ =	swait.ge [sflag:s10], $0x8000  }
0x1b5: {  	[sflag:s10] =	ssyncset.done $0x0  }
0x1b6: {  	[sflag:s10] =	ssyncadd.s32 $0xFFFF8000  }
0x1b7: {  	[tilespmem:s5], [sflag:$0x1] =	stream.indirect.gather [hbm4b:s3+s11], $0x40, s29, s11, $0xb8;
	[tilespmem:$0x1A800] =	vst v63  }
0x1b8: {  	_ =	swait.ge [sflag:s8], $0x8000  }
0x1b9: {  	[sflag:s8] =	ssyncset.done $0x0  }
0x1ba: {  	s29 =	rddreg [dreg:$0xa];
	[sflag:s8] =	ssyncadd.s32 $0xFFFF8000  }
0x1bb: {  	[hbm4b:s29+s4] =	stream.strided.scatter [tilespmem:s2], [sflag:$0x5], $0x8000, s6, s4, $0x38;
	[tilespmem:$0x1A800] =	vst v63  }
0x1bc: {  	_ =	swait.ge [sflag:s7], $0x8000  }
0x1bd: {  	[sflag:s7] =	ssyncset.done $0x0  }
0x1be: {  	[sflag:s7] =	ssyncadd.s32 $0xFFFF8000  }
0x1bf: {  	[tilespmem:s2], [sflag:$0x2] =	stream.indirect.gather [hbm4b:s3+s11], $0x40, s28, s11, $0xb8;
	[tilespmem:$0x1A800] =	vst v63  }
0x1c0: {  	_ =	swait.ge [sflag:s14], $0x8000  }
0x1c1: {  	[sflag:s14] =	ssyncset.done $0x0  }
0x1c2: {  	s30 =	rddreg [dreg:$0xb];
	[sflag:s14] =	ssyncadd.s32 $0xFFFF8000  }
0x1c3: {  	[hbm4b:s30+s4] =	stream.strided.scatter [tilespmem:s12], [sflag:$0x6], $0x8000, s6, s4, $0x38;
	[tilespmem:$0x1A800] =	vst v63  }
0x1c4: {  	_ =	swait.ge [sflag:s13], $0x8000  }
0x1c5: {  	[sflag:s13] =	ssyncset.done $0x0  }
0x1c6: {  	[sflag:s13] =	ssyncadd.s32 $0xFFFF8000  }
0x1c7: {  	[tilespmem:s12], [sflag:$0x3] =	stream.indirect.gather [hbm4b:s3+s11], $0x40, s26, s11, $0xb8;
	[tilespmem:$0x1A800] =	vst v63  }
0x1c8: {  	_ =	swait.ge [sflag:s9], $0x8000  }
0x1c9: {  	[sflag:s9] =	ssyncset.done $0x0  }
0x1ca: {  	s31 =	rddreg [dreg:$0xc];
	[sflag:s9] =	ssyncadd.s32 $0xFFFF8000  }
0x1cb: {  	[hbm4b:s31+s4] =	stream.strided.scatter [tilespmem:s5], [sflag:$0x4], $0x8000, s6, s4, $0x38;
	[tilespmem:$0x1A800] =	vst v63  }
0x1cc: {  	_ =	swait.ge [sflag:s10], $0x8000  }
0x1cd: {  	[sflag:s10] =	ssyncset.done $0x0  }
0x1ce: {  	[sflag:s10] =	ssyncadd.s32 $0xFFFF8000  }
0x1cf: {  	[tilespmem:s5], [sflag:$0x1] =	stream.indirect.gather [hbm4b:s3+s11], $0x40, s23, s11, $0xb8;
	[tilespmem:$0x1A800] =	vst v63  }
0x1d0: {  	_ =	swait.ge [sflag:s8], $0x8000  }
0x1d1: {  	[sflag:s8] =	ssyncset.done $0x0  }
0x1d2: {  	s1 =	rddreg [dreg:$0xd];
	[sflag:s8] =	ssyncadd.s32 $0xFFFF8000  }
0x1d3: {  	[hbm4b:s1+s4] =	stream.strided.scatter [tilespmem:s2], [sflag:$0x5], $0x8000, s6, s4, $0x38;
	[tilespmem:$0x1A800] =	vst v63  }
0x1d4: {  	_ =	swait.ge [sflag:s7], $0x8000  }
0x1d5: {  	[sflag:s7] =	ssyncset.done $0x0  }
0x1d6: {  	[sflag:s7] =	ssyncadd.s32 $0xFFFF8000  }
0x1d7: {  	[tilespmem:s2], [sflag:$0x2] =	stream.indirect.gather [hbm4b:s3+s11], $0x40, s22, s11, $0xb8;
	[tilespmem:$0x1A800] =	vst v63  }
0x1d8: {  	_ =	swait.ge [sflag:s14], $0x8000  }
0x1d9: {  	[sflag:s14] =	ssyncset.done $0x0  }
0x1da: {  	s16 =	rddreg [dreg:$0xe];
	[sflag:s14] =	ssyncadd.s32 $0xFFFF8000  }
0x1db: {  	[hbm4b:s16+s4] =	stream.strided.scatter [tilespmem:s12], [sflag:$0x6], $0x8000, s6, s4, $0x38;
	[tilespmem:$0x1A800] =	vst v63  }
0x1dc: {  	_ =	swait.ge [sflag:s13], $0x8000  }
0x1dd: {  	[sflag:s13] =	ssyncset.done $0x0  }
0x1de: {  	[sflag:s13] =	ssyncadd.s32 $0xFFFF8000  }
0x1df: {  	[tilespmem:s12], [sflag:$0x3] =	stream.indirect.gather [hbm4b:s3+s11], $0x40, s21, s11, $0xb8;
	[tilespmem:$0x1A800] =	vst v63  }
0x1e0: {  	_ =	swait.ge [sflag:s9], $0x8000  }
0x1e1: {  	[sflag:s9] =	ssyncset.done $0x0  }
0x1e2: {  	s22 =	rddreg [dreg:$0xf];
	[sflag:s9] =	ssyncadd.s32 $0xFFFF8000  }
0x1e3: {  	[hbm4b:s22+s4] =	stream.strided.scatter [tilespmem:s5], [sflag:$0x4], $0x8000, s6, s4, $0x38;
	[tilespmem:$0x1A800] =	vst v63  }
0x1e4: {  	_ =	swait.ge [sflag:s10], $0x8000  }
0x1e5: {  	[sflag:s10] =	ssyncset.done $0x0  }
0x1e6: {  	[sflag:s10] =	ssyncadd.s32 $0xFFFF8000  }
0x1e7: {  	[tilespmem:s5], [sflag:$0x1] =	stream.indirect.gather [hbm4b:s3+s11], $0x40, s20, s11, $0xb8;
	[tilespmem:$0x1A800] =	vst v63  }
0x1e8: {  	_ =	swait.ge [sflag:s8], $0x8000  }
0x1e9: {  	[sflag:s8] =	ssyncset.done $0x0  }
0x1ea: {  	s23 =	rddreg [dreg:$0x10];
	[sflag:s8] =	ssyncadd.s32 $0xFFFF8000  }
0x1eb: {  	[hbm4b:s23+s4] =	stream.strided.scatter [tilespmem:s2], [sflag:$0x5], $0x8000, s6, s4, $0x38;
	[tilespmem:$0x1A800] =	vst v63  }
0x1ec: {  	_ =	swait.ge [sflag:s7], $0x8000  }
0x1ed: {  	[sflag:s7] =	ssyncset.done $0x0  }
0x1ee: {  	[sflag:s7] =	ssyncadd.s32 $0xFFFF8000  }
0x1ef: {  	[tilespmem:s2], [sflag:$0x2] =	stream.indirect.gather [hbm4b:s3+s11], $0x40, s19, s11, $0xb8;
	[tilespmem:$0x1A800] =	vst v63  }
0x1f0: {  	_ =	swait.ge [sflag:s14], $0x8000  }
0x1f1: {  	[sflag:s14] =	ssyncset.done $0x0  }
0x1f2: {  	s24 =	rddreg [dreg:$0x11];
	[sflag:s14] =	ssyncadd.s32 $0xFFFF8000  }
0x1f3: {  	[hbm4b:s24+s4] =	stream.strided.scatter [tilespmem:s12], [sflag:$0x6], $0x8000, s6, s4, $0x38;
	[tilespmem:$0x1A800] =	vst v63  }
0x1f4: {  	_ =	swait.ge [sflag:s13], $0x8000  }
0x1f5: {  	[sflag:s13] =	ssyncset.done $0x0  }
0x1f6: {  	[sflag:s13] =	ssyncadd.s32 $0xFFFF8000  }
0x1f7: {  	[tilespmem:s12], [sflag:$0x3] =	stream.indirect.gather [hbm4b:s3+s11], $0x40, s18, s11, $0xb8;
	[tilespmem:$0x1A800] =	vst v63  }
0x1f8: {  	_ =	swait.ge [sflag:s9], $0x8000  }
0x1f9: {  	[sflag:s9] =	ssyncset.done $0x0  }
0x1fa: {  	s25 =	rddreg [dreg:$0x12];
	[sflag:s9] =	ssyncadd.s32 $0xFFFF8000  }
0x1fb: {  	[hbm4b:s25+s4] =	stream.strided.scatter [tilespmem:s5], [sflag:$0x4], $0x8000, s6, s4, $0x38;
	[tilespmem:$0x1A800] =	vst v63  }
0x1fc: {  	_ =	swait.ge [sflag:s10], $0x8000  }
0x1fd: {  	[sflag:s10] =	ssyncset.done $0x0  }
0x1fe: {  	[sflag:s10] =	ssyncadd.s32 $0xFFFF8000  }
0x1ff: {  	[tilespmem:s5], [sflag:$0x1] =	stream.indirect.gather [hbm4b:s3+s11], $0x40, s17, s11, $0xb8;
	[tilespmem:$0x1A800] =	vst v63  }
0x200: {  	_ =	swait.ge [sflag:s8], $0x8000  }
0x201: {  	[sflag:s8] =	ssyncset.done $0x0  }
0x202: {  	s26 =	rddreg [dreg:$0x13];
	[sflag:s8] =	ssyncadd.s32 $0xFFFF8000  }
0x203: {  	[hbm4b:s26+s4] =	stream.strided.scatter [tilespmem:s2], [sflag:$0x5], $0x8000, s6, s4, $0x38;
	[tilespmem:$0x1A800] =	vst v63  }
0x204: {  	_ =	swait.ge [sflag:s7], $0x8000  }
0x205: {  	[sflag:s7] =	ssyncset.done $0x0  }
0x206: {  	s28 =	simm.s32 $0x2600;
	[sflag:s7] =	ssyncadd.s32 $0xFFFF8000  }
0x207: {  	[tilespmem:s2], [sflag:$0x2] =	stream.indirect.gather [hbm4b:s3+s11], $0x40, s28, s11, $0xb8;
	[tilespmem:$0x1A800] =	vst v63  }
0x208: {  	_ =	swait.ge [sflag:s14], $0x8000  }
0x209: {  	[sflag:s14] =	ssyncset.done $0x0  }
0x20a: {  	s29 =	rddreg [dreg:$0x14];
	[sflag:s14] =	ssyncadd.s32 $0xFFFF8000  }
0x20b: {  	[hbm4b:s29+s4] =	stream.strided.scatter [tilespmem:s12], [sflag:$0x6], $0x8000, s6, s4, $0x38;
	[tilespmem:$0x1A800] =	vst v63  }
0x20c: {  	_ =	swait.ge [sflag:s13], $0x8000  }
0x20d: {  	[sflag:s13] =	ssyncset.done $0x0  }
0x20e: {  	[sflag:s13] =	ssyncadd.s32 $0xFFFF8000  }
0x20f: {  	_ =	swait.ge [sflag:s9], $0x8000  }
0x210: {  	[sflag:s9] =	ssyncset.done $0x0  }
0x211: {  	s30 =	rddreg [dreg:$0x15];
	[sflag:s9] =	ssyncadd.s32 $0xFFFF8000  }
0x212: {  	[hbm4b:s30+s4] =	stream.strided.scatter [tilespmem:s5], [sflag:$0x4], $0x8000, s6, s4, $0x38;
	[tilespmem:$0x1A800] =	vst v63  }
0x213: {  	_ =	swait.ge [sflag:s10], $0x8000  }
0x214: {  	[sflag:s10] =	ssyncset.done $0x0  }
0x215: {  	[sflag:s10] =	ssyncadd.s32 $0xFFFF8000  }
0x216: {  	_ =	swait.ge [sflag:s8], $0x8000  }
0x217: {  	[sflag:s8] =	ssyncset.done $0x0  }
0x218: {  	s31 =	rddreg [dreg:$0x16];
	[sflag:s8] =	ssyncadd.s32 $0xFFFF8000  }
0x219: {  	[hbm4b:s31+s4] =	stream.strided.scatter [tilespmem:s2], [sflag:$0x5], $0x8000, s6, s4, $0x38;
	[tilespmem:$0x1A800] =	vst v63  }
0x21a: {  	_ =	swait.ge [sflag:s7], $0x8000  }
0x21b: {  	[sflag:s7] =	ssyncset.done $0x0  }
0x21c: {  	[sflag:s7] =	ssyncadd.s32 $0xFFFF8000  }
0x21d: {  	_ =	sfence.sel $0x180000  }
0x21e: {  	[bflag:$0x0] =	sbarrier.arrive $0xFFFF  }
0x21f: {  	_ =	strace $0x90000047  }
0x220: {  	[bflag:$0x2] =	sbarrier.arrive $0xFFFF  }
0x221: {  	p0 =	sne.s32 s15, $0x0;
	s0 =	rddreg [dreg:$0x2]  }
0x222: {  	s0 =	sadd.s32 @!p0 $0x100000, s0  }
0x223: {  	[sflag:s0] =	ssyncadd.tile.s32 @!p0 $0x1;
	_ =	shalt  }
.LBB2_1:
.Ltmp3:
0x224: {  	(pc) =	sbr.rel .LBB2_6-.Ltmp3, $4  }
0x225: {  	s16 =	simm.s32 $0xE00;
	s30 =	simm.s32 $0x1000;
	s29 =	simm.s32 $0x1200  }
0x226: {  	s28 =	simm.s32 $0x1400;
	s26 =	simm.s32 $0x1600;
	s23 =	simm.s32 $0x1800  }
0x227: {  	s22 =	simm.s32 $0x1A00;
	s21 =	simm.s32 $0x1C00;
	s20 =	simm.s32 $0x1E00  }
0x228: {  	s19 =	simm.s32 $0x2000;
	s18 =	simm.s32 $0x2200;
	s17 =	simm.s32 $0x2400  }
.LBB2_3:
.Ltmp4:
0x229: {  	s16 =	simm.s32 $0xE00;
	(pc) =	sbr.rel .LBB2_6-.Ltmp4, $4  }
0x22a: {  	s30 =	simm.s32 $0x1000;
	s29 =	simm.s32 $0x1200;
	s28 =	simm.s32 $0x1400  }
0x22b: {  	s26 =	simm.s32 $0x1600;
	s23 =	simm.s32 $0x1800;
	s22 =	simm.s32 $0x1A00  }
0x22c: {  	s21 =	simm.s32 $0x1C00;
	s20 =	simm.s32 $0x1E00;
	s19 =	simm.s32 $0x2000  }
0x22d: {  	s18 =	simm.s32 $0x2200;
	s17 =	simm.s32 $0x2400;
	s15 =	stileid.u32  }
.Lfunc_end2:
_tile_overlayer_lowered:
.L_overlay_start_2:
0x22e: {  	(tag) =	ssettag $0x2  }
0x22f: {  	s0 =	rddreg [dreg:$0x0];
	s2 =	stileid.u32  }
0x230: {  	s1 =	rddreg [dreg:$0x1];
	p0 =	sne.s32 s2, $0x0  }
0x231: {  	s3 =	rddreg [dreg:$0x2];
	[bflag:$0x3] =	sbarrier.arrive $0xFFFF;
	s2 =	simm.s32 @!p0 $0x1C07  }
0x232: {  	[timem:s3], [sflag:s2] =	dma.local @!p0 [hbm:s0], s1  }
0x233: {  	s0 =	simm.s32 @!p0 $0x7  }
0x234: {  	_ =	swait.ge @!p0 [sflag:s0], s1  }
0x235: {  	s1 =	ssub.s32 @!p0 $0x0, s1;
	[sflag:s0] =	ssyncset.done @!p0 $0x0  }
0x236: {  	[sflag:s0] =	ssyncadd.s32 @!p0 s1  }
0x237: {  	[bflag:$0x3] =	sbarrier.arrive $0xFFFF  }
0x238: {  	_ =	shalt  }

// kernel: sparse-core-data-format-call.cloned.1.call-start
scs
called_computation_lowered:
.L_overlay_start_0:
0x0: {  	s2 =	sld [smem:$0x3FD9]  }
0x1: {  	s3 =	sld [smem:$0x3FFE];
	_ =	sdelay $0x1  }
0x2: {  	s1 =	srdreg.scid  }
0x3: {  	s0 =	sand.u32 $0x1, s1  }
0x4: {  	s18 =	sshll.u32 s0, $0xA;
	s2 =	sadd.s32 s3, s2  }
0x5: {  	s2 =	sadd.s32 s2, s18  }
0x6: {  	[smem:$0x3FC6] =	sst s2  }
0x7: {  	_ = 	snop  }
0x8: {  	s2 =	sld [smem:$0x3FD0];
	(tm) =	ssettm $0x1  }
0x9: {  	s19 =	sld [smem:$0x3FFB];
	_ =	sdelay $0x3  }
0xa: {  	_ =	strace s19  }
0xb: {  	s3 =	sld [smem:$0x3FFC];
	_ =	sdelay $0x3  }
0xc: {  	_ =	strace s3  }
0xd: {  	s3 =	sld [smem:$0x3FFD];
	_ =	sdelay $0x3  }
0xe: {  	_ =	strace s3  }
0xf: {  	_ =	strace $0x8FFFFFFF  }
0x10: {  	s20 =	sld [smem:$0x3FDB];
	_ =	sdelay $0x1  }
0x11: {  	s4 =	simm.s32 $_scs_section_size  }
0x12: {  	s5 =	simm.s32 $_size__tile_overlayer_lowered;
	s6 =	simm.s32 $_tile_overlayer_lowered  }
0x13: {  	s23 =	simm.s32 $0x1BFF;
	s22 =	sshll.u32 s6, $0x1;
	s3 =	sadd.s32 s4, s20  }
0x14: {  	s7 =	simm.s32 $0x0;
	s21 =	sshll.u32 s5, $0x1;
	s5 =	sadd.s32 s22, s3  }
0x15: {  	[timem:s7], [sflag:s23] =	dma.local [hbm:s5], s21  }
0x16: {  	_ =	swait.ge [sflag:s23], s21  }
0x17: {  	s4 =	ssub.s32 $0x0, s21;
	[sflag:s23] =	ssyncset.done $0x0  }
0x18: {  	[sflag:s23] =	ssyncadd.s32 s4;
	_ =	sdelay $0x1  }
0x19: {  	s24 =	simm.s32 $0x1B8B  }
0x1a: {  	_ =	swait.ge [sflag:s24], $0x1  }
0x1b: {  	[sflag:s24] =	ssyncset.done $0x0  }
0x1c: {  	s26 =	simm.s32 $0x1B8E;
	s25 =	sld [smem:$0x3FFE];
	[sflag:s24] =	ssyncadd.s32 $0xFFFFFFFF  }
0x1d: {  	s27 =	simm.s32 $execute0_lowered;
	[smem:$0x3FD2] =	sst s26  }
0x1e: {  	s5 =	sshll.u32 s27, $0x1;
	_ =	strace $0x80000049;
	[dreg:$0x1] =	wrdreg $0xFFFFFFFF  }
0x1f: {  	s28 =	simm.s32 $_size_execute0_lowered;
	s3 =	sadd.s32 s3, s5;
	[dreg:$0x0] =	wrdreg $0x0  }
0x20: {  	s5 =	sshll.u32 s28, $0x1;
	[dreg:$0x2] =	wrdreg s3  }
0x21: {  	[dreg:$0x3] =	wrdreg s5  }
0x22: {  	[dreg:$0x4] =	wrdreg $0xC0  }
0x23: {  	_ =	task [dreg:s7], $0x5FFFF  }
0x24: {  	[dreg:$0x1] =	wrdreg $0xFFFFFFFF  }
0x25: {  	[dreg:$0x0] =	wrdreg $0x60  }
0x26: {  	[dreg:$0x2] =	wrdreg s25  }
0x27: {  	[dreg:$0x3] =	wrdreg s2  }
0x28: {  	[dreg:$0x4] =	wrdreg $0x9  }
0x29: {  	_ =	task.clear_ibuf [dreg:s7], $0x5FFFF;
	_ =	strace $0x90000049  }
0x2a: {  	s29 =	simm.s32 $0x9;
	_ =	strace $0x8000004B  }
0x2b: {  	_ =	swait.ge [sflag:s29], $0x1  }
0x2c: {  	[sflag:s29] =	ssyncadd.s32 $0xFFFFFFFF  }
0x2d: {  	_ =	strace $0x9000004B  }
0x2e: {  	_ =	sfence  }
0x2f: {  	s30 =	sld [smem:$0x0];
	_ =	sdelay $0x2  }
0x30: {  	s31 =	sshll.u32 s1, $0xD;
	s1 =	sshrl.u32 s1, $0x2  }
0x31: {  	s3 =	sand.u32 $0x4000, s31;
	s1 =	sadd.s32 s1, s30  }
0x32: {  	s0 =	sor.u32 s3, s0;
	s1 =	sshll.u32 s1, $0x11  }
0x33: {  	s0 =	sor.u32 s1, s0  }
0x34: {  	s0 =	sadd.s32 $0x8F2B, s0  }
0x35: {  	[sflag:s0] =	ssyncadd.remote.s32 $0x1  }
0x36: {  	_ =	sfence.sel $0xFFFF  }
0x37: {  	[dreg:$0x0] =	wrdreg $0xFFFFFFFF;
	(pc) =	sbr.abs _section_cstart, $3  }
0x38: {  	[dreg:$0x1] =	wrdreg $0xFFFFFFFF  }
0x39: {  	_ =	task.clear_ibuf [dreg:s7], $0x2FFFF;
	_ =	strace $0x9FFFFFFF  }
0x3a: {  	(tm) =	ssettm $0x7FFFFFFF  }
0x3b: {  	_ =	shalt  }
tec
execute0_lowered:
.L_overlay_start_1:
0x0: {  	(tag) =	ssettag $0x1  }
0x1: {  	s0 =	srdreg.scid  }
0x2: {  	s1 =	sshll.u32 s0, $0x4  }
0x3: {  	s0 =	stileid.u32;
	s1 =	sand.u32 $0x10, s1  }
0x4: {  	s1 =	sor.u32 s0, s1  }
0x5: {  	s6 =	rddreg [dreg:$0x0];
	s4 =	simm.s32 $0x1;
	s2 =	sshll.u32 s1, $0x7  }
0x6: {  	s7 =	simm.s32 $0x2;
	s12 =	simm.s32 $0x0;
	s1 =	ssub.s32 $0x4000, s2  }
0x7: {  	s8 =	simm.s32 $0x20000;
	s13 =	simm.s32 $0x0;
	s3 =	sand.u32 $0xF80, s1  }
0x8: {  	s9 =	simm.s32 $0x0;
	s5 =	sshrl.u32 s1, $0xC;
	p0 =	sne.s32 s3, $0x0  }
.Ltmp0:
0x9: {  	s1 =	rddreg [dreg:$0x2];
	s4 =	simm.s32 @!p0 $0x0;
	(pc) =	sbr.rel .LBB1_1-.Ltmp0, $4  }
0xa: {  	s11 =	simm.s32 $0x0;
	s3 =	rddreg [dreg:$0x1];
	s5 =	sadd.s32 s4, s5  }
0xb: {  	_ =	strace $0x8000004A;
	s4 =	simm.s32 $0x1;
	s5 =	smul.u32 $0x14, s5  }
0xc: {  	s6 =	sadd.s32 $0xA00, s6;
	s10 =	smov.u32 s2;
	[sflag:s4] =	ssyncpa.u1 $0x0  }
0xd: {  	p0 =	por $0x0, $0x0;
	[sflag:s7] =	ssyncpa.u1 $0x0;
	s7 =	sor.u32 $0x1, s5  }
.LBB1_4:
0xe: {  	s16 =	sshll.u32 s13, $0x3;
	s17 =	sand.u32 $0x78, s13  }
0xf: {  	s30 =	sand.u32 $0x1F800, s13;
	s12 =	sshll.u32 s12, $0x11;
	s16 =	sand.u32 $0x3C00, s16  }
0x10: {  	[tilespmem:s15+$0x810 ss:$0x81] =	vst.msk $0xffff, v2;
	s31 =	sand.u32 $0x7, s13;
	s16 =	sor.u32 s17, s16;
	s17 =	sadd.s32 s3, s30  }
0x11: {  	[tilespmem:s15+$0x1020 ss:$0x81] =	vst.msk $0xffff, v0;
	s13 =	sshll.u32 s31, $0x12;
	s12 =	sadd.s32 s12, s17;
	s16 =	sshrl.u32 s16, $0x3  }
0x12: {  	[tilespmem:s15+$0x0 ss:$0x81] =	vst.msk $0xffff, v1;
	s13 =	sor.u32 $0x400, s13;
	s12 =	sadd.s32 s16, s12  }
0x13: {  	[hbm4b:s12+s13] =	stream.strided.scatter [tilespmem:s14], [sflag:$0x2], $0x2000, s8, s13, $0x20;
	[tilespmem:$0x8080] =	vst v63  }
.LBB1_5:
0x14: {  	s14 =	sadd.s32 $0x1, s9  }
0x15: {  	s12 =	sadd.s32 $0x1000, s10;
	s16 =	smov.u32 s10;
	p2 =	sgt.s32 s14, $0x13  }
0x16: {  	s16 =	smov.u32 @p2 s12  }
0x17: {  	s14 =	simm.s32 @p2 $0x0;
	p2 =	sgt.s32 s16, $0x3FFF  }
0x18: {  	s16 =	smov.u32 @p2 s2;
	p2 =	sne.s32 s11, s7  }
.Ltmp1:
0x19: {  	p1 =	slt.u32 s11, $0x2;
	(pc) =	sbr.rel @!p2 .LBB1_6-.Ltmp1, $4  }
0x1a: {  	s15 =	simm.s32 @!p1 $0x2  }
0x1b: {  	s13 =	smov.u32 s10;
	p0 =	por !p0, !p0;
	_ =	swait.ge @!p1 [sflag:s15], $0x2000  }
0x1c: {  	s12 =	smov.u32 s9;
	[sflag:s15] =	ssyncset.done @!p1 $0x0;
	s9 =	smov.u32 s14  }
0x1d: {  	s11 =	sadd.s32 $0x1, s11;
	[sflag:s15] =	ssyncadd.s32 @!p1 $0xFFFFE000;
	s10 =	smov.u32 s16  }
.LBB1_1:
0x1e: {  	p1 =	sge.u32 s11, s5  }
0x1f: {  	s14 =	sand.u32 @!p1 $0x1FFFFFF, s9  }
0x20: {  	s15 =	smulhi.u32 @!p1 $0xAAAAAAB, s14;
	_ =	sdelay $0x1  }
0x21: {  	s15 =	smul.u32 @!p1 $0x18, s15  }
0x22: {  	s16 =	sxor.u32 @!p1 $0xFFFFFFFF, s11;
	s17 =	smul.u32 @!p1 $0x180, s10  }
0x23: {  	s31 =	sadd.s32 $0xFFFFFFFF, s11;
	s16 =	sshll.u32 @!p1 s16, $0xD;
	s14 =	ssub.s32 @!p1 s14, s15  }
0x24: {  	s15 =	sand.u32 @!p1 $0x2000, s16;
	s16 =	sadd.s32 @!p1 s6, s17;
	s14 =	sshll.u32 @!p1 s14, $0x4  }
0x25: {  	s17 =	simm.s32 @!p1 $0xC00;
	s14 =	sadd.s32 @!p1 s14, s16;
	s16 =	simm.s32 @!p1 $0x40  }
0x26: {  	[tilespmem:s15], [sflag:$0x1] =	stream.strided.gather @!p1 [hbm4b:s14+s16], $0x2000, s17, s16, $0x38;
	[tilespmem:$0x8080] =	vst v63  }
0x27: {  	p1 =	sge.u32 s31, s5  }
.Ltmp2:
0x28: {  	_ = 	snop;
	(pc) =	sbr.rel @p1 .LBB1_5-.Ltmp2, $1  }
0x29: {  	_ =	sdelay $0x3  }
0x2a: {  	s14 =	simm.s32 $0x1  }
0x2b: {  	_ =	swait.ge [sflag:s4], $0x2000;
	s14 =	simm.s32 @!p0 $0x0  }
0x2c: {  	[sflag:s4] =	ssyncset.done $0x0;
	s15 =	sshll.u32 s14, $0xD  }
0x2d: {  	[sflag:s4] =	ssyncadd.s32 $0xFFFFE000;
	s18 =	sor.u32 $0x20, s15  }
0x2e: {  	s14 =	smul.u32 $0x8100, s14;
	v3 =	vld [tilespmem:s18+$0x10]  }
0x2f: {  	s30 =	sand.u32 $0x1, s11;
	v2 =	vld [tilespmem:s18+$0xFFFFFFF0]  }
0x30: {  	s15 =	smul.u32 $0x8100, s30;
	s14 =	sshrl.u32 s14, $0x2;
	v0 =	vld [tilespmem:s18+$0x0]  }
0x31: {  	v1 =	vld [tilespmem:s18+$0xFFFFFFE0];
	s16 =	sor.u32 $0x4000, s14  }
0x32: {  	s31 =	sshrl.u32 s15, $0x2;
	s15 =	sadd.s32 $0x0, s16  }
0x33: {  	s17 =	simm.s32 $0x4;
	s18 =	sadd.s32 $0x40, s18;
	s14 =	sor.u32 $0x4000, s31;
	[tilespmem:s15+$0x1830 ss:$0x81] =	vst.msk $0xffff, v3  }
.LBB1_3:
0x34: {  	v3 =	vld [tilespmem:s18+$0x10];
	p1 =	sne.s32 s17, $0x1FC;
	[tilespmem:s15+$0x810 ss:$0x81] =	vst.msk $0xffff, v2;
	s19 =	smov.u32 s17;
	s17 =	sadd.s32 $0x4, s17  }
.Ltmp3:
0x35: {  	v2 =	vld [tilespmem:s18+$0xFFFFFFF0];
	[tilespmem:s15+$0x1020 ss:$0x81] =	vst.msk $0xffff, v0;
	(pc) =	sbr.rel @p1 .LBB1_3-.Ltmp3, $4  }
0x36: {  	v0 =	vld [tilespmem:s18+$0x0];
	[tilespmem:s15+$0x0 ss:$0x81] =	vst.msk $0xffff, v1  }
0x37: {  	s15 =	sshra.s32 s19, $0x2;
	v1 =	vld [tilespmem:s18+$0xFFFFFFE0]  }
0x38: {  	s15 =	sadd.s32 s15, s16  }
0x39: {  	s18 =	sadd.s32 $0x40, s18;
	[tilespmem:s15+$0x1830 ss:$0x81] =	vst.msk $0xffff, v3  }
.Ltmp4:
0x3a: {  	_ = 	snop;
	(pc) =	sbr.rel .LBB1_4-.Ltmp4, $1  }
0x3b: {  	_ =	sdelay $0x3  }
.LBB1_6:
0x3c: {  	_ =	sfence.sel $0x180000  }
0x3d: {  	s2 =	simm.s32 $0x1;
	[bflag:$0x0] =	sbarrier.arrive $0xFFFF  }
0x3e: {  	s31 =	simm.s32 $0x2;
	[sflag:s2] =	ssyncpa.u1 $0x1  }
0x3f: {  	[sflag:s31] =	ssyncpa.u1 $0x1  }
0x40: {  	p0 =	sne.s32 s0, $0x0;
	_ =	strace $0x9000004A  }
0x41: {  	s0 =	sadd.s32 @!p0 $0x100000, s1;
	[bflag:$0x2] =	sbarrier.arrive $0xFFFF  }
0x42: {  	[sflag:s0] =	ssyncadd.tile.s32 @!p0 $0x1;
	_ =	shalt  }
.Lfunc_end1:
_tile_overlayer_lowered:
.L_overlay_start_2:
0x43: {  	(tag) =	ssettag $0x2  }
0x44: {  	s0 =	rddreg [dreg:$0x0];
	s2 =	stileid.u32  }
0x45: {  	s1 =	rddreg [dreg:$0x1];
	p0 =	sne.s32 s2, $0x0  }
0x46: {  	s3 =	rddreg [dreg:$0x2];
	[bflag:$0x3] =	sbarrier.arrive $0xFFFF;
	s2 =	simm.s32 @!p0 $0x1C01  }
0x47: {  	[timem:s3], [sflag:s2] =	dma.local @!p0 [hbm:s0], s1  }
0x48: {  	s0 =	simm.s32 @!p0 $0x1  }
0x49: {  	_ =	swait.ge @!p0 [sflag:s0], s1  }
0x4a: {  	s1 =	ssub.s32 @!p0 $0x0, s1;
	[sflag:s0] =	ssyncset.done @!p0 $0x0  }
0x4b: {  	[sflag:s0] =	ssyncadd.s32 @!p0 s1  }
0x4c: {  	[bflag:$0x3] =	sbarrier.arrive $0xFFFF  }
0x4d: {  	_ =	shalt  }

</sc_bundles>
